<compile_context>
chip_gen: v7x
topology: tpu7x:2x2x1
jax: 0.10.2.dev20260603
libtpu: 0.0.44.dev20260713+nightly
codegen_flags: <defaults>
</compile_context>

<pallas_src>
import functools

import jax
import jax.numpy as jnp
from jax import lax
from jax.experimental import pallas as pl
from jax.experimental.pallas import tpu as pltpu
from jax.experimental.pallas import tpu_sc as plsc

_N = 10000
_E = 320000
_F = 128
_C = 256
_G = 64

_NC = 2
_NS = 16
_K = 80

_RB = 400
_NRB = _N // _RB

_mesh = plsc.VectorSubcoreMesh(core_axis_name="c", subcore_axis_name="s")



@functools.partial(
    pl.kernel,
    out_type=jax.ShapeDtypeStruct((_NC, _N, 16), jnp.float32),
    mesh=_mesh,
    scratch_types=[
        pltpu.VMEM((_K, 16), jnp.float32),
        pltpu.VMEM((125, _K), jnp.int32),
        pltpu.VMEM_SHARED((10240, 16), jnp.float32),
    ],
    compiler_params=pltpu.CompilerParams(use_tc_tiling_on_sc=False),
)
def _sc_degree(dst_hbm, zeros_hbm, ones_hbm, degw_hbm, onesv, dstv, deg_sp):
    c = lax.axis_index("c")
    s = lax.axis_index("s")
    pltpu.sync_copy(zeros_hbm, deg_sp.at[pl.ds(s * 640, 640)])
    pltpu.sync_copy(ones_hbm, onesv)
    pltpu.sync_copy(dst_hbm.at[c, s], dstv)
    plsc.subcore_barrier()

    def body(j, carry):
        pltpu.sync_copy(onesv, deg_sp.at[dstv.at[j]], add=True)
        return carry

    lax.fori_loop(0, 125, body, 0)
    plsc.subcore_barrier()

    @pl.when(s == 0)
    def _():
        pltpu.sync_copy(deg_sp.at[pl.ds(0, _N)], degw_hbm.at[c])



_KS = 125
_NSL = 3
_NCH = _E // _NS // _KS


@functools.partial(
    pl.kernel,
    out_type=jax.ShapeDtypeStruct((_NC * _N, _F), jnp.float32),
    mesh=_mesh,
    scratch_types=[
        pltpu.VMEM((_NSL, _KS), jnp.int32),
        pltpu.VMEM((_NSL, 2, _KS), jnp.int32),
        pltpu.VMEM((_NSL, _KS, _F), jnp.float32),
        pltpu.VMEM_SHARED((_N, _F), jnp.float32),
        pltpu.SemaphoreType.DMA,
        pltpu.SemaphoreType.DMA,
        pltpu.SemaphoreType.DMA,
        pltpu.SemaphoreType.DMA,
        pltpu.SemaphoreType.DMA,
        pltpu.SemaphoreType.DMA,
        pltpu.SemaphoreType.DMA,
        pltpu.SemaphoreType.DMA,
    ],
    compiler_params=pltpu.CompilerParams(use_tc_tiling_on_sc=False),
)
def _sc_scatter(hp_hbm, src_hbm, dst_hbm, zrows_hbm, out_hbm,
                srcv, dstv, rows, acc_sp,
                gsem0, gsem1, gsem2, gsem3, ssem0, ssem1, ssem2, ssem3):
    c = lax.axis_index("c")
    s = lax.axis_index("s")
    gsem = (gsem0, gsem1, gsem2, gsem3)
    ssem = (ssem0, ssem1, ssem2, ssem3)
    rpt = _N // _NS
    for k in range(5):
        pltpu.async_copy(zrows_hbm, acc_sp.at[pl.ds(s * rpt + k * 125, 125)],
                         ssem0)

    def src_start(j, h):
        pltpu.async_copy(src_hbm.at[c, s, j], srcv.at[h], gsem[h])

    def src_wait(j, h):
        pltpu.make_async_copy(src_hbm.at[c, s, j], srcv.at[h],
                              gsem[h]).wait()

    def dst_start(j, h, p):
        pltpu.async_copy(dst_hbm.at[s, j], dstv.at[h, p], gsem[h])

    def dst_wait(j, h, p):
        pltpu.make_async_copy(dst_hbm.at[s, j], dstv.at[h, p],
                              gsem[h]).wait()

    def g_start(h):
        pltpu.async_copy(hp_hbm.at[srcv.at[h]], rows.at[h], gsem[h])

    def g_wait(h):
        pltpu.make_async_copy(hp_hbm.at[srcv.at[h]], rows.at[h],
                              gsem[h]).wait()

    def s_start(h, p):
        pltpu.async_copy(rows.at[h], acc_sp.at[dstv.at[h, p]], ssem[h],
                         add=True)

    def s_wait(h, p):
        pltpu.make_async_copy(rows.at[h], acc_sp.at[dstv.at[h, p]],
                              ssem[h]).wait()

    for k in range(5):
        pltpu.make_async_copy(zrows_hbm,
                              acc_sp.at[pl.ds(s * rpt + k * 125, 125)],
                              ssem0).wait()
    plsc.subcore_barrier()

    for h in range(_NSL):
        src_start(h, h)
        dst_start(h, h, 0)
        src_wait(h, h)
        dst_wait(h, h, 0)
        g_start(h)

    def outer(t, carry):
        p = lax.rem(t, 2)
        pn = 1 - p
        for h in range(_NSL):
            j = t * _NSL + h

            @pl.when(j < _NCH)
            def _():
                g_wait(h)

                @pl.when(j + _NSL < _NCH)
                def _():
                    src_start(j + _NSL, h)
                    dst_start(j + _NSL, h, pn)

                s_start(h, p)
                s_wait(h, p)

                @pl.when(j + _NSL < _NCH)
                def _():
                    src_wait(j + _NSL, h)
                    dst_wait(j + _NSL, h, pn)
                    g_start(h)

        return carry

    lax.fori_loop(0, (_NCH + _NSL - 1) // _NSL, outer, 0)
    plsc.subcore_barrier()
    pltpu.sync_copy(acc_sp.at[pl.ds(s * rpt, rpt)],
                    out_hbm.at[pl.ds(c * _N + s * rpt, rpt)])



def _tca1_body(x_ref, w_ref, b_ref, h_ref, starts_ref):
    i = pl.program_id(0)
    h_ref[...] = jnp.dot(x_ref[...], w_ref[...],
                         preferred_element_type=jnp.float32)

    @pl.when(i == 0)
    def _():
        starts_ref[...] = jnp.zeros_like(starts_ref)

    b = b_ref[...]
    g = lax.broadcasted_iota(jnp.int32, (1, 128), 1)
    starts_ref[...] += jnp.sum((b < g).astype(jnp.int32), axis=0,
                               keepdims=True)


def _tca1(x, w1, batch2d):
    return pl.pallas_call(
        _tca1_body,
        grid=(_NRB,),
        in_specs=[
            pl.BlockSpec((_RB, _F), lambda i: (i, 0)),
            pl.BlockSpec((_F, _C), lambda i: (0, 0)),
            pl.BlockSpec((_RB, 1), lambda i: (i, 0)),
        ],
        out_specs=[
            pl.BlockSpec((_RB, _C), lambda i: (i, 0)),
            pl.BlockSpec((1, 128), lambda i: (0, 0)),
        ],
        out_shape=[
            jax.ShapeDtypeStruct((_N, _C), jnp.float32),
            jax.ShapeDtypeStruct((1, 128), jnp.int32),
        ],
    )(x, w1, batch2d)



def _tca2_body(h_ref, deg_ref, hp_ref, dinv_ref):
    deg = deg_ref[0, :, 0:1] + deg_ref[1, :, 0:1] + 1.0
    dinv = lax.rsqrt(deg)
    h = h_ref[...]
    hp = h * dinv
    hp_ref[0] = hp[:, :_F]
    hp_ref[1] = hp[:, _F:]
    dinv_ref[...] = dinv


def _tca2(h, degw):
    return pl.pallas_call(
        _tca2_body,
        grid=(_NRB,),
        in_specs=[
            pl.BlockSpec((_RB, _C), lambda i: (i, 0)),
            pl.BlockSpec((_NC, _RB, 16), lambda i: (0, i, 0)),
        ],
        out_specs=[
            pl.BlockSpec((_NC, _RB, _F), lambda i: (0, i, 0)),
            pl.BlockSpec((_RB, 1), lambda i: (i, 0)),
        ],
        out_shape=[
            jax.ShapeDtypeStruct((_NC, _N, _F), jnp.float32),
            jax.ShapeDtypeStruct((_N, 1), jnp.float32),
        ],
    )(h, degw)



def _tcb_body(s_ref, hp_ref, dinv_ref, b1_ref, gamma_ref, beta_ref, w2_ref,
              x1b_ref, hp2_ref, x1pre_s, psum_s, psumsq_s):
    p = pl.program_id(0)
    i = pl.program_id(1)

    @pl.when(p == 0)
    def _():
        s = jnp.concatenate([s_ref[0], s_ref[1]], axis=1)
        hp = jnp.concatenate([hp_ref[0], hp_ref[1]], axis=1)
        x1 = dinv_ref[...] * (s + hp) + b1_ref[...]
        x1pre_s[pl.ds(i * _RB, _RB), :] = x1

        @pl.when(i == 0)
        def _():
            psum_s[...] = jnp.zeros_like(psum_s)
            psumsq_s[...] = jnp.zeros_like(psumsq_s)

        psum_s[...] += jnp.sum(x1, axis=0, keepdims=True)
        psumsq_s[...] += jnp.sum(x1 * x1, axis=0, keepdims=True)

    @pl.when(p == 1)
    def _():
        inv_n = 1.0 / _N
        mean = psum_s[...] * inv_n
        var = psumsq_s[...] * inv_n - mean * mean
        x1pre = x1pre_s[pl.ds(i * _RB, _RB), :]
        x1n = ((x1pre - mean) * lax.rsqrt(var + 1e-5)
               * gamma_ref[...] + beta_ref[...])
        x1r = jnp.maximum(x1n, 0.0)
        x1b_ref[...] = x1r
        h2 = jnp.dot(x1r, w2_ref[...], preferred_element_type=jnp.float32)
        hp2 = h2 * dinv_ref[...]
        hp2_ref[0] = hp2[:, :_F]
        hp2_ref[1] = hp2[:, _F:]


def _tcb(s1r, hp1r, dinv, b1r, gammar, betar, w2):
    return pl.pallas_call(
        _tcb_body,
        grid=(2, _NRB),
        in_specs=[
            pl.BlockSpec((_NC, _RB, _F), lambda p, i: (0, i * (1 - p), 0)),
            pl.BlockSpec((_NC, _RB, _F), lambda p, i: (0, i * (1 - p), 0)),
            pl.BlockSpec((_RB, 1), lambda p, i: (i, 0)),
            pl.BlockSpec((1, _C), lambda p, i: (0, 0)),
            pl.BlockSpec((1, _C), lambda p, i: (0, 0)),
            pl.BlockSpec((1, _C), lambda p, i: (0, 0)),
            pl.BlockSpec((_C, _C), lambda p, i: (0, 0)),
        ],
        out_specs=[
            pl.BlockSpec((_RB, _C), lambda p, i: (i * p, 0)),
            pl.BlockSpec((_NC, _RB, _F), lambda p, i: (0, i * p, 0)),
        ],
        out_shape=[
            jax.ShapeDtypeStruct((_N, _C), jnp.float32),
            jax.ShapeDtypeStruct((_NC, _N, _F), jnp.float32),
        ],
        scratch_shapes=[
            pltpu.VMEM((_N, _C), jnp.float32),
            pltpu.VMEM((1, _C), jnp.float32),
            pltpu.VMEM((1, _C), jnp.float32),
        ],
    )(s1r, hp1r, dinv, b1r, gammar, betar, w2)



def _tcd_body(starts_ref, x1_ref, x2_ref, o_ref):
    g = pl.program_id(0)
    s = starts_ref[g]
    e = starts_ref[g + 1]
    k0 = lax.div(s, 8)
    k1 = lax.div(e + 7, 8)
    neg = jnp.float32(-jnp.inf)

    def body(k, carry):
        sm1, sm2, mx1, mx2 = carry
        r0 = k * 8
        rid = r0 + lax.broadcasted_iota(jnp.int32, (8, _C), 0)
        m = (rid >= s) & (rid < e)
        a1 = x1_ref[pl.ds(r0, 8), :]
        a2 = x2_ref[pl.ds(r0, 8), :]
        sm1 = sm1 + jnp.where(m, a1, 0.0)
        sm2 = sm2 + jnp.where(m, a2, 0.0)
        mx1 = jnp.maximum(mx1, jnp.where(m, a1, neg))
        mx2 = jnp.maximum(mx2, jnp.where(m, a2, neg))
        return sm1, sm2, mx1, mx2

    z = jnp.zeros((8, _C), jnp.float32)
    nf = jnp.full((8, _C), neg, jnp.float32)
    sm1, sm2, mx1, mx2 = lax.fori_loop(k0, k1, body, (z, z, nf, nf))
    cnt = jnp.maximum((e - s).astype(jnp.float32), 1.0)
    mean1 = jnp.sum(sm1, axis=0, keepdims=True) / cnt
    mean2 = jnp.sum(sm2, axis=0, keepdims=True) / cnt
    mxr1 = jnp.max(mx1, axis=0, keepdims=True)
    mxr2 = jnp.max(mx2, axis=0, keepdims=True)
    o_ref[0] = jnp.concatenate([mean1, mean2, mxr1, mxr2], axis=1)


def _tcd(starts, x1b, x2):
    grid_spec = pltpu.PrefetchScalarGridSpec(
        num_scalar_prefetch=1,
        grid=(_G,),
        in_specs=[
            pl.BlockSpec((_N, _C), lambda g, sref: (0, 0)),
            pl.BlockSpec((_N, _C), lambda g, sref: (0, 0)),
        ],
        out_specs=pl.BlockSpec((1, 1, 4 * _C), lambda g, sref: (g, 0, 0)),
    )
    return pl.pallas_call(
        _tcd_body,
        grid_spec=grid_spec,
        out_shape=jax.ShapeDtypeStruct((_G, 1, 4 * _C), jnp.float32),
    )(starts, x1b, x2).reshape(_G, 4 * _C)



def _tcc_body(s_ref, hp_ref, dinv_ref, b2_ref, x2_ref):
    s = jnp.concatenate([s_ref[0], s_ref[1]], axis=1)
    hp = jnp.concatenate([hp_ref[0], hp_ref[1]], axis=1)
    x2_ref[...] = jnp.maximum(dinv_ref[...] * (s + hp) + b2_ref[...], 0.0)


def _tcc(s2r, hp2r, dinv, b2r):
    return pl.pallas_call(
        _tcc_body,
        grid=(_NRB,),
        in_specs=[
            pl.BlockSpec((_NC, _RB, _F), lambda i: (0, i, 0)),
            pl.BlockSpec((_NC, _RB, _F), lambda i: (0, i, 0)),
            pl.BlockSpec((_RB, 1), lambda i: (i, 0)),
            pl.BlockSpec((1, _C), lambda i: (0, 0)),
        ],
        out_specs=pl.BlockSpec((_RB, _C), lambda i: (i, 0)),
        out_shape=jax.ShapeDtypeStruct((_N, _C), jnp.float32),
    )(s2r, hp2r, dinv, b2r)



def kernel(x, edge_index, batch, W1, b1, gamma, beta, W2, b2):
    x = x.astype(jnp.float32)
    src = edge_index[0]
    dst = edge_index[1]

    dst_deg = dst.reshape(_NC, _NS, 125, _K)
    srcr = src.reshape(_NS, _NCH, _KS)
    src_st = jnp.stack([srcr, srcr + _N])
    dst_st = dst.reshape(_NS, _NCH, _KS)

    zeros16 = jnp.zeros((640, 16), jnp.float32)
    ones16 = jnp.ones((_K, 16), jnp.float32)
    zrows = jnp.zeros((125, _F), jnp.float32)

    degw = _sc_degree(dst_deg, zeros16, ones16)

    batch2d = batch.reshape(_N, 1)
    h1, starts = _tca1(x, W1, batch2d)
    hp1r, dinv = _tca2(h1, degw)
    hp1 = hp1r.reshape(_NC * _N, _F)

    s1 = _sc_scatter(hp1, src_st, dst_st, zrows)

    s1r = s1.reshape(_NC, _N, _F)
    x1b, hp2r = _tcb(s1r, hp1r, dinv, b1.reshape(1, _C),
                     gamma.reshape(1, _C), beta.reshape(1, _C), W2)

    s2 = _sc_scatter(hp2r.reshape(_NC * _N, _F), src_st, dst_st, zrows)

    x2 = _tcc(s2.reshape(_NC, _N, _F), hp2r, dinv, b2.reshape(1, _C))

    return _tcd(starts.reshape(128), x1b, x2)

# --- scband reference (transcript-rebuilt; emitter-appended) ---
"""Pipeline reference for scband-gcn-module-15908558864471 (READ-ONLY COPY).

The authoritative reference and input builder live on the scoring server;
editing this copy changes nothing except your own understanding.
"""

import jax, jax.numpy as jnp
import numpy as np

N = 10000
E = 320000
F_IN = 128
C1 = 256
C2 = 256
G = 64


def setup_inputs(seed: int = 0) -> dict:
    key = jax.random.key(seed)
    ks = jax.random.split(key, 10)
    x = jax.random.normal(ks[0], (N, F_IN), dtype=jnp.float32)
    edge_index = jax.random.randint(ks[1], (2, E), 0, N, dtype=jnp.int32)
    batch = jnp.sort(jax.random.randint(ks[2], (N,), 0, G, dtype=jnp.int32))
    s1 = 1.0 / np.sqrt(F_IN)
    s2 = 1.0 / np.sqrt(C1)
    W1 = jax.random.uniform(ks[3], (F_IN, C1), dtype=jnp.float32, minval=-s1, maxval=s1)
    b1 = jnp.zeros((C1,), dtype=jnp.float32)
    gamma = jnp.ones((C1,), dtype=jnp.float32)
    beta = jnp.zeros((C1,), dtype=jnp.float32)
    W2 = jax.random.uniform(ks[4], (C1, C2), dtype=jnp.float32, minval=-s2, maxval=s2)
    b2 = jnp.zeros((C2,), dtype=jnp.float32)
    return {"x": x, "edge_index": edge_index, "batch": batch,
            "W1": W1, "b1": b1, "gamma": gamma, "beta": beta,
            "W2": W2, "b2": b2}


def _gcn_conv(x, edge_index, W, b):
    # GCNConv: out = D^{-1/2} (A + I) D^{-1/2} (x W) + b, with self-loops
    src = edge_index[0]
    dst = edge_index[1]
    loop = jnp.arange(N, dtype=edge_index.dtype)
    src = jnp.concatenate([src, loop])
    dst = jnp.concatenate([dst, loop])
    deg = jax.ops.segment_sum(jnp.ones_like(dst, dtype=x.dtype), dst, num_segments=N)
    dinv = jax.lax.rsqrt(jnp.maximum(deg, 1.0))
    norm = dinv[src] * dinv[dst]
    h = x @ W
    msg = jnp.take(h, src, axis=0) * norm[:, None]
    out = jax.ops.segment_sum(msg, dst, num_segments=N)
    return out + b


def reference(x, edge_index, batch, W1, b1, gamma, beta, W2, b2):
    x = x.astype(jnp.float32)
    x1 = _gcn_conv(x, edge_index, W1, b1)
    # BatchNorm1d (training-mode batch statistics)
    mean = jnp.mean(x1, axis=0)
    var = jnp.var(x1, axis=0)
    x1 = (x1 - mean) * jax.lax.rsqrt(var + 1e-5) * gamma + beta
    x1 = jax.nn.relu(x1)
    x2 = _gcn_conv(x1, edge_index, W2, b2)
    x2 = jax.nn.relu(x2)
    xc = jnp.concatenate([x1, x2], axis=1)
    cnt = jax.ops.segment_sum(jnp.ones((N,), dtype=xc.dtype), batch, num_segments=G)
    x_mean = jax.ops.segment_sum(xc, batch, num_segments=G) / jnp.maximum(cnt, 1.0)[:, None]
    x_max = jax.ops.segment_max(xc, batch, num_segments=G)
    return jnp.concatenate([x_mean, x_max], axis=1)

if __name__ == "__main__":
    import jax
    _d = setup_inputs()
    print(jax.jit(kernel)(*tuple(_d.values())))

</pallas_src>

<mosaic_0001>
#map = affine_map<(d0, d1) -> (0, 0)>
#map1 = affine_map<(d0, d1) -> (0, 0, 0, 0)>
#map2 = affine_map<(d0, d1) -> (0, 0, 0)>
module attributes {stable_mosaic.version = 14 : i64} {
  func.func @_sc_scatter(%arg0: i32, %arg1: i32, %arg2: memref<20000x128xf32, #tpu.memory_space<hbm>>, %arg3: memref<2x16x160x125xi32, #tpu.memory_space<hbm>>, %arg4: memref<16x160x125xi32, #tpu.memory_space<hbm>>, %arg5: memref<125x128xf32, #tpu.memory_space<hbm>>, %arg6: memref<20000x128xf32, #tpu.memory_space<hbm>>, %arg7: memref<3x125xi32, #tpu.memory_space<vmem>>, %arg8: memref<3x2x125xi32, #tpu.memory_space<vmem>>, %arg9: memref<3x125x128xf32, #tpu.memory_space<vmem>>, %arg10: memref<10000x128xf32, #tpu.memory_space<vmem_shared>>, %arg11: memref<!tpu.dma_semaphore, #tpu.memory_space<semaphore_mem>>, %arg12: memref<!tpu.dma_semaphore, #tpu.memory_space<semaphore_mem>>, %arg13: memref<!tpu.dma_semaphore, #tpu.memory_space<semaphore_mem>>, %arg14: memref<!tpu.dma_semaphore, #tpu.memory_space<semaphore_mem>>, %arg15: memref<!tpu.dma_semaphore, #tpu.memory_space<semaphore_mem>>, %arg16: memref<!tpu.dma_semaphore, #tpu.memory_space<semaphore_mem>>, %arg17: memref<!tpu.dma_semaphore, #tpu.memory_space<semaphore_mem>>, %arg18: memref<!tpu.dma_semaphore, #tpu.memory_space<semaphore_mem>>) attributes {dimension_semantics = [#tpu.dimension_semantics<core_parallel>, #tpu.dimension_semantics<subcore_parallel>], iteration_bounds = array<i64: 2, 16>, scalar_prefetch = 0 : i64, scratch_operands = 12 : i64, tpu.core_type = #tpu.core_type<sc_vector_subcore>, window_params = [{transform_indices = #map}, {transform_indices = #map1}, {transform_indices = #map2}, {transform_indices = #map}, {transform_indices = #map}]} {
    %mul3A = arith.constant 625 : i32
    %mul3A_0 = arith.muli %arg1, %mul3A : i32
    %add3A = arith.constant 0 : i32
    %add3A_1 = arith.addi %mul3A_0, %add3A : i32
    %dma_start3A = arith.constant 0 : i32
    %dma_start3A_2 = tpu.memref_slice %arg10[%add3A_1, %dma_start3A] : memref<10000x128xf32, #tpu.memory_space<vmem_shared>> -> memref<125x128xf32, #tpu.memory_space<vmem_shared>>
    tpu.enqueue_dma source(%arg5 : memref<125x128xf32, #tpu.memory_space<hbm>>) target(%dma_start3A_2 : memref<125x128xf32, #tpu.memory_space<vmem_shared>>) target_semaphore(%arg15 : memref<!tpu.dma_semaphore, #tpu.memory_space<semaphore_mem>>)
    %mul3A_3 = arith.constant 625 : i32
    %mul3A_4 = arith.muli %arg1, %mul3A_3 : i32
    %add3A_5 = arith.constant 125 : i32
    %add3A_6 = arith.addi %mul3A_4, %add3A_5 : i32
    %dma_start3A_7 = arith.constant 0 : i32
    %dma_start3A_8 = tpu.memref_slice %arg10[%add3A_6, %dma_start3A_7] : memref<10000x128xf32, #tpu.memory_space<vmem_shared>> -> memref<125x128xf32, #tpu.memory_space<vmem_shared>>
    tpu.enqueue_dma source(%arg5 : memref<125x128xf32, #tpu.memory_space<hbm>>) target(%dma_start3A_8 : memref<125x128xf32, #tpu.memory_space<vmem_shared>>) target_semaphore(%arg15 : memref<!tpu.dma_semaphore, #tpu.memory_space<semaphore_mem>>)
    %mul3A_9 = arith.constant 625 : i32
    %mul3A_10 = arith.muli %arg1, %mul3A_9 : i32
    %add3A_11 = arith.constant 250 : i32
    %add3A_12 = arith.addi %mul3A_10, %add3A_11 : i32
    %dma_start3A_13 = arith.constant 0 : i32
    %dma_start3A_14 = tpu.memref_slice %arg10[%add3A_12, %dma_start3A_13] : memref<10000x128xf32, #tpu.memory_space<vmem_shared>> -> memref<125x128xf32, #tpu.memory_space<vmem_shared>>
    tpu.enqueue_dma source(%arg5 : memref<125x128xf32, #tpu.memory_space<hbm>>) target(%dma_start3A_14 : memref<125x128xf32, #tpu.memory_space<vmem_shared>>) target_semaphore(%arg15 : memref<!tpu.dma_semaphore, #tpu.memory_space<semaphore_mem>>)
    %mul3A_15 = arith.constant 625 : i32
    %mul3A_16 = arith.muli %arg1, %mul3A_15 : i32
    %add3A_17 = arith.constant 375 : i32
    %add3A_18 = arith.addi %mul3A_16, %add3A_17 : i32
    %dma_start3A_19 = arith.constant 0 : i32
    %dma_start3A_20 = tpu.memref_slice %arg10[%add3A_18, %dma_start3A_19] : memref<10000x128xf32, #tpu.memory_space<vmem_shared>> -> memref<125x128xf32, #tpu.memory_space<vmem_shared>>
    tpu.enqueue_dma source(%arg5 : memref<125x128xf32, #tpu.memory_space<hbm>>) target(%dma_start3A_20 : memref<125x128xf32, #tpu.memory_space<vmem_shared>>) target_semaphore(%arg15 : memref<!tpu.dma_semaphore, #tpu.memory_space<semaphore_mem>>)
    %mul3A_21 = arith.constant 625 : i32
    %mul3A_22 = arith.muli %arg1, %mul3A_21 : i32
    %add3A_23 = arith.constant 500 : i32
    %add3A_24 = arith.addi %mul3A_22, %add3A_23 : i32
    %dma_start3A_25 = arith.constant 0 : i32
    %dma_start3A_26 = tpu.memref_slice %arg10[%add3A_24, %dma_start3A_25] : memref<10000x128xf32, #tpu.memory_space<vmem_shared>> -> memref<125x128xf32, #tpu.memory_space<vmem_shared>>
    tpu.enqueue_dma source(%arg5 : memref<125x128xf32, #tpu.memory_space<hbm>>) target(%dma_start3A_26 : memref<125x128xf32, #tpu.memory_space<vmem_shared>>) target_semaphore(%arg15 : memref<!tpu.dma_semaphore, #tpu.memory_space<semaphore_mem>>)
    %mul3A_27 = arith.constant 625 : i32
    %mul3A_28 = arith.muli %arg1, %mul3A_27 : i32
    %add3A_29 = arith.constant 0 : i32
    %add3A_30 = arith.addi %mul3A_28, %add3A_29 : i32
    %dma_wait3A = arith.constant 0 : i32
    %dma_wait3A_31 = tpu.memref_slice %arg10[%add3A_30, %dma_wait3A] : memref<10000x128xf32, #tpu.memory_space<vmem_shared>> -> memref<125x128xf32, #tpu.memory_space<vmem_shared>>
    tpu.wait_dma2 semaphore(%arg15 : memref<!tpu.dma_semaphore, #tpu.memory_space<semaphore_mem>>) src(%arg5 : memref<125x128xf32, #tpu.memory_space<hbm>>) dst(%dma_wait3A_31 : memref<125x128xf32, #tpu.memory_space<vmem_shared>>)
    %mul3A_32 = arith.constant 625 : i32
    %mul3A_33 = arith.muli %arg1, %mul3A_32 : i32
    %add3A_34 = arith.constant 125 : i32
    %add3A_35 = arith.addi %mul3A_33, %add3A_34 : i32
    %dma_wait3A_36 = arith.constant 0 : i32
    %dma_wait3A_37 = tpu.memref_slice %arg10[%add3A_35, %dma_wait3A_36] : memref<10000x128xf32, #tpu.memory_space<vmem_shared>> -> memref<125x128xf32, #tpu.memory_space<vmem_shared>>
    tpu.wait_dma2 semaphore(%arg15 : memref<!tpu.dma_semaphore, #tpu.memory_space<semaphore_mem>>) src(%arg5 : memref<125x128xf32, #tpu.memory_space<hbm>>) dst(%dma_wait3A_37 : memref<125x128xf32, #tpu.memory_space<vmem_shared>>)
    %mul3A_38 = arith.constant 625 : i32
    %mul3A_39 = arith.muli %arg1, %mul3A_38 : i32
    %add3A_40 = arith.constant 250 : i32
    %add3A_41 = arith.addi %mul3A_39, %add3A_40 : i32
    %dma_wait3A_42 = arith.constant 0 : i32
    %dma_wait3A_43 = tpu.memref_slice %arg10[%add3A_41, %dma_wait3A_42] : memref<10000x128xf32, #tpu.memory_space<vmem_shared>> -> memref<125x128xf32, #tpu.memory_space<vmem_shared>>
    tpu.wait_dma2 semaphore(%arg15 : memref<!tpu.dma_semaphore, #tpu.memory_space<semaphore_mem>>) src(%arg5 : memref<125x128xf32, #tpu.memory_space<hbm>>) dst(%dma_wait3A_43 : memref<125x128xf32, #tpu.memory_space<vmem_shared>>)
    %mul3A_44 = arith.constant 625 : i32
    %mul3A_45 = arith.muli %arg1, %mul3A_44 : i32
    %add3A_46 = arith.constant 375 : i32
    %add3A_47 = arith.addi %mul3A_45, %add3A_46 : i32
    %dma_wait3A_48 = arith.constant 0 : i32
    %dma_wait3A_49 = tpu.memref_slice %arg10[%add3A_47, %dma_wait3A_48] : memref<10000x128xf32, #tpu.memory_space<vmem_shared>> -> memref<125x128xf32, #tpu.memory_space<vmem_shared>>
    tpu.wait_dma2 semaphore(%arg15 : memref<!tpu.dma_semaphore, #tpu.memory_space<semaphore_mem>>) src(%arg5 : memref<125x128xf32, #tpu.memory_space<hbm>>) dst(%dma_wait3A_49 : memref<125x128xf32, #tpu.memory_space<vmem_shared>>)
    %mul3A_50 = arith.constant 625 : i32
    %mul3A_51 = arith.muli %arg1, %mul3A_50 : i32
    %add3A_52 = arith.constant 500 : i32
    %add3A_53 = arith.addi %mul3A_51, %add3A_52 : i32
    %dma_wait3A_54 = arith.constant 0 : i32
    %dma_wait3A_55 = tpu.memref_slice %arg10[%add3A_53, %dma_wait3A_54] : memref<10000x128xf32, #tpu.memory_space<vmem_shared>> -> memref<125x128xf32, #tpu.memory_space<vmem_shared>>
    tpu.wait_dma2 semaphore(%arg15 : memref<!tpu.dma_semaphore, #tpu.memory_space<semaphore_mem>>) src(%arg5 : memref<125x128xf32, #tpu.memory_space<hbm>>) dst(%dma_wait3A_55 : memref<125x128xf32, #tpu.memory_space<vmem_shared>>)
    %barrier3A = arith.constant 0 : index
    tpu.barrier barrier_id(%barrier3A)
    %dma_start3A_56 = arith.constant 0 : i32
    %dma_start3A_57 = arith.constant 0 : i32
    %dma_start3A_58 = arith.constant 0 : i32
    %dma_start3A_59 = tpu.memref_slice %arg7[%dma_start3A_57, %dma_start3A_58] : memref<3x125xi32, #tpu.memory_space<vmem>> -> memref<1x125xi32, #tpu.memory_space<vmem>>
    %dma_start3A_60 = tpu.memref_squeeze %dma_start3A_59 : memref<1x125xi32, #tpu.memory_space<vmem>> -> memref<125xi32, #tpu.memory_space<vmem>>
    %dma_start3A_61 = arith.constant 0 : i32
    %dma_start3A_62 = tpu.memref_slice %arg3[%arg0, %arg1, %dma_start3A_56, %dma_start3A_61] : memref<2x16x160x125xi32, #tpu.memory_space<hbm>> -> memref<1x1x1x125xi32, #tpu.memory_space<hbm>>
    %dma_start3A_63 = tpu.memref_squeeze %dma_start3A_62 : memref<1x1x1x125xi32, #tpu.memory_space<hbm>> -> memref<125xi32, #tpu.memory_space<hbm>>
    %dma_start3A_64 = arith.constant 0 : i32
    %dma_start3A_65 = tpu.memref_slice %arg7[%dma_start3A_57, %dma_start3A_64] : memref<3x125xi32, #tpu.memory_space<vmem>> -> memref<1x125xi32, #tpu.memory_space<vmem>>
    %dma_start3A_66 = tpu.memref_squeeze %dma_start3A_65 : memref<1x125xi32, #tpu.memory_space<vmem>> -> memref<125xi32, #tpu.memory_space<vmem>>
    %dma_start3A_67 = arith.constant 0 : i32
    %dma_start3A_68 = tpu.memref_slice %arg3[%arg0, %arg1, %dma_start3A_56, %dma_start3A_67] : memref<2x16x160x125xi32, #tpu.memory_space<hbm>> -> memref<1x1x1x125xi32, #tpu.memory_space<hbm>>
    %dma_start3A_69 = tpu.memref_squeeze %dma_start3A_68 : memref<1x1x1x125xi32, #tpu.memory_space<hbm>> -> memref<125xi32, #tpu.memory_space<hbm>>
    tpu.enqueue_dma source(%dma_start3A_69 : memref<125xi32, #tpu.memory_space<hbm>>) target(%dma_start3A_66 : memref<125xi32, #tpu.memory_space<vmem>>) target_semaphore(%arg11 : memref<!tpu.dma_semaphore, #tpu.memory_space<semaphore_mem>>)
    %dma_start3A_70 = arith.constant 0 : i32
    %dma_start3A_71 = arith.constant 0 : i32
    %dma_start3A_72 = arith.constant 0 : i32
    %dma_start3A_73 = arith.constant 0 : i32
    %dma_start3A_74 = tpu.memref_slice %arg8[%dma_start3A_71, %dma_start3A_72, %dma_start3A_73] : memref<3x2x125xi32, #tpu.memory_space<vmem>> -> memref<1x1x125xi32, #tpu.memory_space<vmem>>
    %dma_start3A_75 = tpu.memref_squeeze %dma_start3A_74 : memref<1x1x125xi32, #tpu.memory_space<vmem>> -> memref<125xi32, #tpu.memory_space<vmem>>
    %dma_start3A_76 = arith.constant 0 : i32
    %dma_start3A_77 = tpu.memref_slice %arg4[%arg1, %dma_start3A_70, %dma_start3A_76] : memref<16x160x125xi32, #tpu.memory_space<hbm>> -> memref<1x1x125xi32, #tpu.memory_space<hbm>>
    %dma_start3A_78 = tpu.memref_squeeze %dma_start3A_77 : memref<1x1x125xi32, #tpu.memory_space<hbm>> -> memref<125xi32, #tpu.memory_space<hbm>>
    %dma_start3A_79 = arith.constant 0 : i32
    %dma_start3A_80 = tpu.memref_slice %arg8[%dma_start3A_71, %dma_start3A_72, %dma_start3A_79] : memref<3x2x125xi32, #tpu.memory_space<vmem>> -> memref<1x1x125xi32, #tpu.memory_space<vmem>>
    %dma_start3A_81 = tpu.memref_squeeze %dma_start3A_80 : memref<1x1x125xi32, #tpu.memory_space<vmem>> -> memref<125xi32, #tpu.memory_space<vmem>>
    %dma_start3A_82 = arith.constant 0 : i32
    %dma_start3A_83 = tpu.memref_slice %arg4[%arg1, %dma_start3A_70, %dma_start3A_82] : memref<16x160x125xi32, #tpu.memory_space<hbm>> -> memref<1x1x125xi32, #tpu.memory_space<hbm>>
    %dma_start3A_84 = tpu.memref_squeeze %dma_start3A_83 : memref<1x1x125xi32, #tpu.memory_space<hbm>> -> memref<125xi32, #tpu.memory_space<hbm>>
    tpu.enqueue_dma source(%dma_start3A_84 : memref<125xi32, #tpu.memory_space<hbm>>) target(%dma_start3A_81 : memref<125xi32, #tpu.memory_space<vmem>>) target_semaphore(%arg11 : memref<!tpu.dma_semaphore, #tpu.memory_space<semaphore_mem>>)
    %dma_wait3A_85 = arith.constant 0 : i32
    %dma_wait3A_86 = arith.constant 0 : i32
    %dma_wait3A_87 = arith.constant 0 : i32
    %dma_wait3A_88 = tpu.memref_slice %arg7[%dma_wait3A_86, %dma_wait3A_87] : memref<3x125xi32, #tpu.memory_space<vmem>> -> memref<1x125xi32, #tpu.memory_space<vmem>>
    %dma_wait3A_89 = tpu.memref_squeeze %dma_wait3A_88 : memref<1x125xi32, #tpu.memory_space<vmem>> -> memref<125xi32, #tpu.memory_space<vmem>>
    %dma_wait3A_90 = arith.constant 0 : i32
    %dma_wait3A_91 = tpu.memref_slice %arg3[%arg0, %arg1, %dma_wait3A_85, %dma_wait3A_90] : memref<2x16x160x125xi32, #tpu.memory_space<hbm>> -> memref<1x1x1x125xi32, #tpu.memory_space<hbm>>
    %dma_wait3A_92 = tpu.memref_squeeze %dma_wait3A_91 : memref<1x1x1x125xi32, #tpu.memory_space<hbm>> -> memref<125xi32, #tpu.memory_space<hbm>>
    %dma_wait3A_93 = arith.constant 0 : i32
    %dma_wait3A_94 = tpu.memref_slice %arg7[%dma_wait3A_86, %dma_wait3A_93] : memref<3x125xi32, #tpu.memory_space<vmem>> -> memref<1x125xi32, #tpu.memory_space<vmem>>
    %dma_wait3A_95 = tpu.memref_squeeze %dma_wait3A_94 : memref<1x125xi32, #tpu.memory_space<vmem>> -> memref<125xi32, #tpu.memory_space<vmem>>
    %dma_wait3A_96 = arith.constant 0 : i32
    %dma_wait3A_97 = tpu.memref_slice %arg3[%arg0, %arg1, %dma_wait3A_85, %dma_wait3A_96] : memref<2x16x160x125xi32, #tpu.memory_space<hbm>> -> memref<1x1x1x125xi32, #tpu.memory_space<hbm>>
    %dma_wait3A_98 = tpu.memref_squeeze %dma_wait3A_97 : memref<1x1x1x125xi32, #tpu.memory_space<hbm>> -> memref<125xi32, #tpu.memory_space<hbm>>
    tpu.wait_dma2 semaphore(%arg11 : memref<!tpu.dma_semaphore, #tpu.memory_space<semaphore_mem>>) src(%dma_wait3A_98 : memref<125xi32, #tpu.memory_space<hbm>>) dst(%dma_wait3A_95 : memref<125xi32, #tpu.memory_space<vmem>>)
    %dma_wait3A_99 = arith.constant 0 : i32
    %dma_wait3A_100 = arith.constant 0 : i32
    %dma_wait3A_101 = arith.constant 0 : i32
    %dma_wait3A_102 = arith.constant 0 : i32
    %dma_wait3A_103 = tpu.memref_slice %arg8[%dma_wait3A_100, %dma_wait3A_101, %dma_wait3A_102] : memref<3x2x125xi32, #tpu.memory_space<vmem>> -> memref<1x1x125xi32, #tpu.memory_space<vmem>>
    %dma_wait3A_104 = tpu.memref_squeeze %dma_wait3A_103 : memref<1x1x125xi32, #tpu.memory_space<vmem>> -> memref<125xi32, #tpu.memory_space<vmem>>
    %dma_wait3A_105 = arith.constant 0 : i32
    %dma_wait3A_106 = tpu.memref_slice %arg4[%arg1, %dma_wait3A_99, %dma_wait3A_105] : memref<16x160x125xi32, #tpu.memory_space<hbm>> -> memref<1x1x125xi32, #tpu.memory_space<hbm>>
    %dma_wait3A_107 = tpu.memref_squeeze %dma_wait3A_106 : memref<1x1x125xi32, #tpu.memory_space<hbm>> -> memref<125xi32, #tpu.memory_space<hbm>>
    %dma_wait3A_108 = arith.constant 0 : i32
    %dma_wait3A_109 = tpu.memref_slice %arg8[%dma_wait3A_100, %dma_wait3A_101, %dma_wait3A_108] : memref<3x2x125xi32, #tpu.memory_space<vmem>> -> memref<1x1x125xi32, #tpu.memory_space<vmem>>
    %dma_wait3A_110 = tpu.memref_squeeze %dma_wait3A_109 : memref<1x1x125xi32, #tpu.memory_space<vmem>> -> memref<125xi32, #tpu.memory_space<vmem>>
    %dma_wait3A_111 = arith.constant 0 : i32
    %dma_wait3A_112 = tpu.memref_slice %arg4[%arg1, %dma_wait3A_99, %dma_wait3A_111] : memref<16x160x125xi32, #tpu.memory_space<hbm>> -> memref<1x1x125xi32, #tpu.memory_space<hbm>>
    %dma_wait3A_113 = tpu.memref_squeeze %dma_wait3A_112 : memref<1x1x125xi32, #tpu.memory_space<hbm>> -> memref<125xi32, #tpu.memory_space<hbm>>
    tpu.wait_dma2 semaphore(%arg11 : memref<!tpu.dma_semaphore, #tpu.memory_space<semaphore_mem>>) src(%dma_wait3A_113 : memref<125xi32, #tpu.memory_space<hbm>>) dst(%dma_wait3A_110 : memref<125xi32, #tpu.memory_space<vmem>>)
    %dma_start3A_114 = arith.constant 0 : i32
    %dma_start3A_115 = arith.constant 0 : i32
    %dma_start3A_116 = arith.constant 0 : i32
    %dma_start3A_117 = arith.constant 0 : i32
    %dma_start3A_118 = tpu.memref_slice %arg9[%dma_start3A_115, %dma_start3A_116, %dma_start3A_117] : memref<3x125x128xf32, #tpu.memory_space<vmem>> -> memref<1x125x128xf32, #tpu.memory_space<vmem>>
    %dma_start3A_119 = tpu.memref_squeeze %dma_start3A_118 : memref<1x125x128xf32, #tpu.memory_space<vmem>> -> memref<125x128xf32, #tpu.memory_space<vmem>>
    %dma_start3A_120 = arith.constant 0 : i32
    %dma_start3A_121 = tpu.memref_slice %arg7[%dma_start3A_114, %dma_start3A_120] : memref<3x125xi32, #tpu.memory_space<vmem>> -> memref<1x125xi32, #tpu.memory_space<vmem>>
    %dma_start3A_122 = tpu.memref_squeeze %dma_start3A_121 : memref<1x125xi32, #tpu.memory_space<vmem>> -> memref<125xi32, #tpu.memory_space<vmem>>
    %dma_start3A_123 = arith.constant 0 : i32
    %dma_start3A_124 = arith.constant 0 : i32
    %dma_start3A_125 = tpu.memref_slice %arg2[%dma_start3A_123, %dma_start3A_124] : memref<20000x128xf32, #tpu.memory_space<hbm>> -> memref<20000x128xf32, #tpu.memory_space<hbm>>
    tpu.enqueue_indirect_dma source(%dma_start3A_125 : memref<20000x128xf32, #tpu.memory_space<hbm>>) target(%dma_start3A_119 : memref<125x128xf32, #tpu.memory_space<vmem>>) offsets(%dma_start3A_122 : memref<125xi32, #tpu.memory_space<vmem>>) semaphore(%arg11 : memref<!tpu.dma_semaphore, #tpu.memory_space<semaphore_mem>>)
    %dma_start3A_126 = arith.constant 1 : i32
    %dma_start3A_127 = arith.constant 1 : i32
    %dma_start3A_128 = arith.constant 0 : i32
    %dma_start3A_129 = tpu.memref_slice %arg7[%dma_start3A_127, %dma_start3A_128] : memref<3x125xi32, #tpu.memory_space<vmem>> -> memref<1x125xi32, #tpu.memory_space<vmem>>
    %dma_start3A_130 = tpu.memref_squeeze %dma_start3A_129 : memref<1x125xi32, #tpu.memory_space<vmem>> -> memref<125xi32, #tpu.memory_space<vmem>>
    %dma_start3A_131 = arith.constant 0 : i32
    %dma_start3A_132 = tpu.memref_slice %arg3[%arg0, %arg1, %dma_start3A_126, %dma_start3A_131] : memref<2x16x160x125xi32, #tpu.memory_space<hbm>> -> memref<1x1x1x125xi32, #tpu.memory_space<hbm>>
    %dma_start3A_133 = tpu.memref_squeeze %dma_start3A_132 : memref<1x1x1x125xi32, #tpu.memory_space<hbm>> -> memref<125xi32, #tpu.memory_space<hbm>>
    %dma_start3A_134 = arith.constant 0 : i32
    %dma_start3A_135 = tpu.memref_slice %arg7[%dma_start3A_127, %dma_start3A_134] : memref<3x125xi32, #tpu.memory_space<vmem>> -> memref<1x125xi32, #tpu.memory_space<vmem>>
    %dma_start3A_136 = tpu.memref_squeeze %dma_start3A_135 : memref<1x125xi32, #tpu.memory_space<vmem>> -> memref<125xi32, #tpu.memory_space<vmem>>
    %dma_start3A_137 = arith.constant 0 : i32
    %dma_start3A_138 = tpu.memref_slice %arg3[%arg0, %arg1, %dma_start3A_126, %dma_start3A_137] : memref<2x16x160x125xi32, #tpu.memory_space<hbm>> -> memref<1x1x1x125xi32, #tpu.memory_space<hbm>>
    %dma_start3A_139 = tpu.memref_squeeze %dma_start3A_138 : memref<1x1x1x125xi32, #tpu.memory_space<hbm>> -> memref<125xi32, #tpu.memory_space<hbm>>
    tpu.enqueue_dma source(%dma_start3A_139 : memref<125xi32, #tpu.memory_space<hbm>>) target(%dma_start3A_136 : memref<125xi32, #tpu.memory_space<vmem>>) target_semaphore(%arg12 : memref<!tpu.dma_semaphore, #tpu.memory_space<semaphore_mem>>)
    %dma_start3A_140 = arith.constant 1 : i32
    %dma_start3A_141 = arith.constant 1 : i32
    %dma_start3A_142 = arith.constant 0 : i32
    %dma_start3A_143 = arith.constant 0 : i32
    %dma_start3A_144 = tpu.memref_slice %arg8[%dma_start3A_141, %dma_start3A_142, %dma_start3A_143] : memref<3x2x125xi32, #tpu.memory_space<vmem>> -> memref<1x1x125xi32, #tpu.memory_space<vmem>>
    %dma_start3A_145 = tpu.memref_squeeze %dma_start3A_144 : memref<1x1x125xi32, #tpu.memory_space<vmem>> -> memref<125xi32, #tpu.memory_space<vmem>>
    %dma_start3A_146 = arith.constant 0 : i32
    %dma_start3A_147 = tpu.memref_slice %arg4[%arg1, %dma_start3A_140, %dma_start3A_146] : memref<16x160x125xi32, #tpu.memory_space<hbm>> -> memref<1x1x125xi32, #tpu.memory_space<hbm>>
    %dma_start3A_148 = tpu.memref_squeeze %dma_start3A_147 : memref<1x1x125xi32, #tpu.memory_space<hbm>> -> memref<125xi32, #tpu.memory_space<hbm>>
    %dma_start3A_149 = arith.constant 0 : i32
    %dma_start3A_150 = tpu.memref_slice %arg8[%dma_start3A_141, %dma_start3A_142, %dma_start3A_149] : memref<3x2x125xi32, #tpu.memory_space<vmem>> -> memref<1x1x125xi32, #tpu.memory_space<vmem>>
    %dma_start3A_151 = tpu.memref_squeeze %dma_start3A_150 : memref<1x1x125xi32, #tpu.memory_space<vmem>> -> memref<125xi32, #tpu.memory_space<vmem>>
    %dma_start3A_152 = arith.constant 0 : i32
    %dma_start3A_153 = tpu.memref_slice %arg4[%arg1, %dma_start3A_140, %dma_start3A_152] : memref<16x160x125xi32, #tpu.memory_space<hbm>> -> memref<1x1x125xi32, #tpu.memory_space<hbm>>
    %dma_start3A_154 = tpu.memref_squeeze %dma_start3A_153 : memref<1x1x125xi32, #tpu.memory_space<hbm>> -> memref<125xi32, #tpu.memory_space<hbm>>
    tpu.enqueue_dma source(%dma_start3A_154 : memref<125xi32, #tpu.memory_space<hbm>>) target(%dma_start3A_151 : memref<125xi32, #tpu.memory_space<vmem>>) target_semaphore(%arg12 : memref<!tpu.dma_semaphore, #tpu.memory_space<semaphore_mem>>)
    %dma_wait3A_155 = arith.constant 1 : i32
    %dma_wait3A_156 = arith.constant 1 : i32
    %dma_wait3A_157 = arith.constant 0 : i32
    %dma_wait3A_158 = tpu.memref_slice %arg7[%dma_wait3A_156, %dma_wait3A_157] : memref<3x125xi32, #tpu.memory_space<vmem>> -> memref<1x125xi32, #tpu.memory_space<vmem>>
    %dma_wait3A_159 = tpu.memref_squeeze %dma_wait3A_158 : memref<1x125xi32, #tpu.memory_space<vmem>> -> memref<125xi32, #tpu.memory_space<vmem>>
    %dma_wait3A_160 = arith.constant 0 : i32
    %dma_wait3A_161 = tpu.memref_slice %arg3[%arg0, %arg1, %dma_wait3A_155, %dma_wait3A_160] : memref<2x16x160x125xi32, #tpu.memory_space<hbm>> -> memref<1x1x1x125xi32, #tpu.memory_space<hbm>>
    %dma_wait3A_162 = tpu.memref_squeeze %dma_wait3A_161 : memref<1x1x1x125xi32, #tpu.memory_space<hbm>> -> memref<125xi32, #tpu.memory_space<hbm>>
    %dma_wait3A_163 = arith.constant 0 : i32
    %dma_wait3A_164 = tpu.memref_slice %arg7[%dma_wait3A_156, %dma_wait3A_163] : memref<3x125xi32, #tpu.memory_space<vmem>> -> memref<1x125xi32, #tpu.memory_space<vmem>>
    %dma_wait3A_165 = tpu.memref_squeeze %dma_wait3A_164 : memref<1x125xi32, #tpu.memory_space<vmem>> -> memref<125xi32, #tpu.memory_space<vmem>>
    %dma_wait3A_166 = arith.constant 0 : i32
    %dma_wait3A_167 = tpu.memref_slice %arg3[%arg0, %arg1, %dma_wait3A_155, %dma_wait3A_166] : memref<2x16x160x125xi32, #tpu.memory_space<hbm>> -> memref<1x1x1x125xi32, #tpu.memory_space<hbm>>
    %dma_wait3A_168 = tpu.memref_squeeze %dma_wait3A_167 : memref<1x1x1x125xi32, #tpu.memory_space<hbm>> -> memref<125xi32, #tpu.memory_space<hbm>>
    tpu.wait_dma2 semaphore(%arg12 : memref<!tpu.dma_semaphore, #tpu.memory_space<semaphore_mem>>) src(%dma_wait3A_168 : memref<125xi32, #tpu.memory_space<hbm>>) dst(%dma_wait3A_165 : memref<125xi32, #tpu.memory_space<vmem>>)
    %dma_wait3A_169 = arith.constant 1 : i32
    %dma_wait3A_170 = arith.constant 1 : i32
    %dma_wait3A_171 = arith.constant 0 : i32
    %dma_wait3A_172 = arith.constant 0 : i32
    %dma_wait3A_173 = tpu.memref_slice %arg8[%dma_wait3A_170, %dma_wait3A_171, %dma_wait3A_172] : memref<3x2x125xi32, #tpu.memory_space<vmem>> -> memref<1x1x125xi32, #tpu.memory_space<vmem>>
    %dma_wait3A_174 = tpu.memref_squeeze %dma_wait3A_173 : memref<1x1x125xi32, #tpu.memory_space<vmem>> -> memref<125xi32, #tpu.memory_space<vmem>>
    %dma_wait3A_175 = arith.constant 0 : i32
    %dma_wait3A_176 = tpu.memref_slice %arg4[%arg1, %dma_wait3A_169, %dma_wait3A_175] : memref<16x160x125xi32, #tpu.memory_space<hbm>> -> memref<1x1x125xi32, #tpu.memory_space<hbm>>
    %dma_wait3A_177 = tpu.memref_squeeze %dma_wait3A_176 : memref<1x1x125xi32, #tpu.memory_space<hbm>> -> memref<125xi32, #tpu.memory_space<hbm>>
    %dma_wait3A_178 = arith.constant 0 : i32
    %dma_wait3A_179 = tpu.memref_slice %arg8[%dma_wait3A_170, %dma_wait3A_171, %dma_wait3A_178] : memref<3x2x125xi32, #tpu.memory_space<vmem>> -> memref<1x1x125xi32, #tpu.memory_space<vmem>>
    %dma_wait3A_180 = tpu.memref_squeeze %dma_wait3A_179 : memref<1x1x125xi32, #tpu.memory_space<vmem>> -> memref<125xi32, #tpu.memory_space<vmem>>
    %dma_wait3A_181 = arith.constant 0 : i32
    %dma_wait3A_182 = tpu.memref_slice %arg4[%arg1, %dma_wait3A_169, %dma_wait3A_181] : memref<16x160x125xi32, #tpu.memory_space<hbm>> -> memref<1x1x125xi32, #tpu.memory_space<hbm>>
    %dma_wait3A_183 = tpu.memref_squeeze %dma_wait3A_182 : memref<1x1x125xi32, #tpu.memory_space<hbm>> -> memref<125xi32, #tpu.memory_space<hbm>>
    tpu.wait_dma2 semaphore(%arg12 : memref<!tpu.dma_semaphore, #tpu.memory_space<semaphore_mem>>) src(%dma_wait3A_183 : memref<125xi32, #tpu.memory_space<hbm>>) dst(%dma_wait3A_180 : memref<125xi32, #tpu.memory_space<vmem>>)
    %dma_start3A_184 = arith.constant 1 : i32
    %dma_start3A_185 = arith.constant 1 : i32
    %dma_start3A_186 = arith.constant 0 : i32
    %dma_start3A_187 = arith.constant 0 : i32
    %dma_start3A_188 = tpu.memref_slice %arg9[%dma_start3A_185, %dma_start3A_186, %dma_start3A_187] : memref<3x125x128xf32, #tpu.memory_space<vmem>> -> memref<1x125x128xf32, #tpu.memory_space<vmem>>
    %dma_start3A_189 = tpu.memref_squeeze %dma_start3A_188 : memref<1x125x128xf32, #tpu.memory_space<vmem>> -> memref<125x128xf32, #tpu.memory_space<vmem>>
    %dma_start3A_190 = arith.constant 0 : i32
    %dma_start3A_191 = tpu.memref_slice %arg7[%dma_start3A_184, %dma_start3A_190] : memref<3x125xi32, #tpu.memory_space<vmem>> -> memref<1x125xi32, #tpu.memory_space<vmem>>
    %dma_start3A_192 = tpu.memref_squeeze %dma_start3A_191 : memref<1x125xi32, #tpu.memory_space<vmem>> -> memref<125xi32, #tpu.memory_space<vmem>>
    %dma_start3A_193 = arith.constant 0 : i32
    %dma_start3A_194 = arith.constant 0 : i32
    %dma_start3A_195 = tpu.memref_slice %arg2[%dma_start3A_193, %dma_start3A_194] : memref<20000x128xf32, #tpu.memory_space<hbm>> -> memref<20000x128xf32, #tpu.memory_space<hbm>>
    tpu.enqueue_indirect_dma source(%dma_start3A_195 : memref<20000x128xf32, #tpu.memory_space<hbm>>) target(%dma_start3A_189 : memref<125x128xf32, #tpu.memory_space<vmem>>) offsets(%dma_start3A_192 : memref<125xi32, #tpu.memory_space<vmem>>) semaphore(%arg12 : memref<!tpu.dma_semaphore, #tpu.memory_space<semaphore_mem>>)
    %dma_start3A_196 = arith.constant 2 : i32
    %dma_start3A_197 = arith.constant 2 : i32
    %dma_start3A_198 = arith.constant 0 : i32
    %dma_start3A_199 = tpu.memref_slice %arg7[%dma_start3A_197, %dma_start3A_198] : memref<3x125xi32, #tpu.memory_space<vmem>> -> memref<1x125xi32, #tpu.memory_space<vmem>>
    %dma_start3A_200 = tpu.memref_squeeze %dma_start3A_199 : memref<1x125xi32, #tpu.memory_space<vmem>> -> memref<125xi32, #tpu.memory_space<vmem>>
    %dma_start3A_201 = arith.constant 0 : i32
    %dma_start3A_202 = tpu.memref_slice %arg3[%arg0, %arg1, %dma_start3A_196, %dma_start3A_201] : memref<2x16x160x125xi32, #tpu.memory_space<hbm>> -> memref<1x1x1x125xi32, #tpu.memory_space<hbm>>
    %dma_start3A_203 = tpu.memref_squeeze %dma_start3A_202 : memref<1x1x1x125xi32, #tpu.memory_space<hbm>> -> memref<125xi32, #tpu.memory_space<hbm>>
    %dma_start3A_204 = arith.constant 0 : i32
    %dma_start3A_205 = tpu.memref_slice %arg7[%dma_start3A_197, %dma_start3A_204] : memref<3x125xi32, #tpu.memory_space<vmem>> -> memref<1x125xi32, #tpu.memory_space<vmem>>
    %dma_start3A_206 = tpu.memref_squeeze %dma_start3A_205 : memref<1x125xi32, #tpu.memory_space<vmem>> -> memref<125xi32, #tpu.memory_space<vmem>>
    %dma_start3A_207 = arith.constant 0 : i32
    %dma_start3A_208 = tpu.memref_slice %arg3[%arg0, %arg1, %dma_start3A_196, %dma_start3A_207] : memref<2x16x160x125xi32, #tpu.memory_space<hbm>> -> memref<1x1x1x125xi32, #tpu.memory_space<hbm>>
    %dma_start3A_209 = tpu.memref_squeeze %dma_start3A_208 : memref<1x1x1x125xi32, #tpu.memory_space<hbm>> -> memref<125xi32, #tpu.memory_space<hbm>>
    tpu.enqueue_dma source(%dma_start3A_209 : memref<125xi32, #tpu.memory_space<hbm>>) target(%dma_start3A_206 : memref<125xi32, #tpu.memory_space<vmem>>) target_semaphore(%arg13 : memref<!tpu.dma_semaphore, #tpu.memory_space<semaphore_mem>>)
    %dma_start3A_210 = arith.constant 2 : i32
    %dma_start3A_211 = arith.constant 2 : i32
    %dma_start3A_212 = arith.constant 0 : i32
    %dma_start3A_213 = arith.constant 0 : i32
    %dma_start3A_214 = tpu.memref_slice %arg8[%dma_start3A_211, %dma_start3A_212, %dma_start3A_213] : memref<3x2x125xi32, #tpu.memory_space<vmem>> -> memref<1x1x125xi32, #tpu.memory_space<vmem>>
    %dma_start3A_215 = tpu.memref_squeeze %dma_start3A_214 : memref<1x1x125xi32, #tpu.memory_space<vmem>> -> memref<125xi32, #tpu.memory_space<vmem>>
    %dma_start3A_216 = arith.constant 0 : i32
    %dma_start3A_217 = tpu.memref_slice %arg4[%arg1, %dma_start3A_210, %dma_start3A_216] : memref<16x160x125xi32, #tpu.memory_space<hbm>> -> memref<1x1x125xi32, #tpu.memory_space<hbm>>
    %dma_start3A_218 = tpu.memref_squeeze %dma_start3A_217 : memref<1x1x125xi32, #tpu.memory_space<hbm>> -> memref<125xi32, #tpu.memory_space<hbm>>
    %dma_start3A_219 = arith.constant 0 : i32
    %dma_start3A_220 = tpu.memref_slice %arg8[%dma_start3A_211, %dma_start3A_212, %dma_start3A_219] : memref<3x2x125xi32, #tpu.memory_space<vmem>> -> memref<1x1x125xi32, #tpu.memory_space<vmem>>
    %dma_start3A_221 = tpu.memref_squeeze %dma_start3A_220 : memref<1x1x125xi32, #tpu.memory_space<vmem>> -> memref<125xi32, #tpu.memory_space<vmem>>
    %dma_start3A_222 = arith.constant 0 : i32
    %dma_start3A_223 = tpu.memref_slice %arg4[%arg1, %dma_start3A_210, %dma_start3A_222] : memref<16x160x125xi32, #tpu.memory_space<hbm>> -> memref<1x1x125xi32, #tpu.memory_space<hbm>>
    %dma_start3A_224 = tpu.memref_squeeze %dma_start3A_223 : memref<1x1x125xi32, #tpu.memory_space<hbm>> -> memref<125xi32, #tpu.memory_space<hbm>>
    tpu.enqueue_dma source(%dma_start3A_224 : memref<125xi32, #tpu.memory_space<hbm>>) target(%dma_start3A_221 : memref<125xi32, #tpu.memory_space<vmem>>) target_semaphore(%arg13 : memref<!tpu.dma_semaphore, #tpu.memory_space<semaphore_mem>>)
    %dma_wait3A_225 = arith.constant 2 : i32
    %dma_wait3A_226 = arith.constant 2 : i32
    %dma_wait3A_227 = arith.constant 0 : i32
    %dma_wait3A_228 = tpu.memref_slice %arg7[%dma_wait3A_226, %dma_wait3A_227] : memref<3x125xi32, #tpu.memory_space<vmem>> -> memref<1x125xi32, #tpu.memory_space<vmem>>
    %dma_wait3A_229 = tpu.memref_squeeze %dma_wait3A_228 : memref<1x125xi32, #tpu.memory_space<vmem>> -> memref<125xi32, #tpu.memory_space<vmem>>
    %dma_wait3A_230 = arith.constant 0 : i32
    %dma_wait3A_231 = tpu.memref_slice %arg3[%arg0, %arg1, %dma_wait3A_225, %dma_wait3A_230] : memref<2x16x160x125xi32, #tpu.memory_space<hbm>> -> memref<1x1x1x125xi32, #tpu.memory_space<hbm>>
    %dma_wait3A_232 = tpu.memref_squeeze %dma_wait3A_231 : memref<1x1x1x125xi32, #tpu.memory_space<hbm>> -> memref<125xi32, #tpu.memory_space<hbm>>
    %dma_wait3A_233 = arith.constant 0 : i32
    %dma_wait3A_234 = tpu.memref_slice %arg7[%dma_wait3A_226, %dma_wait3A_233] : memref<3x125xi32, #tpu.memory_space<vmem>> -> memref<1x125xi32, #tpu.memory_space<vmem>>
    %dma_wait3A_235 = tpu.memref_squeeze %dma_wait3A_234 : memref<1x125xi32, #tpu.memory_space<vmem>> -> memref<125xi32, #tpu.memory_space<vmem>>
    %dma_wait3A_236 = arith.constant 0 : i32
    %dma_wait3A_237 = tpu.memref_slice %arg3[%arg0, %arg1, %dma_wait3A_225, %dma_wait3A_236] : memref<2x16x160x125xi32, #tpu.memory_space<hbm>> -> memref<1x1x1x125xi32, #tpu.memory_space<hbm>>
    %dma_wait3A_238 = tpu.memref_squeeze %dma_wait3A_237 : memref<1x1x1x125xi32, #tpu.memory_space<hbm>> -> memref<125xi32, #tpu.memory_space<hbm>>
    tpu.wait_dma2 semaphore(%arg13 : memref<!tpu.dma_semaphore, #tpu.memory_space<semaphore_mem>>) src(%dma_wait3A_238 : memref<125xi32, #tpu.memory_space<hbm>>) dst(%dma_wait3A_235 : memref<125xi32, #tpu.memory_space<vmem>>)
    %dma_wait3A_239 = arith.constant 2 : i32
    %dma_wait3A_240 = arith.constant 2 : i32
    %dma_wait3A_241 = arith.constant 0 : i32
    %dma_wait3A_242 = arith.constant 0 : i32
    %dma_wait3A_243 = tpu.memref_slice %arg8[%dma_wait3A_240, %dma_wait3A_241, %dma_wait3A_242] : memref<3x2x125xi32, #tpu.memory_space<vmem>> -> memref<1x1x125xi32, #tpu.memory_space<vmem>>
    %dma_wait3A_244 = tpu.memref_squeeze %dma_wait3A_243 : memref<1x1x125xi32, #tpu.memory_space<vmem>> -> memref<125xi32, #tpu.memory_space<vmem>>
    %dma_wait3A_245 = arith.constant 0 : i32
    %dma_wait3A_246 = tpu.memref_slice %arg4[%arg1, %dma_wait3A_239, %dma_wait3A_245] : memref<16x160x125xi32, #tpu.memory_space<hbm>> -> memref<1x1x125xi32, #tpu.memory_space<hbm>>
    %dma_wait3A_247 = tpu.memref_squeeze %dma_wait3A_246 : memref<1x1x125xi32, #tpu.memory_space<hbm>> -> memref<125xi32, #tpu.memory_space<hbm>>
    %dma_wait3A_248 = arith.constant 0 : i32
    %dma_wait3A_249 = tpu.memref_slice %arg8[%dma_wait3A_240, %dma_wait3A_241, %dma_wait3A_248] : memref<3x2x125xi32, #tpu.memory_space<vmem>> -> memref<1x1x125xi32, #tpu.memory_space<vmem>>
    %dma_wait3A_250 = tpu.memref_squeeze %dma_wait3A_249 : memref<1x1x125xi32, #tpu.memory_space<vmem>> -> memref<125xi32, #tpu.memory_space<vmem>>
    %dma_wait3A_251 = arith.constant 0 : i32
    %dma_wait3A_252 = tpu.memref_slice %arg4[%arg1, %dma_wait3A_239, %dma_wait3A_251] : memref<16x160x125xi32, #tpu.memory_space<hbm>> -> memref<1x1x125xi32, #tpu.memory_space<hbm>>
    %dma_wait3A_253 = tpu.memref_squeeze %dma_wait3A_252 : memref<1x1x125xi32, #tpu.memory_space<hbm>> -> memref<125xi32, #tpu.memory_space<hbm>>
    tpu.wait_dma2 semaphore(%arg13 : memref<!tpu.dma_semaphore, #tpu.memory_space<semaphore_mem>>) src(%dma_wait3A_253 : memref<125xi32, #tpu.memory_space<hbm>>) dst(%dma_wait3A_250 : memref<125xi32, #tpu.memory_space<vmem>>)
    %dma_start3A_254 = arith.constant 2 : i32
    %dma_start3A_255 = arith.constant 2 : i32
    %dma_start3A_256 = arith.constant 0 : i32
    %dma_start3A_257 = arith.constant 0 : i32
    %dma_start3A_258 = tpu.memref_slice %arg9[%dma_start3A_255, %dma_start3A_256, %dma_start3A_257] : memref<3x125x128xf32, #tpu.memory_space<vmem>> -> memref<1x125x128xf32, #tpu.memory_space<vmem>>
    %dma_start3A_259 = tpu.memref_squeeze %dma_start3A_258 : memref<1x125x128xf32, #tpu.memory_space<vmem>> -> memref<125x128xf32, #tpu.memory_space<vmem>>
    %dma_start3A_260 = arith.constant 0 : i32
    %dma_start3A_261 = tpu.memref_slice %arg7[%dma_start3A_254, %dma_start3A_260] : memref<3x125xi32, #tpu.memory_space<vmem>> -> memref<1x125xi32, #tpu.memory_space<vmem>>
    %dma_start3A_262 = tpu.memref_squeeze %dma_start3A_261 : memref<1x125xi32, #tpu.memory_space<vmem>> -> memref<125xi32, #tpu.memory_space<vmem>>
    %dma_start3A_263 = arith.constant 0 : i32
    %dma_start3A_264 = arith.constant 0 : i32
    %dma_start3A_265 = tpu.memref_slice %arg2[%dma_start3A_263, %dma_start3A_264] : memref<20000x128xf32, #tpu.memory_space<hbm>> -> memref<20000x128xf32, #tpu.memory_space<hbm>>
    tpu.enqueue_indirect_dma source(%dma_start3A_265 : memref<20000x128xf32, #tpu.memory_space<hbm>>) target(%dma_start3A_259 : memref<125x128xf32, #tpu.memory_space<vmem>>) offsets(%dma_start3A_262 : memref<125xi32, #tpu.memory_space<vmem>>) semaphore(%arg13 : memref<!tpu.dma_semaphore, #tpu.memory_space<semaphore_mem>>)
    %scan3A = arith.constant 0 : i32
    %scan3A_266 = arith.constant 0 : i32
    %scan3A_267 = arith.constant 54 : i32
    %scan3A_268 = arith.addi %scan3A_266, %scan3A_267 : i32
    %scan3A_269 = arith.constant 1 : i32
    scf.for %scan3A_279 = %scan3A_266 to %scan3A_268 step %scan3A_269  : i32 {
      %rem3A = arith.constant 2 : i32
      %rem3A_280 = arith.remsi %scan3A_279, %rem3A : i32
      %sub3A = arith.constant 1 : i32
      %sub3A_281 = arith.subi %sub3A, %rem3A_280 : i32
      %mul3A_282 = arith.constant 3 : i32
      %mul3A_283 = arith.muli %scan3A_279, %mul3A_282 : i32
      %add3A_284 = arith.constant 0 : i32
      %add3A_285 = arith.addi %mul3A_283, %add3A_284 : i32
      %lt3A = arith.constant 160 : i32
      %lt3A_286 = arith.cmpi slt, %add3A_285, %lt3A : i32
      %convert_element_type3A = arith.extui %lt3A_286 : i1 to i32
      %cond3A = arith.constant 0 : i32
      %cond3A_287 = arith.cmpi ne, %convert_element_type3A, %cond3A : i32
      scf.if %cond3A_287 {
        %dma_wait3A_306 = arith.constant 0 : i32
        %dma_wait3A_307 = arith.constant 0 : i32
        %dma_wait3A_308 = arith.constant 0 : i32
        %dma_wait3A_309 = arith.constant 0 : i32
        %dma_wait3A_310 = tpu.memref_slice %arg9[%dma_wait3A_307, %dma_wait3A_308, %dma_wait3A_309] : memref<3x125x128xf32, #tpu.memory_space<vmem>> -> memref<1x125x128xf32, #tpu.memory_space<vmem>>
        %dma_wait3A_311 = tpu.memref_squeeze %dma_wait3A_310 : memref<1x125x128xf32, #tpu.memory_space<vmem>> -> memref<125x128xf32, #tpu.memory_space<vmem>>
        %dma_wait3A_312 = arith.constant 0 : i32
        %dma_wait3A_313 = tpu.memref_slice %arg7[%dma_wait3A_306, %dma_wait3A_312] : memref<3x125xi32, #tpu.memory_space<vmem>> -> memref<1x125xi32, #tpu.memory_space<vmem>>
        %dma_wait3A_314 = tpu.memref_squeeze %dma_wait3A_313 : memref<1x125xi32, #tpu.memory_space<vmem>> -> memref<125xi32, #tpu.memory_space<vmem>>
        %dma_wait3A_315 = arith.constant 0 : i32
        %dma_wait3A_316 = arith.constant 0 : i32
        %dma_wait3A_317 = tpu.memref_slice %arg2[%dma_wait3A_315, %dma_wait3A_316] : memref<20000x128xf32, #tpu.memory_space<hbm>> -> memref<20000x128xf32, #tpu.memory_space<hbm>>
        tpu.wait_indirect_dma semaphore(%arg11 : memref<!tpu.dma_semaphore, #tpu.memory_space<semaphore_mem>>) src(%dma_wait3A_317 : memref<20000x128xf32, #tpu.memory_space<hbm>>) dst(%dma_wait3A_311 : memref<125x128xf32, #tpu.memory_space<vmem>>)
        %add3A_318 = arith.constant 3 : i32
        %add3A_319 = arith.addi %add3A_285, %add3A_318 : i32
        %lt3A_320 = arith.constant 160 : i32
        %lt3A_321 = arith.cmpi slt, %add3A_319, %lt3A_320 : i32
        %convert_element_type3A_322 = arith.extui %lt3A_321 : i1 to i32
        %cond3A_323 = arith.constant 0 : i32
        %cond3A_324 = arith.cmpi ne, %convert_element_type3A_322, %cond3A_323 : i32
        scf.if %cond3A_324 {
          %add3A_356 = arith.constant 3 : i32
          %add3A_357 = arith.addi %add3A_285, %add3A_356 : i32
          %dma_start3A_358 = arith.constant 0 : i32
          %dma_start3A_359 = arith.constant 0 : i32
          %dma_start3A_360 = tpu.memref_slice %arg7[%dma_start3A_358, %dma_start3A_359] : memref<3x125xi32, #tpu.memory_space<vmem>> -> memref<1x125xi32, #tpu.memory_space<vmem>>
          %dma_start3A_361 = tpu.memref_squeeze %dma_start3A_360 : memref<1x125xi32, #tpu.memory_space<vmem>> -> memref<125xi32, #tpu.memory_space<vmem>>
          %dma_start3A_362 = arith.constant 0 : i32
          %dma_start3A_363 = tpu.memref_slice %arg3[%arg0, %arg1, %add3A_357, %dma_start3A_362] : memref<2x16x160x125xi32, #tpu.memory_space<hbm>> -> memref<1x1x1x125xi32, #tpu.memory_space<hbm>>
          %dma_start3A_364 = tpu.memref_squeeze %dma_start3A_363 : memref<1x1x1x125xi32, #tpu.memory_space<hbm>> -> memref<125xi32, #tpu.memory_space<hbm>>
          %dma_start3A_365 = arith.constant 0 : i32
          %dma_start3A_366 = tpu.memref_slice %arg7[%dma_start3A_358, %dma_start3A_365] : memref<3x125xi32, #tpu.memory_space<vmem>> -> memref<1x125xi32, #tpu.memory_space<vmem>>
          %dma_start3A_367 = tpu.memref_squeeze %dma_start3A_366 : memref<1x125xi32, #tpu.memory_space<vmem>> -> memref<125xi32, #tpu.memory_space<vmem>>
          %dma_start3A_368 = arith.constant 0 : i32
          %dma_start3A_369 = tpu.memref_slice %arg3[%arg0, %arg1, %add3A_357, %dma_start3A_368] : memref<2x16x160x125xi32, #tpu.memory_space<hbm>> -> memref<1x1x1x125xi32, #tpu.memory_space<hbm>>
          %dma_start3A_370 = tpu.memref_squeeze %dma_start3A_369 : memref<1x1x1x125xi32, #tpu.memory_space<hbm>> -> memref<125xi32, #tpu.memory_space<hbm>>
          tpu.enqueue_dma source(%dma_start3A_370 : memref<125xi32, #tpu.memory_space<hbm>>) target(%dma_start3A_367 : memref<125xi32, #tpu.memory_space<vmem>>) target_semaphore(%arg11 : memref<!tpu.dma_semaphore, #tpu.memory_space<semaphore_mem>>)
          %add3A_371 = arith.constant 3 : i32
          %add3A_372 = arith.addi %add3A_285, %add3A_371 : i32
          %dma_start3A_373 = arith.constant 0 : i32
          %dma_start3A_374 = arith.constant 0 : i32
          %dma_start3A_375 = tpu.memref_slice %arg8[%dma_start3A_373, %sub3A_281, %dma_start3A_374] : memref<3x2x125xi32, #tpu.memory_space<vmem>> -> memref<1x1x125xi32, #tpu.memory_space<vmem>>
          %dma_start3A_376 = tpu.memref_squeeze %dma_start3A_375 : memref<1x1x125xi32, #tpu.memory_space<vmem>> -> memref<125xi32, #tpu.memory_space<vmem>>
          %dma_start3A_377 = arith.constant 0 : i32
          %dma_start3A_378 = tpu.memref_slice %arg4[%arg1, %add3A_372, %dma_start3A_377] : memref<16x160x125xi32, #tpu.memory_space<hbm>> -> memref<1x1x125xi32, #tpu.memory_space<hbm>>
          %dma_start3A_379 = tpu.memref_squeeze %dma_start3A_378 : memref<1x1x125xi32, #tpu.memory_space<hbm>> -> memref<125xi32, #tpu.memory_space<hbm>>
          %dma_start3A_380 = arith.constant 0 : i32
          %dma_start3A_381 = tpu.memref_slice %arg8[%dma_start3A_373, %sub3A_281, %dma_start3A_380] : memref<3x2x125xi32, #tpu.memory_space<vmem>> -> memref<1x1x125xi32, #tpu.memory_space<vmem>>
          %dma_start3A_382 = tpu.memref_squeeze %dma_start3A_381 : memref<1x1x125xi32, #tpu.memory_space<vmem>> -> memref<125xi32, #tpu.memory_space<vmem>>
          %dma_start3A_383 = arith.constant 0 : i32
          %dma_start3A_384 = tpu.memref_slice %arg4[%arg1, %add3A_372, %dma_start3A_383] : memref<16x160x125xi32, #tpu.memory_space<hbm>> -> memref<1x1x125xi32, #tpu.memory_space<hbm>>
          %dma_start3A_385 = tpu.memref_squeeze %dma_start3A_384 : memref<1x1x125xi32, #tpu.memory_space<hbm>> -> memref<125xi32, #tpu.memory_space<hbm>>
          tpu.enqueue_dma source(%dma_start3A_385 : memref<125xi32, #tpu.memory_space<hbm>>) target(%dma_start3A_382 : memref<125xi32, #tpu.memory_space<vmem>>) target_semaphore(%arg11 : memref<!tpu.dma_semaphore, #tpu.memory_space<semaphore_mem>>)
        } else {
        }
        %dma_start3A_325 = arith.constant 0 : i32
        %dma_start3A_326 = arith.constant 0 : i32
        %dma_start3A_327 = arith.constant 0 : i32
        %dma_start3A_328 = arith.constant 0 : i32
        %dma_start3A_329 = tpu.memref_slice %arg9[%dma_start3A_325, %dma_start3A_327, %dma_start3A_328] : memref<3x125x128xf32, #tpu.memory_space<vmem>> -> memref<1x125x128xf32, #tpu.memory_space<vmem>>
        %dma_start3A_330 = tpu.memref_squeeze %dma_start3A_329 : memref<1x125x128xf32, #tpu.memory_space<vmem>> -> memref<125x128xf32, #tpu.memory_space<vmem>>
        %dma_start3A_331 = arith.constant 0 : i32
        %dma_start3A_332 = tpu.memref_slice %arg8[%dma_start3A_326, %rem3A_280, %dma_start3A_331] : memref<3x2x125xi32, #tpu.memory_space<vmem>> -> memref<1x1x125xi32, #tpu.memory_space<vmem>>
        %dma_start3A_333 = tpu.memref_squeeze %dma_start3A_332 : memref<1x1x125xi32, #tpu.memory_space<vmem>> -> memref<125xi32, #tpu.memory_space<vmem>>
        %dma_start3A_334 = arith.constant 0 : i32
        %dma_start3A_335 = arith.constant 0 : i32
        %dma_start3A_336 = tpu.memref_slice %arg10[%dma_start3A_334, %dma_start3A_335] : memref<10000x128xf32, #tpu.memory_space<vmem_shared>> -> memref<10000x128xf32, #tpu.memory_space<vmem_shared>>
        tpu.enqueue_indirect_dma source(%dma_start3A_330 : memref<125x128xf32, #tpu.memory_space<vmem>>) target(%dma_start3A_336 : memref<10000x128xf32, #tpu.memory_space<vmem_shared>>) offsets(%dma_start3A_333 : memref<125xi32, #tpu.memory_space<vmem>>) semaphore(%arg15 : memref<!tpu.dma_semaphore, #tpu.memory_space<semaphore_mem>>) {add = true}
        %dma_wait3A_337 = arith.constant 0 : i32
        %dma_wait3A_338 = arith.constant 0 : i32
        %dma_wait3A_339 = arith.constant 0 : i32
        %dma_wait3A_340 = arith.constant 0 : i32
        %dma_wait3A_341 = tpu.memref_slice %arg9[%dma_wait3A_337, %dma_wait3A_339, %dma_wait3A_340] : memref<3x125x128xf32, #tpu.memory_space<vmem>> -> memref<1x125x128xf32, #tpu.memory_space<vmem>>
        %dma_wait3A_342 = tpu.memref_squeeze %dma_wait3A_341 : memref<1x125x128xf32, #tpu.memory_space<vmem>> -> memref<125x128xf32, #tpu.memory_space<vmem>>
        %dma_wait3A_343 = arith.constant 0 : i32
        %dma_wait3A_344 = tpu.memref_slice %arg8[%dma_wait3A_338, %rem3A_280, %dma_wait3A_343] : memref<3x2x125xi32, #tpu.memory_space<vmem>> -> memref<1x1x125xi32, #tpu.memory_space<vmem>>
        %dma_wait3A_345 = tpu.memref_squeeze %dma_wait3A_344 : memref<1x1x125xi32, #tpu.memory_space<vmem>> -> memref<125xi32, #tpu.memory_space<vmem>>
        %dma_wait3A_346 = arith.constant 0 : i32
        %dma_wait3A_347 = arith.constant 0 : i32
        %dma_wait3A_348 = tpu.memref_slice %arg10[%dma_wait3A_346, %dma_wait3A_347] : memref<10000x128xf32, #tpu.memory_space<vmem_shared>> -> memref<10000x128xf32, #tpu.memory_space<vmem_shared>>
        tpu.wait_indirect_dma semaphore(%arg15 : memref<!tpu.dma_semaphore, #tpu.memory_space<semaphore_mem>>) src(%dma_wait3A_342 : memref<125x128xf32, #tpu.memory_space<vmem>>) dst(%dma_wait3A_348 : memref<10000x128xf32, #tpu.memory_space<vmem_shared>>)
        %add3A_349 = arith.constant 3 : i32
        %add3A_350 = arith.addi %add3A_285, %add3A_349 : i32
        %lt3A_351 = arith.constant 160 : i32
        %lt3A_352 = arith.cmpi slt, %add3A_350, %lt3A_351 : i32
        %convert_element_type3A_353 = arith.extui %lt3A_352 : i1 to i32
        %cond3A_354 = arith.constant 0 : i32
        %cond3A_355 = arith.cmpi ne, %convert_element_type3A_353, %cond3A_354 : i32
        scf.if %cond3A_355 {
          %add3A_356 = arith.constant 3 : i32
          %add3A_357 = arith.addi %add3A_285, %add3A_356 : i32
          %dma_wait3A_358 = arith.constant 0 : i32
          %dma_wait3A_359 = arith.constant 0 : i32
          %dma_wait3A_360 = tpu.memref_slice %arg7[%dma_wait3A_358, %dma_wait3A_359] : memref<3x125xi32, #tpu.memory_space<vmem>> -> memref<1x125xi32, #tpu.memory_space<vmem>>
          %dma_wait3A_361 = tpu.memref_squeeze %dma_wait3A_360 : memref<1x125xi32, #tpu.memory_space<vmem>> -> memref<125xi32, #tpu.memory_space<vmem>>
          %dma_wait3A_362 = arith.constant 0 : i32
          %dma_wait3A_363 = tpu.memref_slice %arg3[%arg0, %arg1, %add3A_357, %dma_wait3A_362] : memref<2x16x160x125xi32, #tpu.memory_space<hbm>> -> memref<1x1x1x125xi32, #tpu.memory_space<hbm>>
          %dma_wait3A_364 = tpu.memref_squeeze %dma_wait3A_363 : memref<1x1x1x125xi32, #tpu.memory_space<hbm>> -> memref<125xi32, #tpu.memory_space<hbm>>
          %dma_wait3A_365 = arith.constant 0 : i32
          %dma_wait3A_366 = tpu.memref_slice %arg7[%dma_wait3A_358, %dma_wait3A_365] : memref<3x125xi32, #tpu.memory_space<vmem>> -> memref<1x125xi32, #tpu.memory_space<vmem>>
          %dma_wait3A_367 = tpu.memref_squeeze %dma_wait3A_366 : memref<1x125xi32, #tpu.memory_space<vmem>> -> memref<125xi32, #tpu.memory_space<vmem>>
          %dma_wait3A_368 = arith.constant 0 : i32
          %dma_wait3A_369 = tpu.memref_slice %arg3[%arg0, %arg1, %add3A_357, %dma_wait3A_368] : memref<2x16x160x125xi32, #tpu.memory_space<hbm>> -> memref<1x1x1x125xi32, #tpu.memory_space<hbm>>
          %dma_wait3A_370 = tpu.memref_squeeze %dma_wait3A_369 : memref<1x1x1x125xi32, #tpu.memory_space<hbm>> -> memref<125xi32, #tpu.memory_space<hbm>>
          tpu.wait_dma2 semaphore(%arg11 : memref<!tpu.dma_semaphore, #tpu.memory_space<semaphore_mem>>) src(%dma_wait3A_370 : memref<125xi32, #tpu.memory_space<hbm>>) dst(%dma_wait3A_367 : memref<125xi32, #tpu.memory_space<vmem>>)
          %add3A_371 = arith.constant 3 : i32
          %add3A_372 = arith.addi %add3A_285, %add3A_371 : i32
          %dma_wait3A_373 = arith.constant 0 : i32
          %dma_wait3A_374 = arith.constant 0 : i32
          %dma_wait3A_375 = tpu.memref_slice %arg8[%dma_wait3A_373, %sub3A_281, %dma_wait3A_374] : memref<3x2x125xi32, #tpu.memory_space<vmem>> -> memref<1x1x125xi32, #tpu.memory_space<vmem>>
          %dma_wait3A_376 = tpu.memref_squeeze %dma_wait3A_375 : memref<1x1x125xi32, #tpu.memory_space<vmem>> -> memref<125xi32, #tpu.memory_space<vmem>>
          %dma_wait3A_377 = arith.constant 0 : i32
          %dma_wait3A_378 = tpu.memref_slice %arg4[%arg1, %add3A_372, %dma_wait3A_377] : memref<16x160x125xi32, #tpu.memory_space<hbm>> -> memref<1x1x125xi32, #tpu.memory_space<hbm>>
          %dma_wait3A_379 = tpu.memref_squeeze %dma_wait3A_378 : memref<1x1x125xi32, #tpu.memory_space<hbm>> -> memref<125xi32, #tpu.memory_space<hbm>>
          %dma_wait3A_380 = arith.constant 0 : i32
          %dma_wait3A_381 = tpu.memref_slice %arg8[%dma_wait3A_373, %sub3A_281, %dma_wait3A_380] : memref<3x2x125xi32, #tpu.memory_space<vmem>> -> memref<1x1x125xi32, #tpu.memory_space<vmem>>
          %dma_wait3A_382 = tpu.memref_squeeze %dma_wait3A_381 : memref<1x1x125xi32, #tpu.memory_space<vmem>> -> memref<125xi32, #tpu.memory_space<vmem>>
          %dma_wait3A_383 = arith.constant 0 : i32
          %dma_wait3A_384 = tpu.memref_slice %arg4[%arg1, %add3A_372, %dma_wait3A_383] : memref<16x160x125xi32, #tpu.memory_space<hbm>> -> memref<1x1x125xi32, #tpu.memory_space<hbm>>
          %dma_wait3A_385 = tpu.memref_squeeze %dma_wait3A_384 : memref<1x1x125xi32, #tpu.memory_space<hbm>> -> memref<125xi32, #tpu.memory_space<hbm>>
          tpu.wait_dma2 semaphore(%arg11 : memref<!tpu.dma_semaphore, #tpu.memory_space<semaphore_mem>>) src(%dma_wait3A_385 : memref<125xi32, #tpu.memory_space<hbm>>) dst(%dma_wait3A_382 : memref<125xi32, #tpu.memory_space<vmem>>)
          %dma_start3A_386 = arith.constant 0 : i32
          %dma_start3A_387 = arith.constant 0 : i32
          %dma_start3A_388 = arith.constant 0 : i32
          %dma_start3A_389 = arith.constant 0 : i32
          %dma_start3A_390 = tpu.memref_slice %arg9[%dma_start3A_387, %dma_start3A_388, %dma_start3A_389] : memref<3x125x128xf32, #tpu.memory_space<vmem>> -> memref<1x125x128xf32, #tpu.memory_space<vmem>>
          %dma_start3A_391 = tpu.memref_squeeze %dma_start3A_390 : memref<1x125x128xf32, #tpu.memory_space<vmem>> -> memref<125x128xf32, #tpu.memory_space<vmem>>
          %dma_start3A_392 = arith.constant 0 : i32
          %dma_start3A_393 = tpu.memref_slice %arg7[%dma_start3A_386, %dma_start3A_392] : memref<3x125xi32, #tpu.memory_space<vmem>> -> memref<1x125xi32, #tpu.memory_space<vmem>>
          %dma_start3A_394 = tpu.memref_squeeze %dma_start3A_393 : memref<1x125xi32, #tpu.memory_space<vmem>> -> memref<125xi32, #tpu.memory_space<vmem>>
          %dma_start3A_395 = arith.constant 0 : i32
          %dma_start3A_396 = arith.constant 0 : i32
          %dma_start3A_397 = tpu.memref_slice %arg2[%dma_start3A_395, %dma_start3A_396] : memref<20000x128xf32, #tpu.memory_space<hbm>> -> memref<20000x128xf32, #tpu.memory_space<hbm>>
          tpu.enqueue_indirect_dma source(%dma_start3A_397 : memref<20000x128xf32, #tpu.memory_space<hbm>>) target(%dma_start3A_391 : memref<125x128xf32, #tpu.memory_space<vmem>>) offsets(%dma_start3A_394 : memref<125xi32, #tpu.memory_space<vmem>>) semaphore(%arg11 : memref<!tpu.dma_semaphore, #tpu.memory_space<semaphore_mem>>)
        } else {
        }
      } else {
      }
      %mul3A_288 = arith.constant 3 : i32
      %mul3A_289 = arith.muli %scan3A_279, %mul3A_288 : i32
      %add3A_290 = arith.constant 1 : i32
      %add3A_291 = arith.addi %mul3A_289, %add3A_290 : i32
      %lt3A_292 = arith.constant 160 : i32
      %lt3A_293 = arith.cmpi slt, %add3A_291, %lt3A_292 : i32
      %convert_element_type3A_294 = arith.extui %lt3A_293 : i1 to i32
      %cond3A_295 = arith.constant 0 : i32
      %cond3A_296 = arith.cmpi ne, %convert_element_type3A_294, %cond3A_295 : i32
      scf.if %cond3A_296 {
        %dma_wait3A_306 = arith.constant 1 : i32
        %dma_wait3A_307 = arith.constant 1 : i32
        %dma_wait3A_308 = arith.constant 0 : i32
        %dma_wait3A_309 = arith.constant 0 : i32
        %dma_wait3A_310 = tpu.memref_slice %arg9[%dma_wait3A_307, %dma_wait3A_308, %dma_wait3A_309] : memref<3x125x128xf32, #tpu.memory_space<vmem>> -> memref<1x125x128xf32, #tpu.memory_space<vmem>>
        %dma_wait3A_311 = tpu.memref_squeeze %dma_wait3A_310 : memref<1x125x128xf32, #tpu.memory_space<vmem>> -> memref<125x128xf32, #tpu.memory_space<vmem>>
        %dma_wait3A_312 = arith.constant 0 : i32
        %dma_wait3A_313 = tpu.memref_slice %arg7[%dma_wait3A_306, %dma_wait3A_312] : memref<3x125xi32, #tpu.memory_space<vmem>> -> memref<1x125xi32, #tpu.memory_space<vmem>>
        %dma_wait3A_314 = tpu.memref_squeeze %dma_wait3A_313 : memref<1x125xi32, #tpu.memory_space<vmem>> -> memref<125xi32, #tpu.memory_space<vmem>>
        %dma_wait3A_315 = arith.constant 0 : i32
        %dma_wait3A_316 = arith.constant 0 : i32
        %dma_wait3A_317 = tpu.memref_slice %arg2[%dma_wait3A_315, %dma_wait3A_316] : memref<20000x128xf32, #tpu.memory_space<hbm>> -> memref<20000x128xf32, #tpu.memory_space<hbm>>
        tpu.wait_indirect_dma semaphore(%arg12 : memref<!tpu.dma_semaphore, #tpu.memory_space<semaphore_mem>>) src(%dma_wait3A_317 : memref<20000x128xf32, #tpu.memory_space<hbm>>) dst(%dma_wait3A_311 : memref<125x128xf32, #tpu.memory_space<vmem>>)
        %add3A_318 = arith.constant 3 : i32
        %add3A_319 = arith.addi %add3A_291, %add3A_318 : i32
        %lt3A_320 = arith.constant 160 : i32
        %lt3A_321 = arith.cmpi slt, %add3A_319, %lt3A_320 : i32
        %convert_element_type3A_322 = arith.extui %lt3A_321 : i1 to i32
        %cond3A_323 = arith.constant 0 : i32
        %cond3A_324 = arith.cmpi ne, %convert_element_type3A_322, %cond3A_323 : i32
        scf.if %cond3A_324 {
          %add3A_356 = arith.constant 3 : i32
          %add3A_357 = arith.addi %add3A_291, %add3A_356 : i32
          %dma_start3A_358 = arith.constant 1 : i32
          %dma_start3A_359 = arith.constant 0 : i32
          %dma_start3A_360 = tpu.memref_slice %arg7[%dma_start3A_358, %dma_start3A_359] : memref<3x125xi32, #tpu.memory_space<vmem>> -> memref<1x125xi32, #tpu.memory_space<vmem>>
          %dma_start3A_361 = tpu.memref_squeeze %dma_start3A_360 : memref<1x125xi32, #tpu.memory_space<vmem>> -> memref<125xi32, #tpu.memory_space<vmem>>
          %dma_start3A_362 = arith.constant 0 : i32
          %dma_start3A_363 = tpu.memref_slice %arg3[%arg0, %arg1, %add3A_357, %dma_start3A_362] : memref<2x16x160x125xi32, #tpu.memory_space<hbm>> -> memref<1x1x1x125xi32, #tpu.memory_space<hbm>>
          %dma_start3A_364 = tpu.memref_squeeze %dma_start3A_363 : memref<1x1x1x125xi32, #tpu.memory_space<hbm>> -> memref<125xi32, #tpu.memory_space<hbm>>
          %dma_start3A_365 = arith.constant 0 : i32
          %dma_start3A_366 = tpu.memref_slice %arg7[%dma_start3A_358, %dma_start3A_365] : memref<3x125xi32, #tpu.memory_space<vmem>> -> memref<1x125xi32, #tpu.memory_space<vmem>>
          %dma_start3A_367 = tpu.memref_squeeze %dma_start3A_366 : memref<1x125xi32, #tpu.memory_space<vmem>> -> memref<125xi32, #tpu.memory_space<vmem>>
          %dma_start3A_368 = arith.constant 0 : i32
          %dma_start3A_369 = tpu.memref_slice %arg3[%arg0, %arg1, %add3A_357, %dma_start3A_368] : memref<2x16x160x125xi32, #tpu.memory_space<hbm>> -> memref<1x1x1x125xi32, #tpu.memory_space<hbm>>
          %dma_start3A_370 = tpu.memref_squeeze %dma_start3A_369 : memref<1x1x1x125xi32, #tpu.memory_space<hbm>> -> memref<125xi32, #tpu.memory_space<hbm>>
          tpu.enqueue_dma source(%dma_start3A_370 : memref<125xi32, #tpu.memory_space<hbm>>) target(%dma_start3A_367 : memref<125xi32, #tpu.memory_space<vmem>>) target_semaphore(%arg12 : memref<!tpu.dma_semaphore, #tpu.memory_space<semaphore_mem>>)
          %add3A_371 = arith.constant 3 : i32
          %add3A_372 = arith.addi %add3A_291, %add3A_371 : i32
          %dma_start3A_373 = arith.constant 1 : i32
          %dma_start3A_374 = arith.constant 0 : i32
          %dma_start3A_375 = tpu.memref_slice %arg8[%dma_start3A_373, %sub3A_281, %dma_start3A_374] : memref<3x2x125xi32, #tpu.memory_space<vmem>> -> memref<1x1x125xi32, #tpu.memory_space<vmem>>
          %dma_start3A_376 = tpu.memref_squeeze %dma_start3A_375 : memref<1x1x125xi32, #tpu.memory_space<vmem>> -> memref<125xi32, #tpu.memory_space<vmem>>
          %dma_start3A_377 = arith.constant 0 : i32
          %dma_start3A_378 = tpu.memref_slice %arg4[%arg1, %add3A_372, %dma_start3A_377] : memref<16x160x125xi32, #tpu.memory_space<hbm>> -> memref<1x1x125xi32, #tpu.memory_space<hbm>>
          %dma_start3A_379 = tpu.memref_squeeze %dma_start3A_378 : memref<1x1x125xi32, #tpu.memory_space<hbm>> -> memref<125xi32, #tpu.memory_space<hbm>>
          %dma_start3A_380 = arith.constant 0 : i32
          %dma_start3A_381 = tpu.memref_slice %arg8[%dma_start3A_373, %sub3A_281, %dma_start3A_380] : memref<3x2x125xi32, #tpu.memory_space<vmem>> -> memref<1x1x125xi32, #tpu.memory_space<vmem>>
          %dma_start3A_382 = tpu.memref_squeeze %dma_start3A_381 : memref<1x1x125xi32, #tpu.memory_space<vmem>> -> memref<125xi32, #tpu.memory_space<vmem>>
          %dma_start3A_383 = arith.constant 0 : i32
          %dma_start3A_384 = tpu.memref_slice %arg4[%arg1, %add3A_372, %dma_start3A_383] : memref<16x160x125xi32, #tpu.memory_space<hbm>> -> memref<1x1x125xi32, #tpu.memory_space<hbm>>
          %dma_start3A_385 = tpu.memref_squeeze %dma_start3A_384 : memref<1x1x125xi32, #tpu.memory_space<hbm>> -> memref<125xi32, #tpu.memory_space<hbm>>
          tpu.enqueue_dma source(%dma_start3A_385 : memref<125xi32, #tpu.memory_space<hbm>>) target(%dma_start3A_382 : memref<125xi32, #tpu.memory_space<vmem>>) target_semaphore(%arg12 : memref<!tpu.dma_semaphore, #tpu.memory_space<semaphore_mem>>)
        } else {
        }
        %dma_start3A_325 = arith.constant 1 : i32
        %dma_start3A_326 = arith.constant 1 : i32
        %dma_start3A_327 = arith.constant 0 : i32
        %dma_start3A_328 = arith.constant 0 : i32
        %dma_start3A_329 = tpu.memref_slice %arg9[%dma_start3A_325, %dma_start3A_327, %dma_start3A_328] : memref<3x125x128xf32, #tpu.memory_space<vmem>> -> memref<1x125x128xf32, #tpu.memory_space<vmem>>
        %dma_start3A_330 = tpu.memref_squeeze %dma_start3A_329 : memref<1x125x128xf32, #tpu.memory_space<vmem>> -> memref<125x128xf32, #tpu.memory_space<vmem>>
        %dma_start3A_331 = arith.constant 0 : i32
        %dma_start3A_332 = tpu.memref_slice %arg8[%dma_start3A_326, %rem3A_280, %dma_start3A_331] : memref<3x2x125xi32, #tpu.memory_space<vmem>> -> memref<1x1x125xi32, #tpu.memory_space<vmem>>
        %dma_start3A_333 = tpu.memref_squeeze %dma_start3A_332 : memref<1x1x125xi32, #tpu.memory_space<vmem>> -> memref<125xi32, #tpu.memory_space<vmem>>
        %dma_start3A_334 = arith.constant 0 : i32
        %dma_start3A_335 = arith.constant 0 : i32
        %dma_start3A_336 = tpu.memref_slice %arg10[%dma_start3A_334, %dma_start3A_335] : memref<10000x128xf32, #tpu.memory_space<vmem_shared>> -> memref<10000x128xf32, #tpu.memory_space<vmem_shared>>
        tpu.enqueue_indirect_dma source(%dma_start3A_330 : memref<125x128xf32, #tpu.memory_space<vmem>>) target(%dma_start3A_336 : memref<10000x128xf32, #tpu.memory_space<vmem_shared>>) offsets(%dma_start3A_333 : memref<125xi32, #tpu.memory_space<vmem>>) semaphore(%arg16 : memref<!tpu.dma_semaphore, #tpu.memory_space<semaphore_mem>>) {add = true}
        %dma_wait3A_337 = arith.constant 1 : i32
        %dma_wait3A_338 = arith.constant 1 : i32
        %dma_wait3A_339 = arith.constant 0 : i32
        %dma_wait3A_340 = arith.constant 0 : i32
        %dma_wait3A_341 = tpu.memref_slice %arg9[%dma_wait3A_337, %dma_wait3A_339, %dma_wait3A_340] : memref<3x125x128xf32, #tpu.memory_space<vmem>> -> memref<1x125x128xf32, #tpu.memory_space<vmem>>
        %dma_wait3A_342 = tpu.memref_squeeze %dma_wait3A_341 : memref<1x125x128xf32, #tpu.memory_space<vmem>> -> memref<125x128xf32, #tpu.memory_space<vmem>>
        %dma_wait3A_343 = arith.constant 0 : i32
        %dma_wait3A_344 = tpu.memref_slice %arg8[%dma_wait3A_338, %rem3A_280, %dma_wait3A_343] : memref<3x2x125xi32, #tpu.memory_space<vmem>> -> memref<1x1x125xi32, #tpu.memory_space<vmem>>
        %dma_wait3A_345 = tpu.memref_squeeze %dma_wait3A_344 : memref<1x1x125xi32, #tpu.memory_space<vmem>> -> memref<125xi32, #tpu.memory_space<vmem>>
        %dma_wait3A_346 = arith.constant 0 : i32
        %dma_wait3A_347 = arith.constant 0 : i32
        %dma_wait3A_348 = tpu.memref_slice %arg10[%dma_wait3A_346, %dma_wait3A_347] : memref<10000x128xf32, #tpu.memory_space<vmem_shared>> -> memref<10000x128xf32, #tpu.memory_space<vmem_shared>>
        tpu.wait_indirect_dma semaphore(%arg16 : memref<!tpu.dma_semaphore, #tpu.memory_space<semaphore_mem>>) src(%dma_wait3A_342 : memref<125x128xf32, #tpu.memory_space<vmem>>) dst(%dma_wait3A_348 : memref<10000x128xf32, #tpu.memory_space<vmem_shared>>)
        %add3A_349 = arith.constant 3 : i32
        %add3A_350 = arith.addi %add3A_291, %add3A_349 : i32
        %lt3A_351 = arith.constant 160 : i32
        %lt3A_352 = arith.cmpi slt, %add3A_350, %lt3A_351 : i32
        %convert_element_type3A_353 = arith.extui %lt3A_352 : i1 to i32
        %cond3A_354 = arith.constant 0 : i32
        %cond3A_355 = arith.cmpi ne, %convert_element_type3A_353, %cond3A_354 : i32
        scf.if %cond3A_355 {
          %add3A_356 = arith.constant 3 : i32
          %add3A_357 = arith.addi %add3A_291, %add3A_356 : i32
          %dma_wait3A_358 = arith.constant 1 : i32
          %dma_wait3A_359 = arith.constant 0 : i32
          %dma_wait3A_360 = tpu.memref_slice %arg7[%dma_wait3A_358, %dma_wait3A_359] : memref<3x125xi32, #tpu.memory_space<vmem>> -> memref<1x125xi32, #tpu.memory_space<vmem>>
          %dma_wait3A_361 = tpu.memref_squeeze %dma_wait3A_360 : memref<1x125xi32, #tpu.memory_space<vmem>> -> memref<125xi32, #tpu.memory_space<vmem>>
          %dma_wait3A_362 = arith.constant 0 : i32
          %dma_wait3A_363 = tpu.memref_slice %arg3[%arg0, %arg1, %add3A_357, %dma_wait3A_362] : memref<2x16x160x125xi32, #tpu.memory_space<hbm>> -> memref<1x1x1x125xi32, #tpu.memory_space<hbm>>
          %dma_wait3A_364 = tpu.memref_squeeze %dma_wait3A_363 : memref<1x1x1x125xi32, #tpu.memory_space<hbm>> -> memref<125xi32, #tpu.memory_space<hbm>>
          %dma_wait3A_365 = arith.constant 0 : i32
          %dma_wait3A_366 = tpu.memref_slice %arg7[%dma_wait3A_358, %dma_wait3A_365] : memref<3x125xi32, #tpu.memory_space<vmem>> -> memref<1x125xi32, #tpu.memory_space<vmem>>
          %dma_wait3A_367 = tpu.memref_squeeze %dma_wait3A_366 : memref<1x125xi32, #tpu.memory_space<vmem>> -> memref<125xi32, #tpu.memory_space<vmem>>
          %dma_wait3A_368 = arith.constant 0 : i32
          %dma_wait3A_369 = tpu.memref_slice %arg3[%arg0, %arg1, %add3A_357, %dma_wait3A_368] : memref<2x16x160x125xi32, #tpu.memory_space<hbm>> -> memref<1x1x1x125xi32, #tpu.memory_space<hbm>>
          %dma_wait3A_370 = tpu.memref_squeeze %dma_wait3A_369 : memref<1x1x1x125xi32, #tpu.memory_space<hbm>> -> memref<125xi32, #tpu.memory_space<hbm>>
          tpu.wait_dma2 semaphore(%arg12 : memref<!tpu.dma_semaphore, #tpu.memory_space<semaphore_mem>>) src(%dma_wait3A_370 : memref<125xi32, #tpu.memory_space<hbm>>) dst(%dma_wait3A_367 : memref<125xi32, #tpu.memory_space<vmem>>)
          %add3A_371 = arith.constant 3 : i32
          %add3A_372 = arith.addi %add3A_291, %add3A_371 : i32
          %dma_wait3A_373 = arith.constant 1 : i32
          %dma_wait3A_374 = arith.constant 0 : i32
          %dma_wait3A_375 = tpu.memref_slice %arg8[%dma_wait3A_373, %sub3A_281, %dma_wait3A_374] : memref<3x2x125xi32, #tpu.memory_space<vmem>> -> memref<1x1x125xi32, #tpu.memory_space<vmem>>
          %dma_wait3A_376 = tpu.memref_squeeze %dma_wait3A_375 : memref<1x1x125xi32, #tpu.memory_space<vmem>> -> memref<125xi32, #tpu.memory_space<vmem>>
          %dma_wait3A_377 = arith.constant 0 : i32
          %dma_wait3A_378 = tpu.memref_slice %arg4[%arg1, %add3A_372, %dma_wait3A_377] : memref<16x160x125xi32, #tpu.memory_space<hbm>> -> memref<1x1x125xi32, #tpu.memory_space<hbm>>
          %dma_wait3A_379 = tpu.memref_squeeze %dma_wait3A_378 : memref<1x1x125xi32, #tpu.memory_space<hbm>> -> memref<125xi32, #tpu.memory_space<hbm>>
          %dma_wait3A_380 = arith.constant 0 : i32
          %dma_wait3A_381 = tpu.memref_slice %arg8[%dma_wait3A_373, %sub3A_281, %dma_wait3A_380] : memref<3x2x125xi32, #tpu.memory_space<vmem>> -> memref<1x1x125xi32, #tpu.memory_space<vmem>>
          %dma_wait3A_382 = tpu.memref_squeeze %dma_wait3A_381 : memref<1x1x125xi32, #tpu.memory_space<vmem>> -> memref<125xi32, #tpu.memory_space<vmem>>
          %dma_wait3A_383 = arith.constant 0 : i32
          %dma_wait3A_384 = tpu.memref_slice %arg4[%arg1, %add3A_372, %dma_wait3A_383] : memref<16x160x125xi32, #tpu.memory_space<hbm>> -> memref<1x1x125xi32, #tpu.memory_space<hbm>>
          %dma_wait3A_385 = tpu.memref_squeeze %dma_wait3A_384 : memref<1x1x125xi32, #tpu.memory_space<hbm>> -> memref<125xi32, #tpu.memory_space<hbm>>
          tpu.wait_dma2 semaphore(%arg12 : memref<!tpu.dma_semaphore, #tpu.memory_space<semaphore_mem>>) src(%dma_wait3A_385 : memref<125xi32, #tpu.memory_space<hbm>>) dst(%dma_wait3A_382 : memref<125xi32, #tpu.memory_space<vmem>>)
          %dma_start3A_386 = arith.constant 1 : i32
          %dma_start3A_387 = arith.constant 1 : i32
          %dma_start3A_388 = arith.constant 0 : i32
          %dma_start3A_389 = arith.constant 0 : i32
          %dma_start3A_390 = tpu.memref_slice %arg9[%dma_start3A_387, %dma_start3A_388, %dma_start3A_389] : memref<3x125x128xf32, #tpu.memory_space<vmem>> -> memref<1x125x128xf32, #tpu.memory_space<vmem>>
          %dma_start3A_391 = tpu.memref_squeeze %dma_start3A_390 : memref<1x125x128xf32, #tpu.memory_space<vmem>> -> memref<125x128xf32, #tpu.memory_space<vmem>>
          %dma_start3A_392 = arith.constant 0 : i32
          %dma_start3A_393 = tpu.memref_slice %arg7[%dma_start3A_386, %dma_start3A_392] : memref<3x125xi32, #tpu.memory_space<vmem>> -> memref<1x125xi32, #tpu.memory_space<vmem>>
          %dma_start3A_394 = tpu.memref_squeeze %dma_start3A_393 : memref<1x125xi32, #tpu.memory_space<vmem>> -> memref<125xi32, #tpu.memory_space<vmem>>
          %dma_start3A_395 = arith.constant 0 : i32
          %dma_start3A_396 = arith.constant 0 : i32
          %dma_start3A_397 = tpu.memref_slice %arg2[%dma_start3A_395, %dma_start3A_396] : memref<20000x128xf32, #tpu.memory_space<hbm>> -> memref<20000x128xf32, #tpu.memory_space<hbm>>
          tpu.enqueue_indirect_dma source(%dma_start3A_397 : memref<20000x128xf32, #tpu.memory_space<hbm>>) target(%dma_start3A_391 : memref<125x128xf32, #tpu.memory_space<vmem>>) offsets(%dma_start3A_394 : memref<125xi32, #tpu.memory_space<vmem>>) semaphore(%arg12 : memref<!tpu.dma_semaphore, #tpu.memory_space<semaphore_mem>>)
        } else {
        }
      } else {
      }
      %mul3A_297 = arith.constant 3 : i32
      %mul3A_298 = arith.muli %scan3A_279, %mul3A_297 : i32
      %add3A_299 = arith.constant 2 : i32
      %add3A_300 = arith.addi %mul3A_298, %add3A_299 : i32
      %lt3A_301 = arith.constant 160 : i32
      %lt3A_302 = arith.cmpi slt, %add3A_300, %lt3A_301 : i32
      %convert_element_type3A_303 = arith.extui %lt3A_302 : i1 to i32
      %cond3A_304 = arith.constant 0 : i32
      %cond3A_305 = arith.cmpi ne, %convert_element_type3A_303, %cond3A_304 : i32
      scf.if %cond3A_305 {
        %dma_wait3A_306 = arith.constant 2 : i32
        %dma_wait3A_307 = arith.constant 2 : i32
        %dma_wait3A_308 = arith.constant 0 : i32
        %dma_wait3A_309 = arith.constant 0 : i32
        %dma_wait3A_310 = tpu.memref_slice %arg9[%dma_wait3A_307, %dma_wait3A_308, %dma_wait3A_309] : memref<3x125x128xf32, #tpu.memory_space<vmem>> -> memref<1x125x128xf32, #tpu.memory_space<vmem>>
        %dma_wait3A_311 = tpu.memref_squeeze %dma_wait3A_310 : memref<1x125x128xf32, #tpu.memory_space<vmem>> -> memref<125x128xf32, #tpu.memory_space<vmem>>
        %dma_wait3A_312 = arith.constant 0 : i32
        %dma_wait3A_313 = tpu.memref_slice %arg7[%dma_wait3A_306, %dma_wait3A_312] : memref<3x125xi32, #tpu.memory_space<vmem>> -> memref<1x125xi32, #tpu.memory_space<vmem>>
        %dma_wait3A_314 = tpu.memref_squeeze %dma_wait3A_313 : memref<1x125xi32, #tpu.memory_space<vmem>> -> memref<125xi32, #tpu.memory_space<vmem>>
        %dma_wait3A_315 = arith.constant 0 : i32
        %dma_wait3A_316 = arith.constant 0 : i32
        %dma_wait3A_317 = tpu.memref_slice %arg2[%dma_wait3A_315, %dma_wait3A_316] : memref<20000x128xf32, #tpu.memory_space<hbm>> -> memref<20000x128xf32, #tpu.memory_space<hbm>>
        tpu.wait_indirect_dma semaphore(%arg13 : memref<!tpu.dma_semaphore, #tpu.memory_space<semaphore_mem>>) src(%dma_wait3A_317 : memref<20000x128xf32, #tpu.memory_space<hbm>>) dst(%dma_wait3A_311 : memref<125x128xf32, #tpu.memory_space<vmem>>)
        %add3A_318 = arith.constant 3 : i32
        %add3A_319 = arith.addi %add3A_300, %add3A_318 : i32
        %lt3A_320 = arith.constant 160 : i32
        %lt3A_321 = arith.cmpi slt, %add3A_319, %lt3A_320 : i32
        %convert_element_type3A_322 = arith.extui %lt3A_321 : i1 to i32
        %cond3A_323 = arith.constant 0 : i32
        %cond3A_324 = arith.cmpi ne, %convert_element_type3A_322, %cond3A_323 : i32
        scf.if %cond3A_324 {
          %add3A_356 = arith.constant 3 : i32
          %add3A_357 = arith.addi %add3A_300, %add3A_356 : i32
          %dma_start3A_358 = arith.constant 2 : i32
          %dma_start3A_359 = arith.constant 0 : i32
          %dma_start3A_360 = tpu.memref_slice %arg7[%dma_start3A_358, %dma_start3A_359] : memref<3x125xi32, #tpu.memory_space<vmem>> -> memref<1x125xi32, #tpu.memory_space<vmem>>
          %dma_start3A_361 = tpu.memref_squeeze %dma_start3A_360 : memref<1x125xi32, #tpu.memory_space<vmem>> -> memref<125xi32, #tpu.memory_space<vmem>>
          %dma_start3A_362 = arith.constant 0 : i32
          %dma_start3A_363 = tpu.memref_slice %arg3[%arg0, %arg1, %add3A_357, %dma_start3A_362] : memref<2x16x160x125xi32, #tpu.memory_space<hbm>> -> memref<1x1x1x125xi32, #tpu.memory_space<hbm>>
          %dma_start3A_364 = tpu.memref_squeeze %dma_start3A_363 : memref<1x1x1x125xi32, #tpu.memory_space<hbm>> -> memref<125xi32, #tpu.memory_space<hbm>>
          %dma_start3A_365 = arith.constant 0 : i32
          %dma_start3A_366 = tpu.memref_slice %arg7[%dma_start3A_358, %dma_start3A_365] : memref<3x125xi32, #tpu.memory_space<vmem>> -> memref<1x125xi32, #tpu.memory_space<vmem>>
          %dma_start3A_367 = tpu.memref_squeeze %dma_start3A_366 : memref<1x125xi32, #tpu.memory_space<vmem>> -> memref<125xi32, #tpu.memory_space<vmem>>
          %dma_start3A_368 = arith.constant 0 : i32
          %dma_start3A_369 = tpu.memref_slice %arg3[%arg0, %arg1, %add3A_357, %dma_start3A_368] : memref<2x16x160x125xi32, #tpu.memory_space<hbm>> -> memref<1x1x1x125xi32, #tpu.memory_space<hbm>>
          %dma_start3A_370 = tpu.memref_squeeze %dma_start3A_369 : memref<1x1x1x125xi32, #tpu.memory_space<hbm>> -> memref<125xi32, #tpu.memory_space<hbm>>
          tpu.enqueue_dma source(%dma_start3A_370 : memref<125xi32, #tpu.memory_space<hbm>>) target(%dma_start3A_367 : memref<125xi32, #tpu.memory_space<vmem>>) target_semaphore(%arg13 : memref<!tpu.dma_semaphore, #tpu.memory_space<semaphore_mem>>)
          %add3A_371 = arith.constant 3 : i32
          %add3A_372 = arith.addi %add3A_300, %add3A_371 : i32
          %dma_start3A_373 = arith.constant 2 : i32
          %dma_start3A_374 = arith.constant 0 : i32
          %dma_start3A_375 = tpu.memref_slice %arg8[%dma_start3A_373, %sub3A_281, %dma_start3A_374] : memref<3x2x125xi32, #tpu.memory_space<vmem>> -> memref<1x1x125xi32, #tpu.memory_space<vmem>>
          %dma_start3A_376 = tpu.memref_squeeze %dma_start3A_375 : memref<1x1x125xi32, #tpu.memory_space<vmem>> -> memref<125xi32, #tpu.memory_space<vmem>>
          %dma_start3A_377 = arith.constant 0 : i32
          %dma_start3A_378 = tpu.memref_slice %arg4[%arg1, %add3A_372, %dma_start3A_377] : memref<16x160x125xi32, #tpu.memory_space<hbm>> -> memref<1x1x125xi32, #tpu.memory_space<hbm>>
          %dma_start3A_379 = tpu.memref_squeeze %dma_start3A_378 : memref<1x1x125xi32, #tpu.memory_space<hbm>> -> memref<125xi32, #tpu.memory_space<hbm>>
          %dma_start3A_380 = arith.constant 0 : i32
          %dma_start3A_381 = tpu.memref_slice %arg8[%dma_start3A_373, %sub3A_281, %dma_start3A_380] : memref<3x2x125xi32, #tpu.memory_space<vmem>> -> memref<1x1x125xi32, #tpu.memory_space<vmem>>
          %dma_start3A_382 = tpu.memref_squeeze %dma_start3A_381 : memref<1x1x125xi32, #tpu.memory_space<vmem>> -> memref<125xi32, #tpu.memory_space<vmem>>
          %dma_start3A_383 = arith.constant 0 : i32
          %dma_start3A_384 = tpu.memref_slice %arg4[%arg1, %add3A_372, %dma_start3A_383] : memref<16x160x125xi32, #tpu.memory_space<hbm>> -> memref<1x1x125xi32, #tpu.memory_space<hbm>>
          %dma_start3A_385 = tpu.memref_squeeze %dma_start3A_384 : memref<1x1x125xi32, #tpu.memory_space<hbm>> -> memref<125xi32, #tpu.memory_space<hbm>>
          tpu.enqueue_dma source(%dma_start3A_385 : memref<125xi32, #tpu.memory_space<hbm>>) target(%dma_start3A_382 : memref<125xi32, #tpu.memory_space<vmem>>) target_semaphore(%arg13 : memref<!tpu.dma_semaphore, #tpu.memory_space<semaphore_mem>>)
        } else {
        }
        %dma_start3A_325 = arith.constant 2 : i32
        %dma_start3A_326 = arith.constant 2 : i32
        %dma_start3A_327 = arith.constant 0 : i32
        %dma_start3A_328 = arith.constant 0 : i32
        %dma_start3A_329 = tpu.memref_slice %arg9[%dma_start3A_325, %dma_start3A_327, %dma_start3A_328] : memref<3x125x128xf32, #tpu.memory_space<vmem>> -> memref<1x125x128xf32, #tpu.memory_space<vmem>>
        %dma_start3A_330 = tpu.memref_squeeze %dma_start3A_329 : memref<1x125x128xf32, #tpu.memory_space<vmem>> -> memref<125x128xf32, #tpu.memory_space<vmem>>
        %dma_start3A_331 = arith.constant 0 : i32
        %dma_start3A_332 = tpu.memref_slice %arg8[%dma_start3A_326, %rem3A_280, %dma_start3A_331] : memref<3x2x125xi32, #tpu.memory_space<vmem>> -> memref<1x1x125xi32, #tpu.memory_space<vmem>>
        %dma_start3A_333 = tpu.memref_squeeze %dma_start3A_332 : memref<1x1x125xi32, #tpu.memory_space<vmem>> -> memref<125xi32, #tpu.memory_space<vmem>>
        %dma_start3A_334 = arith.constant 0 : i32
        %dma_start3A_335 = arith.constant 0 : i32
        %dma_start3A_336 = tpu.memref_slice %arg10[%dma_start3A_334, %dma_start3A_335] : memref<10000x128xf32, #tpu.memory_space<vmem_shared>> -> memref<10000x128xf32, #tpu.memory_space<vmem_shared>>
        tpu.enqueue_indirect_dma source(%dma_start3A_330 : memref<125x128xf32, #tpu.memory_space<vmem>>) target(%dma_start3A_336 : memref<10000x128xf32, #tpu.memory_space<vmem_shared>>) offsets(%dma_start3A_333 : memref<125xi32, #tpu.memory_space<vmem>>) semaphore(%arg17 : memref<!tpu.dma_semaphore, #tpu.memory_space<semaphore_mem>>) {add = true}
        %dma_wait3A_337 = arith.constant 2 : i32
        %dma_wait3A_338 = arith.constant 2 : i32
        %dma_wait3A_339 = arith.constant 0 : i32
        %dma_wait3A_340 = arith.constant 0 : i32
        %dma_wait3A_341 = tpu.memref_slice %arg9[%dma_wait3A_337, %dma_wait3A_339, %dma_wait3A_340] : memref<3x125x128xf32, #tpu.memory_space<vmem>> -> memref<1x125x128xf32, #tpu.memory_space<vmem>>
        %dma_wait3A_342 = tpu.memref_squeeze %dma_wait3A_341 : memref<1x125x128xf32, #tpu.memory_space<vmem>> -> memref<125x128xf32, #tpu.memory_space<vmem>>
        %dma_wait3A_343 = arith.constant 0 : i32
        %dma_wait3A_344 = tpu.memref_slice %arg8[%dma_wait3A_338, %rem3A_280, %dma_wait3A_343] : memref<3x2x125xi32, #tpu.memory_space<vmem>> -> memref<1x1x125xi32, #tpu.memory_space<vmem>>
        %dma_wait3A_345 = tpu.memref_squeeze %dma_wait3A_344 : memref<1x1x125xi32, #tpu.memory_space<vmem>> -> memref<125xi32, #tpu.memory_space<vmem>>
        %dma_wait3A_346 = arith.constant 0 : i32
        %dma_wait3A_347 = arith.constant 0 : i32
        %dma_wait3A_348 = tpu.memref_slice %arg10[%dma_wait3A_346, %dma_wait3A_347] : memref<10000x128xf32, #tpu.memory_space<vmem_shared>> -> memref<10000x128xf32, #tpu.memory_space<vmem_shared>>
        tpu.wait_indirect_dma semaphore(%arg17 : memref<!tpu.dma_semaphore, #tpu.memory_space<semaphore_mem>>) src(%dma_wait3A_342 : memref<125x128xf32, #tpu.memory_space<vmem>>) dst(%dma_wait3A_348 : memref<10000x128xf32, #tpu.memory_space<vmem_shared>>)
        %add3A_349 = arith.constant 3 : i32
        %add3A_350 = arith.addi %add3A_300, %add3A_349 : i32
        %lt3A_351 = arith.constant 160 : i32
        %lt3A_352 = arith.cmpi slt, %add3A_350, %lt3A_351 : i32
        %convert_element_type3A_353 = arith.extui %lt3A_352 : i1 to i32
        %cond3A_354 = arith.constant 0 : i32
        %cond3A_355 = arith.cmpi ne, %convert_element_type3A_353, %cond3A_354 : i32
        scf.if %cond3A_355 {
          %add3A_356 = arith.constant 3 : i32
          %add3A_357 = arith.addi %add3A_300, %add3A_356 : i32
          %dma_wait3A_358 = arith.constant 2 : i32
          %dma_wait3A_359 = arith.constant 0 : i32
          %dma_wait3A_360 = tpu.memref_slice %arg7[%dma_wait3A_358, %dma_wait3A_359] : memref<3x125xi32, #tpu.memory_space<vmem>> -> memref<1x125xi32, #tpu.memory_space<vmem>>
          %dma_wait3A_361 = tpu.memref_squeeze %dma_wait3A_360 : memref<1x125xi32, #tpu.memory_space<vmem>> -> memref<125xi32, #tpu.memory_space<vmem>>
          %dma_wait3A_362 = arith.constant 0 : i32
          %dma_wait3A_363 = tpu.memref_slice %arg3[%arg0, %arg1, %add3A_357, %dma_wait3A_362] : memref<2x16x160x125xi32, #tpu.memory_space<hbm>> -> memref<1x1x1x125xi32, #tpu.memory_space<hbm>>
          %dma_wait3A_364 = tpu.memref_squeeze %dma_wait3A_363 : memref<1x1x1x125xi32, #tpu.memory_space<hbm>> -> memref<125xi32, #tpu.memory_space<hbm>>
          %dma_wait3A_365 = arith.constant 0 : i32
          %dma_wait3A_366 = tpu.memref_slice %arg7[%dma_wait3A_358, %dma_wait3A_365] : memref<3x125xi32, #tpu.memory_space<vmem>> -> memref<1x125xi32, #tpu.memory_space<vmem>>
          %dma_wait3A_367 = tpu.memref_squeeze %dma_wait3A_366 : memref<1x125xi32, #tpu.memory_space<vmem>> -> memref<125xi32, #tpu.memory_space<vmem>>
          %dma_wait3A_368 = arith.constant 0 : i32
          %dma_wait3A_369 = tpu.memref_slice %arg3[%arg0, %arg1, %add3A_357, %dma_wait3A_368] : memref<2x16x160x125xi32, #tpu.memory_space<hbm>> -> memref<1x1x1x125xi32, #tpu.memory_space<hbm>>
          %dma_wait3A_370 = tpu.memref_squeeze %dma_wait3A_369 : memref<1x1x1x125xi32, #tpu.memory_space<hbm>> -> memref<125xi32, #tpu.memory_space<hbm>>
          tpu.wait_dma2 semaphore(%arg13 : memref<!tpu.dma_semaphore, #tpu.memory_space<semaphore_mem>>) src(%dma_wait3A_370 : memref<125xi32, #tpu.memory_space<hbm>>) dst(%dma_wait3A_367 : memref<125xi32, #tpu.memory_space<vmem>>)
          %add3A_371 = arith.constant 3 : i32
          %add3A_372 = arith.addi %add3A_300, %add3A_371 : i32
          %dma_wait3A_373 = arith.constant 2 : i32
          %dma_wait3A_374 = arith.constant 0 : i32
          %dma_wait3A_375 = tpu.memref_slice %arg8[%dma_wait3A_373, %sub3A_281, %dma_wait3A_374] : memref<3x2x125xi32, #tpu.memory_space<vmem>> -> memref<1x1x125xi32, #tpu.memory_space<vmem>>
          %dma_wait3A_376 = tpu.memref_squeeze %dma_wait3A_375 : memref<1x1x125xi32, #tpu.memory_space<vmem>> -> memref<125xi32, #tpu.memory_space<vmem>>
          %dma_wait3A_377 = arith.constant 0 : i32
          %dma_wait3A_378 = tpu.memref_slice %arg4[%arg1, %add3A_372, %dma_wait3A_377] : memref<16x160x125xi32, #tpu.memory_space<hbm>> -> memref<1x1x125xi32, #tpu.memory_space<hbm>>
          %dma_wait3A_379 = tpu.memref_squeeze %dma_wait3A_378 : memref<1x1x125xi32, #tpu.memory_space<hbm>> -> memref<125xi32, #tpu.memory_space<hbm>>
          %dma_wait3A_380 = arith.constant 0 : i32
          %dma_wait3A_381 = tpu.memref_slice %arg8[%dma_wait3A_373, %sub3A_281, %dma_wait3A_380] : memref<3x2x125xi32, #tpu.memory_space<vmem>> -> memref<1x1x125xi32, #tpu.memory_space<vmem>>
          %dma_wait3A_382 = tpu.memref_squeeze %dma_wait3A_381 : memref<1x1x125xi32, #tpu.memory_space<vmem>> -> memref<125xi32, #tpu.memory_space<vmem>>
          %dma_wait3A_383 = arith.constant 0 : i32
          %dma_wait3A_384 = tpu.memref_slice %arg4[%arg1, %add3A_372, %dma_wait3A_383] : memref<16x160x125xi32, #tpu.memory_space<hbm>> -> memref<1x1x125xi32, #tpu.memory_space<hbm>>
          %dma_wait3A_385 = tpu.memref_squeeze %dma_wait3A_384 : memref<1x1x125xi32, #tpu.memory_space<hbm>> -> memref<125xi32, #tpu.memory_space<hbm>>
          tpu.wait_dma2 semaphore(%arg13 : memref<!tpu.dma_semaphore, #tpu.memory_space<semaphore_mem>>) src(%dma_wait3A_385 : memref<125xi32, #tpu.memory_space<hbm>>) dst(%dma_wait3A_382 : memref<125xi32, #tpu.memory_space<vmem>>)
          %dma_start3A_386 = arith.constant 2 : i32
          %dma_start3A_387 = arith.constant 2 : i32
          %dma_start3A_388 = arith.constant 0 : i32
          %dma_start3A_389 = arith.constant 0 : i32
          %dma_start3A_390 = tpu.memref_slice %arg9[%dma_start3A_387, %dma_start3A_388, %dma_start3A_389] : memref<3x125x128xf32, #tpu.memory_space<vmem>> -> memref<1x125x128xf32, #tpu.memory_space<vmem>>
          %dma_start3A_391 = tpu.memref_squeeze %dma_start3A_390 : memref<1x125x128xf32, #tpu.memory_space<vmem>> -> memref<125x128xf32, #tpu.memory_space<vmem>>
          %dma_start3A_392 = arith.constant 0 : i32
          %dma_start3A_393 = tpu.memref_slice %arg7[%dma_start3A_386, %dma_start3A_392] : memref<3x125xi32, #tpu.memory_space<vmem>> -> memref<1x125xi32, #tpu.memory_space<vmem>>
          %dma_start3A_394 = tpu.memref_squeeze %dma_start3A_393 : memref<1x125xi32, #tpu.memory_space<vmem>> -> memref<125xi32, #tpu.memory_space<vmem>>
          %dma_start3A_395 = arith.constant 0 : i32
          %dma_start3A_396 = arith.constant 0 : i32
          %dma_start3A_397 = tpu.memref_slice %arg2[%dma_start3A_395, %dma_start3A_396] : memref<20000x128xf32, #tpu.memory_space<hbm>> -> memref<20000x128xf32, #tpu.memory_space<hbm>>
          tpu.enqueue_indirect_dma source(%dma_start3A_397 : memref<20000x128xf32, #tpu.memory_space<hbm>>) target(%dma_start3A_391 : memref<125x128xf32, #tpu.memory_space<vmem>>) offsets(%dma_start3A_394 : memref<125xi32, #tpu.memory_space<vmem>>) semaphore(%arg13 : memref<!tpu.dma_semaphore, #tpu.memory_space<semaphore_mem>>)
        } else {
        }
      } else {
      }
    }
    %scan3A_270 = arith.constant 54 : i32
    %barrier3A_271 = arith.constant 0 : index
    tpu.barrier barrier_id(%barrier3A_271)
    %mul3A_272 = arith.constant 625 : i32
    %mul3A_273 = arith.muli %arg1, %mul3A_272 : i32
    %mul3A_274 = arith.constant 10000 : i32
    %mul3A_275 = arith.muli %arg0, %mul3A_274 : i32
    %mul3A_276 = arith.constant 625 : i32
    %mul3A_277 = arith.muli %arg1, %mul3A_276 : i32
    %add3A_278 = arith.addi %mul3A_275, %mul3A_277 : i32
    "tpu.region"() ({
      %run_scoped3A = tpu.sem_alloc : memref<!tpu.dma_semaphore, #tpu.memory_space<semaphore_mem>>
      %dma_start3A_279 = arith.constant 0 : i32
      %dma_start3A_280 = tpu.memref_slice %arg6[%add3A_278, %dma_start3A_279] : memref<20000x128xf32, #tpu.memory_space<hbm>> -> memref<625x128xf32, #tpu.memory_space<hbm>>
      %dma_start3A_281 = arith.constant 0 : i32
      %dma_start3A_282 = tpu.memref_slice %arg10[%mul3A_273, %dma_start3A_281] : memref<10000x128xf32, #tpu.memory_space<vmem_shared>> -> memref<625x128xf32, #tpu.memory_space<vmem_shared>>
      tpu.enqueue_dma source(%dma_start3A_282 : memref<625x128xf32, #tpu.memory_space<vmem_shared>>) target(%dma_start3A_280 : memref<625x128xf32, #tpu.memory_space<hbm>>) target_semaphore(%run_scoped3A : memref<!tpu.dma_semaphore, #tpu.memory_space<semaphore_mem>>)
      %dma_wait3A_283 = arith.constant 0 : i32
      %dma_wait3A_284 = tpu.memref_slice %arg6[%add3A_278, %dma_wait3A_283] : memref<20000x128xf32, #tpu.memory_space<hbm>> -> memref<625x128xf32, #tpu.memory_space<hbm>>
      %dma_wait3A_285 = arith.constant 0 : i32
      %dma_wait3A_286 = tpu.memref_slice %arg10[%mul3A_273, %dma_wait3A_285] : memref<10000x128xf32, #tpu.memory_space<vmem_shared>> -> memref<625x128xf32, #tpu.memory_space<vmem_shared>>
      tpu.wait_dma2 semaphore(%run_scoped3A : memref<!tpu.dma_semaphore, #tpu.memory_space<semaphore_mem>>) src(%dma_wait3A_286 : memref<625x128xf32, #tpu.memory_space<vmem_shared>>) dst(%dma_wait3A_284 : memref<625x128xf32, #tpu.memory_space<hbm>>)
      tpu.yield
    }) : () -> ()
    return
  }
}

#map = affine_map<(d0, d1) -> (0, 0, 0, 0)>
#map1 = affine_map<(d0, d1) -> (0, 0)>
#map2 = affine_map<(d0, d1) -> (0, 0, 0)>
module attributes {stable_mosaic.version = 14 : i64} {
  func.func @_sc_degree(%arg0: i32, %arg1: i32, %arg2: memref<2x16x125x80xi32, #tpu.memory_space<hbm>>, %arg3: memref<640x16xf32, #tpu.memory_space<hbm>>, %arg4: memref<80x16xf32, #tpu.memory_space<hbm>>, %arg5: memref<2x10000x16xf32, #tpu.memory_space<hbm>>, %arg6: memref<80x16xf32, #tpu.memory_space<vmem>>, %arg7: memref<125x80xi32, #tpu.memory_space<vmem>>, %arg8: memref<10240x16xf32, #tpu.memory_space<vmem_shared>>) attributes {dimension_semantics = [#tpu.dimension_semantics<core_parallel>, #tpu.dimension_semantics<subcore_parallel>], iteration_bounds = array<i64: 2, 16>, scalar_prefetch = 0 : i64, scratch_operands = 3 : i64, tpu.core_type = #tpu.core_type<sc_vector_subcore>, window_params = [{transform_indices = #map}, {transform_indices = #map1}, {transform_indices = #map1}, {transform_indices = #map2}]} {
    %mul3A = arith.constant 640 : i32
    %mul3A_0 = arith.muli %arg1, %mul3A : i32
    "tpu.region"() ({
      %run_scoped3A = tpu.sem_alloc : memref<!tpu.dma_semaphore, #tpu.memory_space<semaphore_mem>>
      %dma_start3A = arith.constant 0 : i32
      %dma_start3A_9 = tpu.memref_slice %arg8[%mul3A_0, %dma_start3A] : memref<10240x16xf32, #tpu.memory_space<vmem_shared>> -> memref<640x16xf32, #tpu.memory_space<vmem_shared>>
      tpu.enqueue_dma source(%arg3 : memref<640x16xf32, #tpu.memory_space<hbm>>) target(%dma_start3A_9 : memref<640x16xf32, #tpu.memory_space<vmem_shared>>) target_semaphore(%run_scoped3A : memref<!tpu.dma_semaphore, #tpu.memory_space<semaphore_mem>>)
      %dma_wait3A = arith.constant 0 : i32
      %dma_wait3A_10 = tpu.memref_slice %arg8[%mul3A_0, %dma_wait3A] : memref<10240x16xf32, #tpu.memory_space<vmem_shared>> -> memref<640x16xf32, #tpu.memory_space<vmem_shared>>
      tpu.wait_dma2 semaphore(%run_scoped3A : memref<!tpu.dma_semaphore, #tpu.memory_space<semaphore_mem>>) src(%arg3 : memref<640x16xf32, #tpu.memory_space<hbm>>) dst(%dma_wait3A_10 : memref<640x16xf32, #tpu.memory_space<vmem_shared>>)
      tpu.yield
    }) : () -> ()
    "tpu.region"() ({
      %run_scoped3A = tpu.sem_alloc : memref<!tpu.dma_semaphore, #tpu.memory_space<semaphore_mem>>
      tpu.enqueue_dma source(%arg4 : memref<80x16xf32, #tpu.memory_space<hbm>>) target(%arg6 : memref<80x16xf32, #tpu.memory_space<vmem>>) target_semaphore(%run_scoped3A : memref<!tpu.dma_semaphore, #tpu.memory_space<semaphore_mem>>)
      tpu.wait_dma2 semaphore(%run_scoped3A : memref<!tpu.dma_semaphore, #tpu.memory_space<semaphore_mem>>) src(%arg4 : memref<80x16xf32, #tpu.memory_space<hbm>>) dst(%arg6 : memref<80x16xf32, #tpu.memory_space<vmem>>)
      tpu.yield
    }) : () -> ()
    "tpu.region"() ({
      %run_scoped3A = tpu.sem_alloc : memref<!tpu.dma_semaphore, #tpu.memory_space<semaphore_mem>>
      %dma_start3A = arith.constant 0 : i32
      %dma_start3A_9 = arith.constant 0 : i32
      %dma_start3A_10 = tpu.memref_slice %arg2[%arg0, %arg1, %dma_start3A, %dma_start3A_9] : memref<2x16x125x80xi32, #tpu.memory_space<hbm>> -> memref<1x1x125x80xi32, #tpu.memory_space<hbm>>
      %dma_start3A_11 = tpu.memref_squeeze %dma_start3A_10 : memref<1x1x125x80xi32, #tpu.memory_space<hbm>> -> memref<125x80xi32, #tpu.memory_space<hbm>>
      %dma_start3A_12 = arith.constant 0 : i32
      %dma_start3A_13 = arith.constant 0 : i32
      %dma_start3A_14 = tpu.memref_slice %arg2[%arg0, %arg1, %dma_start3A_12, %dma_start3A_13] : memref<2x16x125x80xi32, #tpu.memory_space<hbm>> -> memref<1x1x125x80xi32, #tpu.memory_space<hbm>>
      %dma_start3A_15 = tpu.memref_squeeze %dma_start3A_14 : memref<1x1x125x80xi32, #tpu.memory_space<hbm>> -> memref<125x80xi32, #tpu.memory_space<hbm>>
      tpu.enqueue_dma source(%dma_start3A_15 : memref<125x80xi32, #tpu.memory_space<hbm>>) target(%arg7 : memref<125x80xi32, #tpu.memory_space<vmem>>) target_semaphore(%run_scoped3A : memref<!tpu.dma_semaphore, #tpu.memory_space<semaphore_mem>>)
      %dma_wait3A = arith.constant 0 : i32
      %dma_wait3A_16 = arith.constant 0 : i32
      %dma_wait3A_17 = tpu.memref_slice %arg2[%arg0, %arg1, %dma_wait3A, %dma_wait3A_16] : memref<2x16x125x80xi32, #tpu.memory_space<hbm>> -> memref<1x1x125x80xi32, #tpu.memory_space<hbm>>
      %dma_wait3A_18 = tpu.memref_squeeze %dma_wait3A_17 : memref<1x1x125x80xi32, #tpu.memory_space<hbm>> -> memref<125x80xi32, #tpu.memory_space<hbm>>
      %dma_wait3A_19 = arith.constant 0 : i32
      %dma_wait3A_20 = arith.constant 0 : i32
      %dma_wait3A_21 = tpu.memref_slice %arg2[%arg0, %arg1, %dma_wait3A_19, %dma_wait3A_20] : memref<2x16x125x80xi32, #tpu.memory_space<hbm>> -> memref<1x1x125x80xi32, #tpu.memory_space<hbm>>
      %dma_wait3A_22 = tpu.memref_squeeze %dma_wait3A_21 : memref<1x1x125x80xi32, #tpu.memory_space<hbm>> -> memref<125x80xi32, #tpu.memory_space<hbm>>
      tpu.wait_dma2 semaphore(%run_scoped3A : memref<!tpu.dma_semaphore, #tpu.memory_space<semaphore_mem>>) src(%dma_wait3A_22 : memref<125x80xi32, #tpu.memory_space<hbm>>) dst(%arg7 : memref<125x80xi32, #tpu.memory_space<vmem>>)
      tpu.yield
    }) : () -> ()
    %barrier3A = arith.constant 0 : index
    tpu.barrier barrier_id(%barrier3A)
    %scan3A = arith.constant 0 : i32
    %scan3A_1 = arith.constant 0 : i32
    %scan3A_2 = arith.constant 125 : i32
    %scan3A_3 = arith.addi %scan3A_1, %scan3A_2 : i32
    %scan3A_4 = arith.constant 1 : i32
    scf.for %scan3A_9 = %scan3A_1 to %scan3A_3 step %scan3A_4  : i32 {
      "tpu.region"() ({
        %run_scoped3A = tpu.sem_alloc : memref<!tpu.dma_semaphore, #tpu.memory_space<semaphore_mem>>
        %dma_start3A = arith.constant 0 : i32
        %dma_start3A_10 = tpu.memref_slice %arg7[%scan3A_9, %dma_start3A] : memref<125x80xi32, #tpu.memory_space<vmem>> -> memref<1x80xi32, #tpu.memory_space<vmem>>
        %dma_start3A_11 = tpu.memref_squeeze %dma_start3A_10 : memref<1x80xi32, #tpu.memory_space<vmem>> -> memref<80xi32, #tpu.memory_space<vmem>>
        %dma_start3A_12 = arith.constant 0 : i32
        %dma_start3A_13 = arith.constant 0 : i32
        %dma_start3A_14 = tpu.memref_slice %arg8[%dma_start3A_12, %dma_start3A_13] : memref<10240x16xf32, #tpu.memory_space<vmem_shared>> -> memref<10240x16xf32, #tpu.memory_space<vmem_shared>>
        tpu.enqueue_indirect_dma source(%arg6 : memref<80x16xf32, #tpu.memory_space<vmem>>) target(%dma_start3A_14 : memref<10240x16xf32, #tpu.memory_space<vmem_shared>>) offsets(%dma_start3A_11 : memref<80xi32, #tpu.memory_space<vmem>>) semaphore(%run_scoped3A : memref<!tpu.dma_semaphore, #tpu.memory_space<semaphore_mem>>) {add = true}
        %dma_wait3A = arith.constant 0 : i32
        %dma_wait3A_15 = tpu.memref_slice %arg7[%scan3A_9, %dma_wait3A] : memref<125x80xi32, #tpu.memory_space<vmem>> -> memref<1x80xi32, #tpu.memory_space<vmem>>
        %dma_wait3A_16 = tpu.memref_squeeze %dma_wait3A_15 : memref<1x80xi32, #tpu.memory_space<vmem>> -> memref<80xi32, #tpu.memory_space<vmem>>
        %dma_wait3A_17 = arith.constant 0 : i32
        %dma_wait3A_18 = arith.constant 0 : i32
        %dma_wait3A_19 = tpu.memref_slice %arg8[%dma_wait3A_17, %dma_wait3A_18] : memref<10240x16xf32, #tpu.memory_space<vmem_shared>> -> memref<10240x16xf32, #tpu.memory_space<vmem_shared>>
        tpu.wait_indirect_dma semaphore(%run_scoped3A : memref<!tpu.dma_semaphore, #tpu.memory_space<semaphore_mem>>) src(%arg6 : memref<80x16xf32, #tpu.memory_space<vmem>>) dst(%dma_wait3A_19 : memref<10240x16xf32, #tpu.memory_space<vmem_shared>>)
        tpu.yield
      }) : () -> ()
    }
    %scan3A_5 = arith.constant 125 : i32
    %barrier3A_6 = arith.constant 0 : index
    tpu.barrier barrier_id(%barrier3A_6)
    %eq3A = arith.constant 0 : i32
    %eq3A_7 = arith.cmpi eq, %arg1, %eq3A : i32
    %convert_element_type3A = arith.extui %eq3A_7 : i1 to i32
    %cond3A = arith.constant 0 : i32
    %cond3A_8 = arith.cmpi ne, %convert_element_type3A, %cond3A : i32
    scf.if %cond3A_8 {
      "tpu.region"() ({
        %run_scoped3A = tpu.sem_alloc : memref<!tpu.dma_semaphore, #tpu.memory_space<semaphore_mem>>
        %dma_start3A = arith.constant 0 : i32
        %dma_start3A_9 = arith.constant 0 : i32
        %dma_start3A_10 = tpu.memref_slice %arg5[%arg0, %dma_start3A, %dma_start3A_9] : memref<2x10000x16xf32, #tpu.memory_space<hbm>> -> memref<1x10000x16xf32, #tpu.memory_space<hbm>>
        %dma_start3A_11 = tpu.memref_squeeze %dma_start3A_10 : memref<1x10000x16xf32, #tpu.memory_space<hbm>> -> memref<10000x16xf32, #tpu.memory_space<hbm>>
        %dma_start3A_12 = arith.constant 0 : i32
        %dma_start3A_13 = arith.constant 0 : i32
        %dma_start3A_14 = tpu.memref_slice %arg8[%dma_start3A_12, %dma_start3A_13] : memref<10240x16xf32, #tpu.memory_space<vmem_shared>> -> memref<10000x16xf32, #tpu.memory_space<vmem_shared>>
        tpu.enqueue_dma source(%dma_start3A_14 : memref<10000x16xf32, #tpu.memory_space<vmem_shared>>) target(%dma_start3A_11 : memref<10000x16xf32, #tpu.memory_space<hbm>>) target_semaphore(%run_scoped3A : memref<!tpu.dma_semaphore, #tpu.memory_space<semaphore_mem>>)
        %dma_wait3A = arith.constant 0 : i32
        %dma_wait3A_15 = arith.constant 0 : i32
        %dma_wait3A_16 = tpu.memref_slice %arg5[%arg0, %dma_wait3A, %dma_wait3A_15] : memref<2x10000x16xf32, #tpu.memory_space<hbm>> -> memref<1x10000x16xf32, #tpu.memory_space<hbm>>
        %dma_wait3A_17 = tpu.memref_squeeze %dma_wait3A_16 : memref<1x10000x16xf32, #tpu.memory_space<hbm>> -> memref<10000x16xf32, #tpu.memory_space<hbm>>
        %dma_wait3A_18 = arith.constant 0 : i32
        %dma_wait3A_19 = arith.constant 0 : i32
        %dma_wait3A_20 = tpu.memref_slice %arg8[%dma_wait3A_18, %dma_wait3A_19] : memref<10240x16xf32, #tpu.memory_space<vmem_shared>> -> memref<10000x16xf32, #tpu.memory_space<vmem_shared>>
        tpu.wait_dma2 semaphore(%run_scoped3A : memref<!tpu.dma_semaphore, #tpu.memory_space<semaphore_mem>>) src(%dma_wait3A_20 : memref<10000x16xf32, #tpu.memory_space<vmem_shared>>) dst(%dma_wait3A_17 : memref<10000x16xf32, #tpu.memory_space<hbm>>)
        tpu.yield
      }) : () -> ()
    } else {
    }
    return
  }
}

#map = affine_map<(d0, d1) -> (0, 0)>
#map1 = affine_map<(d0, d1) -> (0, 0, 0, 0)>
#map2 = affine_map<(d0, d1) -> (0, 0, 0)>
module attributes {stable_mosaic.version = 14 : i64} {
  func.func @_sc_scatter(%arg0: i32, %arg1: i32, %arg2: memref<20000x128xf32, #tpu.memory_space<hbm>>, %arg3: memref<2x16x160x125xi32, #tpu.memory_space<hbm>>, %arg4: memref<16x160x125xi32, #tpu.memory_space<hbm>>, %arg5: memref<125x128xf32, #tpu.memory_space<hbm>>, %arg6: memref<20000x128xf32, #tpu.memory_space<hbm>>, %arg7: memref<3x125xi32, #tpu.memory_space<vmem>>, %arg8: memref<3x2x125xi32, #tpu.memory_space<vmem>>, %arg9: memref<3x125x128xf32, #tpu.memory_space<vmem>>, %arg10: memref<10000x128xf32, #tpu.memory_space<vmem_shared>>, %arg11: memref<!tpu.dma_semaphore, #tpu.memory_space<semaphore_mem>>, %arg12: memref<!tpu.dma_semaphore, #tpu.memory_space<semaphore_mem>>, %arg13: memref<!tpu.dma_semaphore, #tpu.memory_space<semaphore_mem>>, %arg14: memref<!tpu.dma_semaphore, #tpu.memory_space<semaphore_mem>>, %arg15: memref<!tpu.dma_semaphore, #tpu.memory_space<semaphore_mem>>, %arg16: memref<!tpu.dma_semaphore, #tpu.memory_space<semaphore_mem>>, %arg17: memref<!tpu.dma_semaphore, #tpu.memory_space<semaphore_mem>>, %arg18: memref<!tpu.dma_semaphore, #tpu.memory_space<semaphore_mem>>) attributes {dimension_semantics = [#tpu.dimension_semantics<core_parallel>, #tpu.dimension_semantics<subcore_parallel>], iteration_bounds = array<i64: 2, 16>, scalar_prefetch = 0 : i64, scratch_operands = 12 : i64, tpu.core_type = #tpu.core_type<sc_vector_subcore>, window_params = [{transform_indices = #map}, {transform_indices = #map1}, {transform_indices = #map2}, {transform_indices = #map}, {transform_indices = #map}]} {
    %mul3A = arith.constant 625 : i32
    %mul3A_0 = arith.muli %arg1, %mul3A : i32
    %add3A = arith.constant 0 : i32
    %add3A_1 = arith.addi %mul3A_0, %add3A : i32
    %dma_start3A = arith.constant 0 : i32
    %dma_start3A_2 = tpu.memref_slice %arg10[%add3A_1, %dma_start3A] : memref<10000x128xf32, #tpu.memory_space<vmem_shared>> -> memref<125x128xf32, #tpu.memory_space<vmem_shared>>
    tpu.enqueue_dma source(%arg5 : memref<125x128xf32, #tpu.memory_space<hbm>>) target(%dma_start3A_2 : memref<125x128xf32, #tpu.memory_space<vmem_shared>>) target_semaphore(%arg15 : memref<!tpu.dma_semaphore, #tpu.memory_space<semaphore_mem>>)
    %mul3A_3 = arith.constant 625 : i32
    %mul3A_4 = arith.muli %arg1, %mul3A_3 : i32
    %add3A_5 = arith.constant 125 : i32
    %add3A_6 = arith.addi %mul3A_4, %add3A_5 : i32
    %dma_start3A_7 = arith.constant 0 : i32
    %dma_start3A_8 = tpu.memref_slice %arg10[%add3A_6, %dma_start3A_7] : memref<10000x128xf32, #tpu.memory_space<vmem_shared>> -> memref<125x128xf32, #tpu.memory_space<vmem_shared>>
    tpu.enqueue_dma source(%arg5 : memref<125x128xf32, #tpu.memory_space<hbm>>) target(%dma_start3A_8 : memref<125x128xf32, #tpu.memory_space<vmem_shared>>) target_semaphore(%arg15 : memref<!tpu.dma_semaphore, #tpu.memory_space<semaphore_mem>>)
    %mul3A_9 = arith.constant 625 : i32
    %mul3A_10 = arith.muli %arg1, %mul3A_9 : i32
    %add3A_11 = arith.constant 250 : i32
    %add3A_12 = arith.addi %mul3A_10, %add3A_11 : i32
    %dma_start3A_13 = arith.constant 0 : i32
    %dma_start3A_14 = tpu.memref_slice %arg10[%add3A_12, %dma_start3A_13] : memref<10000x128xf32, #tpu.memory_space<vmem_shared>> -> memref<125x128xf32, #tpu.memory_space<vmem_shared>>
    tpu.enqueue_dma source(%arg5 : memref<125x128xf32, #tpu.memory_space<hbm>>) target(%dma_start3A_14 : memref<125x128xf32, #tpu.memory_space<vmem_shared>>) target_semaphore(%arg15 : memref<!tpu.dma_semaphore, #tpu.memory_space<semaphore_mem>>)
    %mul3A_15 = arith.constant 625 : i32
    %mul3A_16 = arith.muli %arg1, %mul3A_15 : i32
    %add3A_17 = arith.constant 375 : i32
    %add3A_18 = arith.addi %mul3A_16, %add3A_17 : i32
    %dma_start3A_19 = arith.constant 0 : i32
    %dma_start3A_20 = tpu.memref_slice %arg10[%add3A_18, %dma_start3A_19] : memref<10000x128xf32, #tpu.memory_space<vmem_shared>> -> memref<125x128xf32, #tpu.memory_space<vmem_shared>>
    tpu.enqueue_dma source(%arg5 : memref<125x128xf32, #tpu.memory_space<hbm>>) target(%dma_start3A_20 : memref<125x128xf32, #tpu.memory_space<vmem_shared>>) target_semaphore(%arg15 : memref<!tpu.dma_semaphore, #tpu.memory_space<semaphore_mem>>)
    %mul3A_21 = arith.constant 625 : i32
    %mul3A_22 = arith.muli %arg1, %mul3A_21 : i32
    %add3A_23 = arith.constant 500 : i32
    %add3A_24 = arith.addi %mul3A_22, %add3A_23 : i32
    %dma_start3A_25 = arith.constant 0 : i32
    %dma_start3A_26 = tpu.memref_slice %arg10[%add3A_24, %dma_start3A_25] : memref<10000x128xf32, #tpu.memory_space<vmem_shared>> -> memref<125x128xf32, #tpu.memory_space<vmem_shared>>
    tpu.enqueue_dma source(%arg5 : memref<125x128xf32, #tpu.memory_space<hbm>>) target(%dma_start3A_26 : memref<125x128xf32, #tpu.memory_space<vmem_shared>>) target_semaphore(%arg15 : memref<!tpu.dma_semaphore, #tpu.memory_space<semaphore_mem>>)
    %mul3A_27 = arith.constant 625 : i32
    %mul3A_28 = arith.muli %arg1, %mul3A_27 : i32
    %add3A_29 = arith.constant 0 : i32
    %add3A_30 = arith.addi %mul3A_28, %add3A_29 : i32
    %dma_wait3A = arith.constant 0 : i32
    %dma_wait3A_31 = tpu.memref_slice %arg10[%add3A_30, %dma_wait3A] : memref<10000x128xf32, #tpu.memory_space<vmem_shared>> -> memref<125x128xf32, #tpu.memory_space<vmem_shared>>
    tpu.wait_dma2 semaphore(%arg15 : memref<!tpu.dma_semaphore, #tpu.memory_space<semaphore_mem>>) src(%arg5 : memref<125x128xf32, #tpu.memory_space<hbm>>) dst(%dma_wait3A_31 : memref<125x128xf32, #tpu.memory_space<vmem_shared>>)
    %mul3A_32 = arith.constant 625 : i32
    %mul3A_33 = arith.muli %arg1, %mul3A_32 : i32
    %add3A_34 = arith.constant 125 : i32
    %add3A_35 = arith.addi %mul3A_33, %add3A_34 : i32
    %dma_wait3A_36 = arith.constant 0 : i32
    %dma_wait3A_37 = tpu.memref_slice %arg10[%add3A_35, %dma_wait3A_36] : memref<10000x128xf32, #tpu.memory_space<vmem_shared>> -> memref<125x128xf32, #tpu.memory_space<vmem_shared>>
    tpu.wait_dma2 semaphore(%arg15 : memref<!tpu.dma_semaphore, #tpu.memory_space<semaphore_mem>>) src(%arg5 : memref<125x128xf32, #tpu.memory_space<hbm>>) dst(%dma_wait3A_37 : memref<125x128xf32, #tpu.memory_space<vmem_shared>>)
    %mul3A_38 = arith.constant 625 : i32
    %mul3A_39 = arith.muli %arg1, %mul3A_38 : i32
    %add3A_40 = arith.constant 250 : i32
    %add3A_41 = arith.addi %mul3A_39, %add3A_40 : i32
    %dma_wait3A_42 = arith.constant 0 : i32
    %dma_wait3A_43 = tpu.memref_slice %arg10[%add3A_41, %dma_wait3A_42] : memref<10000x128xf32, #tpu.memory_space<vmem_shared>> -> memref<125x128xf32, #tpu.memory_space<vmem_shared>>
    tpu.wait_dma2 semaphore(%arg15 : memref<!tpu.dma_semaphore, #tpu.memory_space<semaphore_mem>>) src(%arg5 : memref<125x128xf32, #tpu.memory_space<hbm>>) dst(%dma_wait3A_43 : memref<125x128xf32, #tpu.memory_space<vmem_shared>>)
    %mul3A_44 = arith.constant 625 : i32
    %mul3A_45 = arith.muli %arg1, %mul3A_44 : i32
    %add3A_46 = arith.constant 375 : i32
    %add3A_47 = arith.addi %mul3A_45, %add3A_46 : i32
    %dma_wait3A_48 = arith.constant 0 : i32
    %dma_wait3A_49 = tpu.memref_slice %arg10[%add3A_47, %dma_wait3A_48] : memref<10000x128xf32, #tpu.memory_space<vmem_shared>> -> memref<125x128xf32, #tpu.memory_space<vmem_shared>>
    tpu.wait_dma2 semaphore(%arg15 : memref<!tpu.dma_semaphore, #tpu.memory_space<semaphore_mem>>) src(%arg5 : memref<125x128xf32, #tpu.memory_space<hbm>>) dst(%dma_wait3A_49 : memref<125x128xf32, #tpu.memory_space<vmem_shared>>)
    %mul3A_50 = arith.constant 625 : i32
    %mul3A_51 = arith.muli %arg1, %mul3A_50 : i32
    %add3A_52 = arith.constant 500 : i32
    %add3A_53 = arith.addi %mul3A_51, %add3A_52 : i32
    %dma_wait3A_54 = arith.constant 0 : i32
    %dma_wait3A_55 = tpu.memref_slice %arg10[%add3A_53, %dma_wait3A_54] : memref<10000x128xf32, #tpu.memory_space<vmem_shared>> -> memref<125x128xf32, #tpu.memory_space<vmem_shared>>
    tpu.wait_dma2 semaphore(%arg15 : memref<!tpu.dma_semaphore, #tpu.memory_space<semaphore_mem>>) src(%arg5 : memref<125x128xf32, #tpu.memory_space<hbm>>) dst(%dma_wait3A_55 : memref<125x128xf32, #tpu.memory_space<vmem_shared>>)
    %barrier3A = arith.constant 0 : index
    tpu.barrier barrier_id(%barrier3A)
    %dma_start3A_56 = arith.constant 0 : i32
    %dma_start3A_57 = arith.constant 0 : i32
    %dma_start3A_58 = arith.constant 0 : i32
    %dma_start3A_59 = tpu.memref_slice %arg7[%dma_start3A_57, %dma_start3A_58] : memref<3x125xi32, #tpu.memory_space<vmem>> -> memref<1x125xi32, #tpu.memory_space<vmem>>
    %dma_start3A_60 = tpu.memref_squeeze %dma_start3A_59 : memref<1x125xi32, #tpu.memory_space<vmem>> -> memref<125xi32, #tpu.memory_space<vmem>>
    %dma_start3A_61 = arith.constant 0 : i32
    %dma_start3A_62 = tpu.memref_slice %arg3[%arg0, %arg1, %dma_start3A_56, %dma_start3A_61] : memref<2x16x160x125xi32, #tpu.memory_space<hbm>> -> memref<1x1x1x125xi32, #tpu.memory_space<hbm>>
    %dma_start3A_63 = tpu.memref_squeeze %dma_start3A_62 : memref<1x1x1x125xi32, #tpu.memory_space<hbm>> -> memref<125xi32, #tpu.memory_space<hbm>>
    %dma_start3A_64 = arith.constant 0 : i32
    %dma_start3A_65 = tpu.memref_slice %arg7[%dma_start3A_57, %dma_start3A_64] : memref<3x125xi32, #tpu.memory_space<vmem>> -> memref<1x125xi32, #tpu.memory_space<vmem>>
    %dma_start3A_66 = tpu.memref_squeeze %dma_start3A_65 : memref<1x125xi32, #tpu.memory_space<vmem>> -> memref<125xi32, #tpu.memory_space<vmem>>
    %dma_start3A_67 = arith.constant 0 : i32
    %dma_start3A_68 = tpu.memref_slice %arg3[%arg0, %arg1, %dma_start3A_56, %dma_start3A_67] : memref<2x16x160x125xi32, #tpu.memory_space<hbm>> -> memref<1x1x1x125xi32, #tpu.memory_space<hbm>>
    %dma_start3A_69 = tpu.memref_squeeze %dma_start3A_68 : memref<1x1x1x125xi32, #tpu.memory_space<hbm>> -> memref<125xi32, #tpu.memory_space<hbm>>
    tpu.enqueue_dma source(%dma_start3A_69 : memref<125xi32, #tpu.memory_space<hbm>>) target(%dma_start3A_66 : memref<125xi32, #tpu.memory_space<vmem>>) target_semaphore(%arg11 : memref<!tpu.dma_semaphore, #tpu.memory_space<semaphore_mem>>)
    %dma_start3A_70 = arith.constant 0 : i32
    %dma_start3A_71 = arith.constant 0 : i32
    %dma_start3A_72 = arith.constant 0 : i32
    %dma_start3A_73 = arith.constant 0 : i32
    %dma_start3A_74 = tpu.memref_slice %arg8[%dma_start3A_71, %dma_start3A_72, %dma_start3A_73] : memref<3x2x125xi32, #tpu.memory_space<vmem>> -> memref<1x1x125xi32, #tpu.memory_space<vmem>>
    %dma_start3A_75 = tpu.memref_squeeze %dma_start3A_74 : memref<1x1x125xi32, #tpu.memory_space<vmem>> -> memref<125xi32, #tpu.memory_space<vmem>>
    %dma_start3A_76 = arith.constant 0 : i32
    %dma_start3A_77 = tpu.memref_slice %arg4[%arg1, %dma_start3A_70, %dma_start3A_76] : memref<16x160x125xi32, #tpu.memory_space<hbm>> -> memref<1x1x125xi32, #tpu.memory_space<hbm>>
    %dma_start3A_78 = tpu.memref_squeeze %dma_start3A_77 : memref<1x1x125xi32, #tpu.memory_space<hbm>> -> memref<125xi32, #tpu.memory_space<hbm>>
    %dma_start3A_79 = arith.constant 0 : i32
    %dma_start3A_80 = tpu.memref_slice %arg8[%dma_start3A_71, %dma_start3A_72, %dma_start3A_79] : memref<3x2x125xi32, #tpu.memory_space<vmem>> -> memref<1x1x125xi32, #tpu.memory_space<vmem>>
    %dma_start3A_81 = tpu.memref_squeeze %dma_start3A_80 : memref<1x1x125xi32, #tpu.memory_space<vmem>> -> memref<125xi32, #tpu.memory_space<vmem>>
    %dma_start3A_82 = arith.constant 0 : i32
    %dma_start3A_83 = tpu.memref_slice %arg4[%arg1, %dma_start3A_70, %dma_start3A_82] : memref<16x160x125xi32, #tpu.memory_space<hbm>> -> memref<1x1x125xi32, #tpu.memory_space<hbm>>
    %dma_start3A_84 = tpu.memref_squeeze %dma_start3A_83 : memref<1x1x125xi32, #tpu.memory_space<hbm>> -> memref<125xi32, #tpu.memory_space<hbm>>
    tpu.enqueue_dma source(%dma_start3A_84 : memref<125xi32, #tpu.memory_space<hbm>>) target(%dma_start3A_81 : memref<125xi32, #tpu.memory_space<vmem>>) target_semaphore(%arg11 : memref<!tpu.dma_semaphore, #tpu.memory_space<semaphore_mem>>)
    %dma_wait3A_85 = arith.constant 0 : i32
    %dma_wait3A_86 = arith.constant 0 : i32
    %dma_wait3A_87 = arith.constant 0 : i32
    %dma_wait3A_88 = tpu.memref_slice %arg7[%dma_wait3A_86, %dma_wait3A_87] : memref<3x125xi32, #tpu.memory_space<vmem>> -> memref<1x125xi32, #tpu.memory_space<vmem>>
    %dma_wait3A_89 = tpu.memref_squeeze %dma_wait3A_88 : memref<1x125xi32, #tpu.memory_space<vmem>> -> memref<125xi32, #tpu.memory_space<vmem>>
    %dma_wait3A_90 = arith.constant 0 : i32
    %dma_wait3A_91 = tpu.memref_slice %arg3[%arg0, %arg1, %dma_wait3A_85, %dma_wait3A_90] : memref<2x16x160x125xi32, #tpu.memory_space<hbm>> -> memref<1x1x1x125xi32, #tpu.memory_space<hbm>>
    %dma_wait3A_92 = tpu.memref_squeeze %dma_wait3A_91 : memref<1x1x1x125xi32, #tpu.memory_space<hbm>> -> memref<125xi32, #tpu.memory_space<hbm>>
    %dma_wait3A_93 = arith.constant 0 : i32
    %dma_wait3A_94 = tpu.memref_slice %arg7[%dma_wait3A_86, %dma_wait3A_93] : memref<3x125xi32, #tpu.memory_space<vmem>> -> memref<1x125xi32, #tpu.memory_space<vmem>>
    %dma_wait3A_95 = tpu.memref_squeeze %dma_wait3A_94 : memref<1x125xi32, #tpu.memory_space<vmem>> -> memref<125xi32, #tpu.memory_space<vmem>>
    %dma_wait3A_96 = arith.constant 0 : i32
    %dma_wait3A_97 = tpu.memref_slice %arg3[%arg0, %arg1, %dma_wait3A_85, %dma_wait3A_96] : memref<2x16x160x125xi32, #tpu.memory_space<hbm>> -> memref<1x1x1x125xi32, #tpu.memory_space<hbm>>
    %dma_wait3A_98 = tpu.memref_squeeze %dma_wait3A_97 : memref<1x1x1x125xi32, #tpu.memory_space<hbm>> -> memref<125xi32, #tpu.memory_space<hbm>>
    tpu.wait_dma2 semaphore(%arg11 : memref<!tpu.dma_semaphore, #tpu.memory_space<semaphore_mem>>) src(%dma_wait3A_98 : memref<125xi32, #tpu.memory_space<hbm>>) dst(%dma_wait3A_95 : memref<125xi32, #tpu.memory_space<vmem>>)
    %dma_wait3A_99 = arith.constant 0 : i32
    %dma_wait3A_100 = arith.constant 0 : i32
    %dma_wait3A_101 = arith.constant 0 : i32
    %dma_wait3A_102 = arith.constant 0 : i32
    %dma_wait3A_103 = tpu.memref_slice %arg8[%dma_wait3A_100, %dma_wait3A_101, %dma_wait3A_102] : memref<3x2x125xi32, #tpu.memory_space<vmem>> -> memref<1x1x125xi32, #tpu.memory_space<vmem>>
    %dma_wait3A_104 = tpu.memref_squeeze %dma_wait3A_103 : memref<1x1x125xi32, #tpu.memory_space<vmem>> -> memref<125xi32, #tpu.memory_space<vmem>>
    %dma_wait3A_105 = arith.constant 0 : i32
    %dma_wait3A_106 = tpu.memref_slice %arg4[%arg1, %dma_wait3A_99, %dma_wait3A_105] : memref<16x160x125xi32, #tpu.memory_space<hbm>> -> memref<1x1x125xi32, #tpu.memory_space<hbm>>
    %dma_wait3A_107 = tpu.memref_squeeze %dma_wait3A_106 : memref<1x1x125xi32, #tpu.memory_space<hbm>> -> memref<125xi32, #tpu.memory_space<hbm>>
    %dma_wait3A_108 = arith.constant 0 : i32
    %dma_wait3A_109 = tpu.memref_slice %arg8[%dma_wait3A_100, %dma_wait3A_101, %dma_wait3A_108] : memref<3x2x125xi32, #tpu.memory_space<vmem>> -> memref<1x1x125xi32, #tpu.memory_space<vmem>>
    %dma_wait3A_110 = tpu.memref_squeeze %dma_wait3A_109 : memref<1x1x125xi32, #tpu.memory_space<vmem>> -> memref<125xi32, #tpu.memory_space<vmem>>
    %dma_wait3A_111 = arith.constant 0 : i32
    %dma_wait3A_112 = tpu.memref_slice %arg4[%arg1, %dma_wait3A_99, %dma_wait3A_111] : memref<16x160x125xi32, #tpu.memory_space<hbm>> -> memref<1x1x125xi32, #tpu.memory_space<hbm>>
    %dma_wait3A_113 = tpu.memref_squeeze %dma_wait3A_112 : memref<1x1x125xi32, #tpu.memory_space<hbm>> -> memref<125xi32, #tpu.memory_space<hbm>>
    tpu.wait_dma2 semaphore(%arg11 : memref<!tpu.dma_semaphore, #tpu.memory_space<semaphore_mem>>) src(%dma_wait3A_113 : memref<125xi32, #tpu.memory_space<hbm>>) dst(%dma_wait3A_110 : memref<125xi32, #tpu.memory_space<vmem>>)
    %dma_start3A_114 = arith.constant 0 : i32
    %dma_start3A_115 = arith.constant 0 : i32
    %dma_start3A_116 = arith.constant 0 : i32
    %dma_start3A_117 = arith.constant 0 : i32
    %dma_start3A_118 = tpu.memref_slice %arg9[%dma_start3A_115, %dma_start3A_116, %dma_start3A_117] : memref<3x125x128xf32, #tpu.memory_space<vmem>> -> memref<1x125x128xf32, #tpu.memory_space<vmem>>
    %dma_start3A_119 = tpu.memref_squeeze %dma_start3A_118 : memref<1x125x128xf32, #tpu.memory_space<vmem>> -> memref<125x128xf32, #tpu.memory_space<vmem>>
    %dma_start3A_120 = arith.constant 0 : i32
    %dma_start3A_121 = tpu.memref_slice %arg7[%dma_start3A_114, %dma_start3A_120] : memref<3x125xi32, #tpu.memory_space<vmem>> -> memref<1x125xi32, #tpu.memory_space<vmem>>
    %dma_start3A_122 = tpu.memref_squeeze %dma_start3A_121 : memref<1x125xi32, #tpu.memory_space<vmem>> -> memref<125xi32, #tpu.memory_space<vmem>>
    %dma_start3A_123 = arith.constant 0 : i32
    %dma_start3A_124 = arith.constant 0 : i32
    %dma_start3A_125 = tpu.memref_slice %arg2[%dma_start3A_123, %dma_start3A_124] : memref<20000x128xf32, #tpu.memory_space<hbm>> -> memref<20000x128xf32, #tpu.memory_space<hbm>>
    tpu.enqueue_indirect_dma source(%dma_start3A_125 : memref<20000x128xf32, #tpu.memory_space<hbm>>) target(%dma_start3A_119 : memref<125x128xf32, #tpu.memory_space<vmem>>) offsets(%dma_start3A_122 : memref<125xi32, #tpu.memory_space<vmem>>) semaphore(%arg11 : memref<!tpu.dma_semaphore, #tpu.memory_space<semaphore_mem>>)
    %dma_start3A_126 = arith.constant 1 : i32
    %dma_start3A_127 = arith.constant 1 : i32
    %dma_start3A_128 = arith.constant 0 : i32
    %dma_start3A_129 = tpu.memref_slice %arg7[%dma_start3A_127, %dma_start3A_128] : memref<3x125xi32, #tpu.memory_space<vmem>> -> memref<1x125xi32, #tpu.memory_space<vmem>>
    %dma_start3A_130 = tpu.memref_squeeze %dma_start3A_129 : memref<1x125xi32, #tpu.memory_space<vmem>> -> memref<125xi32, #tpu.memory_space<vmem>>
    %dma_start3A_131 = arith.constant 0 : i32
    %dma_start3A_132 = tpu.memref_slice %arg3[%arg0, %arg1, %dma_start3A_126, %dma_start3A_131] : memref<2x16x160x125xi32, #tpu.memory_space<hbm>> -> memref<1x1x1x125xi32, #tpu.memory_space<hbm>>
    %dma_start3A_133 = tpu.memref_squeeze %dma_start3A_132 : memref<1x1x1x125xi32, #tpu.memory_space<hbm>> -> memref<125xi32, #tpu.memory_space<hbm>>
    %dma_start3A_134 = arith.constant 0 : i32
    %dma_start3A_135 = tpu.memref_slice %arg7[%dma_start3A_127, %dma_start3A_134] : memref<3x125xi32, #tpu.memory_space<vmem>> -> memref<1x125xi32, #tpu.memory_space<vmem>>
    %dma_start3A_136 = tpu.memref_squeeze %dma_start3A_135 : memref<1x125xi32, #tpu.memory_space<vmem>> -> memref<125xi32, #tpu.memory_space<vmem>>
    %dma_start3A_137 = arith.constant 0 : i32
    %dma_start3A_138 = tpu.memref_slice %arg3[%arg0, %arg1, %dma_start3A_126, %dma_start3A_137] : memref<2x16x160x125xi32, #tpu.memory_space<hbm>> -> memref<1x1x1x125xi32, #tpu.memory_space<hbm>>
    %dma_start3A_139 = tpu.memref_squeeze %dma_start3A_138 : memref<1x1x1x125xi32, #tpu.memory_space<hbm>> -> memref<125xi32, #tpu.memory_space<hbm>>
    tpu.enqueue_dma source(%dma_start3A_139 : memref<125xi32, #tpu.memory_space<hbm>>) target(%dma_start3A_136 : memref<125xi32, #tpu.memory_space<vmem>>) target_semaphore(%arg12 : memref<!tpu.dma_semaphore, #tpu.memory_space<semaphore_mem>>)
    %dma_start3A_140 = arith.constant 1 : i32
    %dma_start3A_141 = arith.constant 1 : i32
    %dma_start3A_142 = arith.constant 0 : i32
    %dma_start3A_143 = arith.constant 0 : i32
    %dma_start3A_144 = tpu.memref_slice %arg8[%dma_start3A_141, %dma_start3A_142, %dma_start3A_143] : memref<3x2x125xi32, #tpu.memory_space<vmem>> -> memref<1x1x125xi32, #tpu.memory_space<vmem>>
    %dma_start3A_145 = tpu.memref_squeeze %dma_start3A_144 : memref<1x1x125xi32, #tpu.memory_space<vmem>> -> memref<125xi32, #tpu.memory_space<vmem>>
    %dma_start3A_146 = arith.constant 0 : i32
    %dma_start3A_147 = tpu.memref_slice %arg4[%arg1, %dma_start3A_140, %dma_start3A_146] : memref<16x160x125xi32, #tpu.memory_space<hbm>> -> memref<1x1x125xi32, #tpu.memory_space<hbm>>
    %dma_start3A_148 = tpu.memref_squeeze %dma_start3A_147 : memref<1x1x125xi32, #tpu.memory_space<hbm>> -> memref<125xi32, #tpu.memory_space<hbm>>
    %dma_start3A_149 = arith.constant 0 : i32
    %dma_start3A_150 = tpu.memref_slice %arg8[%dma_start3A_141, %dma_start3A_142, %dma_start3A_149] : memref<3x2x125xi32, #tpu.memory_space<vmem>> -> memref<1x1x125xi32, #tpu.memory_space<vmem>>
    %dma_start3A_151 = tpu.memref_squeeze %dma_start3A_150 : memref<1x1x125xi32, #tpu.memory_space<vmem>> -> memref<125xi32, #tpu.memory_space<vmem>>
    %dma_start3A_152 = arith.constant 0 : i32
    %dma_start3A_153 = tpu.memref_slice %arg4[%arg1, %dma_start3A_140, %dma_start3A_152] : memref<16x160x125xi32, #tpu.memory_space<hbm>> -> memref<1x1x125xi32, #tpu.memory_space<hbm>>
    %dma_start3A_154 = tpu.memref_squeeze %dma_start3A_153 : memref<1x1x125xi32, #tpu.memory_space<hbm>> -> memref<125xi32, #tpu.memory_space<hbm>>
    tpu.enqueue_dma source(%dma_start3A_154 : memref<125xi32, #tpu.memory_space<hbm>>) target(%dma_start3A_151 : memref<125xi32, #tpu.memory_space<vmem>>) target_semaphore(%arg12 : memref<!tpu.dma_semaphore, #tpu.memory_space<semaphore_mem>>)
    %dma_wait3A_155 = arith.constant 1 : i32
    %dma_wait3A_156 = arith.constant 1 : i32
    %dma_wait3A_157 = arith.constant 0 : i32
    %dma_wait3A_158 = tpu.memref_slice %arg7[%dma_wait3A_156, %dma_wait3A_157] : memref<3x125xi32, #tpu.memory_space<vmem>> -> memref<1x125xi32, #tpu.memory_space<vmem>>
    %dma_wait3A_159 = tpu.memref_squeeze %dma_wait3A_158 : memref<1x125xi32, #tpu.memory_space<vmem>> -> memref<125xi32, #tpu.memory_space<vmem>>
    %dma_wait3A_160 = arith.constant 0 : i32
    %dma_wait3A_161 = tpu.memref_slice %arg3[%arg0, %arg1, %dma_wait3A_155, %dma_wait3A_160] : memref<2x16x160x125xi32, #tpu.memory_space<hbm>> -> memref<1x1x1x125xi32, #tpu.memory_space<hbm>>
    %dma_wait3A_162 = tpu.memref_squeeze %dma_wait3A_161 : memref<1x1x1x125xi32, #tpu.memory_space<hbm>> -> memref<125xi32, #tpu.memory_space<hbm>>
    %dma_wait3A_163 = arith.constant 0 : i32
    %dma_wait3A_164 = tpu.memref_slice %arg7[%dma_wait3A_156, %dma_wait3A_163] : memref<3x125xi32, #tpu.memory_space<vmem>> -> memref<1x125xi32, #tpu.memory_space<vmem>>
    %dma_wait3A_165 = tpu.memref_squeeze %dma_wait3A_164 : memref<1x125xi32, #tpu.memory_space<vmem>> -> memref<125xi32, #tpu.memory_space<vmem>>
    %dma_wait3A_166 = arith.constant 0 : i32
    %dma_wait3A_167 = tpu.memref_slice %arg3[%arg0, %arg1, %dma_wait3A_155, %dma_wait3A_166] : memref<2x16x160x125xi32, #tpu.memory_space<hbm>> -> memref<1x1x1x125xi32, #tpu.memory_space<hbm>>
    %dma_wait3A_168 = tpu.memref_squeeze %dma_wait3A_167 : memref<1x1x1x125xi32, #tpu.memory_space<hbm>> -> memref<125xi32, #tpu.memory_space<hbm>>
    tpu.wait_dma2 semaphore(%arg12 : memref<!tpu.dma_semaphore, #tpu.memory_space<semaphore_mem>>) src(%dma_wait3A_168 : memref<125xi32, #tpu.memory_space<hbm>>) dst(%dma_wait3A_165 : memref<125xi32, #tpu.memory_space<vmem>>)
    %dma_wait3A_169 = arith.constant 1 : i32
    %dma_wait3A_170 = arith.constant 1 : i32
    %dma_wait3A_171 = arith.constant 0 : i32
    %dma_wait3A_172 = arith.constant 0 : i32
    %dma_wait3A_173 = tpu.memref_slice %arg8[%dma_wait3A_170, %dma_wait3A_171, %dma_wait3A_172] : memref<3x2x125xi32, #tpu.memory_space<vmem>> -> memref<1x1x125xi32, #tpu.memory_space<vmem>>
    %dma_wait3A_174 = tpu.memref_squeeze %dma_wait3A_173 : memref<1x1x125xi32, #tpu.memory_space<vmem>> -> memref<125xi32, #tpu.memory_space<vmem>>
    %dma_wait3A_175 = arith.constant 0 : i32
    %dma_wait3A_176 = tpu.memref_slice %arg4[%arg1, %dma_wait3A_169, %dma_wait3A_175] : memref<16x160x125xi32, #tpu.memory_space<hbm>> -> memref<1x1x125xi32, #tpu.memory_space<hbm>>
    %dma_wait3A_177 = tpu.memref_squeeze %dma_wait3A_176 : memref<1x1x125xi32, #tpu.memory_space<hbm>> -> memref<125xi32, #tpu.memory_space<hbm>>
    %dma_wait3A_178 = arith.constant 0 : i32
    %dma_wait3A_179 = tpu.memref_slice %arg8[%dma_wait3A_170, %dma_wait3A_171, %dma_wait3A_178] : memref<3x2x125xi32, #tpu.memory_space<vmem>> -> memref<1x1x125xi32, #tpu.memory_space<vmem>>
    %dma_wait3A_180 = tpu.memref_squeeze %dma_wait3A_179 : memref<1x1x125xi32, #tpu.memory_space<vmem>> -> memref<125xi32, #tpu.memory_space<vmem>>
    %dma_wait3A_181 = arith.constant 0 : i32
    %dma_wait3A_182 = tpu.memref_slice %arg4[%arg1, %dma_wait3A_169, %dma_wait3A_181] : memref<16x160x125xi32, #tpu.memory_space<hbm>> -> memref<1x1x125xi32, #tpu.memory_space<hbm>>
    %dma_wait3A_183 = tpu.memref_squeeze %dma_wait3A_182 : memref<1x1x125xi32, #tpu.memory_space<hbm>> -> memref<125xi32, #tpu.memory_space<hbm>>
    tpu.wait_dma2 semaphore(%arg12 : memref<!tpu.dma_semaphore, #tpu.memory_space<semaphore_mem>>) src(%dma_wait3A_183 : memref<125xi32, #tpu.memory_space<hbm>>) dst(%dma_wait3A_180 : memref<125xi32, #tpu.memory_space<vmem>>)
    %dma_start3A_184 = arith.constant 1 : i32
    %dma_start3A_185 = arith.constant 1 : i32
    %dma_start3A_186 = arith.constant 0 : i32
    %dma_start3A_187 = arith.constant 0 : i32
    %dma_start3A_188 = tpu.memref_slice %arg9[%dma_start3A_185, %dma_start3A_186, %dma_start3A_187] : memref<3x125x128xf32, #tpu.memory_space<vmem>> -> memref<1x125x128xf32, #tpu.memory_space<vmem>>
    %dma_start3A_189 = tpu.memref_squeeze %dma_start3A_188 : memref<1x125x128xf32, #tpu.memory_space<vmem>> -> memref<125x128xf32, #tpu.memory_space<vmem>>
    %dma_start3A_190 = arith.constant 0 : i32
    %dma_start3A_191 = tpu.memref_slice %arg7[%dma_start3A_184, %dma_start3A_190] : memref<3x125xi32, #tpu.memory_space<vmem>> -> memref<1x125xi32, #tpu.memory_space<vmem>>
    %dma_start3A_192 = tpu.memref_squeeze %dma_start3A_191 : memref<1x125xi32, #tpu.memory_space<vmem>> -> memref<125xi32, #tpu.memory_space<vmem>>
    %dma_start3A_193 = arith.constant 0 : i32
    %dma_start3A_194 = arith.constant 0 : i32
    %dma_start3A_195 = tpu.memref_slice %arg2[%dma_start3A_193, %dma_start3A_194] : memref<20000x128xf32, #tpu.memory_space<hbm>> -> memref<20000x128xf32, #tpu.memory_space<hbm>>
    tpu.enqueue_indirect_dma source(%dma_start3A_195 : memref<20000x128xf32, #tpu.memory_space<hbm>>) target(%dma_start3A_189 : memref<125x128xf32, #tpu.memory_space<vmem>>) offsets(%dma_start3A_192 : memref<125xi32, #tpu.memory_space<vmem>>) semaphore(%arg12 : memref<!tpu.dma_semaphore, #tpu.memory_space<semaphore_mem>>)
    %dma_start3A_196 = arith.constant 2 : i32
    %dma_start3A_197 = arith.constant 2 : i32
    %dma_start3A_198 = arith.constant 0 : i32
    %dma_start3A_199 = tpu.memref_slice %arg7[%dma_start3A_197, %dma_start3A_198] : memref<3x125xi32, #tpu.memory_space<vmem>> -> memref<1x125xi32, #tpu.memory_space<vmem>>
    %dma_start3A_200 = tpu.memref_squeeze %dma_start3A_199 : memref<1x125xi32, #tpu.memory_space<vmem>> -> memref<125xi32, #tpu.memory_space<vmem>>
    %dma_start3A_201 = arith.constant 0 : i32
    %dma_start3A_202 = tpu.memref_slice %arg3[%arg0, %arg1, %dma_start3A_196, %dma_start3A_201] : memref<2x16x160x125xi32, #tpu.memory_space<hbm>> -> memref<1x1x1x125xi32, #tpu.memory_space<hbm>>
    %dma_start3A_203 = tpu.memref_squeeze %dma_start3A_202 : memref<1x1x1x125xi32, #tpu.memory_space<hbm>> -> memref<125xi32, #tpu.memory_space<hbm>>
    %dma_start3A_204 = arith.constant 0 : i32
    %dma_start3A_205 = tpu.memref_slice %arg7[%dma_start3A_197, %dma_start3A_204] : memref<3x125xi32, #tpu.memory_space<vmem>> -> memref<1x125xi32, #tpu.memory_space<vmem>>
    %dma_start3A_206 = tpu.memref_squeeze %dma_start3A_205 : memref<1x125xi32, #tpu.memory_space<vmem>> -> memref<125xi32, #tpu.memory_space<vmem>>
    %dma_start3A_207 = arith.constant 0 : i32
    %dma_start3A_208 = tpu.memref_slice %arg3[%arg0, %arg1, %dma_start3A_196, %dma_start3A_207] : memref<2x16x160x125xi32, #tpu.memory_space<hbm>> -> memref<1x1x1x125xi32, #tpu.memory_space<hbm>>
    %dma_start3A_209 = tpu.memref_squeeze %dma_start3A_208 : memref<1x1x1x125xi32, #tpu.memory_space<hbm>> -> memref<125xi32, #tpu.memory_space<hbm>>
    tpu.enqueue_dma source(%dma_start3A_209 : memref<125xi32, #tpu.memory_space<hbm>>) target(%dma_start3A_206 : memref<125xi32, #tpu.memory_space<vmem>>) target_semaphore(%arg13 : memref<!tpu.dma_semaphore, #tpu.memory_space<semaphore_mem>>)
    %dma_start3A_210 = arith.constant 2 : i32
    %dma_start3A_211 = arith.constant 2 : i32
    %dma_start3A_212 = arith.constant 0 : i32
    %dma_start3A_213 = arith.constant 0 : i32
    %dma_start3A_214 = tpu.memref_slice %arg8[%dma_start3A_211, %dma_start3A_212, %dma_start3A_213] : memref<3x2x125xi32, #tpu.memory_space<vmem>> -> memref<1x1x125xi32, #tpu.memory_space<vmem>>
    %dma_start3A_215 = tpu.memref_squeeze %dma_start3A_214 : memref<1x1x125xi32, #tpu.memory_space<vmem>> -> memref<125xi32, #tpu.memory_space<vmem>>
    %dma_start3A_216 = arith.constant 0 : i32
    %dma_start3A_217 = tpu.memref_slice %arg4[%arg1, %dma_start3A_210, %dma_start3A_216] : memref<16x160x125xi32, #tpu.memory_space<hbm>> -> memref<1x1x125xi32, #tpu.memory_space<hbm>>
    %dma_start3A_218 = tpu.memref_squeeze %dma_start3A_217 : memref<1x1x125xi32, #tpu.memory_space<hbm>> -> memref<125xi32, #tpu.memory_space<hbm>>
    %dma_start3A_219 = arith.constant 0 : i32
    %dma_start3A_220 = tpu.memref_slice %arg8[%dma_start3A_211, %dma_start3A_212, %dma_start3A_219] : memref<3x2x125xi32, #tpu.memory_space<vmem>> -> memref<1x1x125xi32, #tpu.memory_space<vmem>>
    %dma_start3A_221 = tpu.memref_squeeze %dma_start3A_220 : memref<1x1x125xi32, #tpu.memory_space<vmem>> -> memref<125xi32, #tpu.memory_space<vmem>>
    %dma_start3A_222 = arith.constant 0 : i32
    %dma_start3A_223 = tpu.memref_slice %arg4[%arg1, %dma_start3A_210, %dma_start3A_222] : memref<16x160x125xi32, #tpu.memory_space<hbm>> -> memref<1x1x125xi32, #tpu.memory_space<hbm>>
    %dma_start3A_224 = tpu.memref_squeeze %dma_start3A_223 : memref<1x1x125xi32, #tpu.memory_space<hbm>> -> memref<125xi32, #tpu.memory_space<hbm>>
    tpu.enqueue_dma source(%dma_start3A_224 : memref<125xi32, #tpu.memory_space<hbm>>) target(%dma_start3A_221 : memref<125xi32, #tpu.memory_space<vmem>>) target_semaphore(%arg13 : memref<!tpu.dma_semaphore, #tpu.memory_space<semaphore_mem>>)
    %dma_wait3A_225 = arith.constant 2 : i32
    %dma_wait3A_226 = arith.constant 2 : i32
    %dma_wait3A_227 = arith.constant 0 : i32
    %dma_wait3A_228 = tpu.memref_slice %arg7[%dma_wait3A_226, %dma_wait3A_227] : memref<3x125xi32, #tpu.memory_space<vmem>> -> memref<1x125xi32, #tpu.memory_space<vmem>>
    %dma_wait3A_229 = tpu.memref_squeeze %dma_wait3A_228 : memref<1x125xi32, #tpu.memory_space<vmem>> -> memref<125xi32, #tpu.memory_space<vmem>>
    %dma_wait3A_230 = arith.constant 0 : i32
    %dma_wait3A_231 = tpu.memref_slice %arg3[%arg0, %arg1, %dma_wait3A_225, %dma_wait3A_230] : memref<2x16x160x125xi32, #tpu.memory_space<hbm>> -> memref<1x1x1x125xi32, #tpu.memory_space<hbm>>
    %dma_wait3A_232 = tpu.memref_squeeze %dma_wait3A_231 : memref<1x1x1x125xi32, #tpu.memory_space<hbm>> -> memref<125xi32, #tpu.memory_space<hbm>>
    %dma_wait3A_233 = arith.constant 0 : i32
    %dma_wait3A_234 = tpu.memref_slice %arg7[%dma_wait3A_226, %dma_wait3A_233] : memref<3x125xi32, #tpu.memory_space<vmem>> -> memref<1x125xi32, #tpu.memory_space<vmem>>
    %dma_wait3A_235 = tpu.memref_squeeze %dma_wait3A_234 : memref<1x125xi32, #tpu.memory_space<vmem>> -> memref<125xi32, #tpu.memory_space<vmem>>
    %dma_wait3A_236 = arith.constant 0 : i32
    %dma_wait3A_237 = tpu.memref_slice %arg3[%arg0, %arg1, %dma_wait3A_225, %dma_wait3A_236] : memref<2x16x160x125xi32, #tpu.memory_space<hbm>> -> memref<1x1x1x125xi32, #tpu.memory_space<hbm>>
    %dma_wait3A_238 = tpu.memref_squeeze %dma_wait3A_237 : memref<1x1x1x125xi32, #tpu.memory_space<hbm>> -> memref<125xi32, #tpu.memory_space<hbm>>
    tpu.wait_dma2 semaphore(%arg13 : memref<!tpu.dma_semaphore, #tpu.memory_space<semaphore_mem>>) src(%dma_wait3A_238 : memref<125xi32, #tpu.memory_space<hbm>>) dst(%dma_wait3A_235 : memref<125xi32, #tpu.memory_space<vmem>>)
    %dma_wait3A_239 = arith.constant 2 : i32
    %dma_wait3A_240 = arith.constant 2 : i32
    %dma_wait3A_241 = arith.constant 0 : i32
    %dma_wait3A_242 = arith.constant 0 : i32
    %dma_wait3A_243 = tpu.memref_slice %arg8[%dma_wait3A_240, %dma_wait3A_241, %dma_wait3A_242] : memref<3x2x125xi32, #tpu.memory_space<vmem>> -> memref<1x1x125xi32, #tpu.memory_space<vmem>>
    %dma_wait3A_244 = tpu.memref_squeeze %dma_wait3A_243 : memref<1x1x125xi32, #tpu.memory_space<vmem>> -> memref<125xi32, #tpu.memory_space<vmem>>
    %dma_wait3A_245 = arith.constant 0 : i32
    %dma_wait3A_246 = tpu.memref_slice %arg4[%arg1, %dma_wait3A_239, %dma_wait3A_245] : memref<16x160x125xi32, #tpu.memory_space<hbm>> -> memref<1x1x125xi32, #tpu.memory_space<hbm>>
    %dma_wait3A_247 = tpu.memref_squeeze %dma_wait3A_246 : memref<1x1x125xi32, #tpu.memory_space<hbm>> -> memref<125xi32, #tpu.memory_space<hbm>>
    %dma_wait3A_248 = arith.constant 0 : i32
    %dma_wait3A_249 = tpu.memref_slice %arg8[%dma_wait3A_240, %dma_wait3A_241, %dma_wait3A_248] : memref<3x2x125xi32, #tpu.memory_space<vmem>> -> memref<1x1x125xi32, #tpu.memory_space<vmem>>
    %dma_wait3A_250 = tpu.memref_squeeze %dma_wait3A_249 : memref<1x1x125xi32, #tpu.memory_space<vmem>> -> memref<125xi32, #tpu.memory_space<vmem>>
    %dma_wait3A_251 = arith.constant 0 : i32
    %dma_wait3A_252 = tpu.memref_slice %arg4[%arg1, %dma_wait3A_239, %dma_wait3A_251] : memref<16x160x125xi32, #tpu.memory_space<hbm>> -> memref<1x1x125xi32, #tpu.memory_space<hbm>>
    %dma_wait3A_253 = tpu.memref_squeeze %dma_wait3A_252 : memref<1x1x125xi32, #tpu.memory_space<hbm>> -> memref<125xi32, #tpu.memory_space<hbm>>
    tpu.wait_dma2 semaphore(%arg13 : memref<!tpu.dma_semaphore, #tpu.memory_space<semaphore_mem>>) src(%dma_wait3A_253 : memref<125xi32, #tpu.memory_space<hbm>>) dst(%dma_wait3A_250 : memref<125xi32, #tpu.memory_space<vmem>>)
    %dma_start3A_254 = arith.constant 2 : i32
    %dma_start3A_255 = arith.constant 2 : i32
    %dma_start3A_256 = arith.constant 0 : i32
    %dma_start3A_257 = arith.constant 0 : i32
    %dma_start3A_258 = tpu.memref_slice %arg9[%dma_start3A_255, %dma_start3A_256, %dma_start3A_257] : memref<3x125x128xf32, #tpu.memory_space<vmem>> -> memref<1x125x128xf32, #tpu.memory_space<vmem>>
    %dma_start3A_259 = tpu.memref_squeeze %dma_start3A_258 : memref<1x125x128xf32, #tpu.memory_space<vmem>> -> memref<125x128xf32, #tpu.memory_space<vmem>>
    %dma_start3A_260 = arith.constant 0 : i32
    %dma_start3A_261 = tpu.memref_slice %arg7[%dma_start3A_254, %dma_start3A_260] : memref<3x125xi32, #tpu.memory_space<vmem>> -> memref<1x125xi32, #tpu.memory_space<vmem>>
    %dma_start3A_262 = tpu.memref_squeeze %dma_start3A_261 : memref<1x125xi32, #tpu.memory_space<vmem>> -> memref<125xi32, #tpu.memory_space<vmem>>
    %dma_start3A_263 = arith.constant 0 : i32
    %dma_start3A_264 = arith.constant 0 : i32
    %dma_start3A_265 = tpu.memref_slice %arg2[%dma_start3A_263, %dma_start3A_264] : memref<20000x128xf32, #tpu.memory_space<hbm>> -> memref<20000x128xf32, #tpu.memory_space<hbm>>
    tpu.enqueue_indirect_dma source(%dma_start3A_265 : memref<20000x128xf32, #tpu.memory_space<hbm>>) target(%dma_start3A_259 : memref<125x128xf32, #tpu.memory_space<vmem>>) offsets(%dma_start3A_262 : memref<125xi32, #tpu.memory_space<vmem>>) semaphore(%arg13 : memref<!tpu.dma_semaphore, #tpu.memory_space<semaphore_mem>>)
    %scan3A = arith.constant 0 : i32
    %scan3A_266 = arith.constant 0 : i32
    %scan3A_267 = arith.constant 54 : i32
    %scan3A_268 = arith.addi %scan3A_266, %scan3A_267 : i32
    %scan3A_269 = arith.constant 1 : i32
    scf.for %scan3A_279 = %scan3A_266 to %scan3A_268 step %scan3A_269  : i32 {
      %rem3A = arith.constant 2 : i32
      %rem3A_280 = arith.remsi %scan3A_279, %rem3A : i32
      %sub3A = arith.constant 1 : i32
      %sub3A_281 = arith.subi %sub3A, %rem3A_280 : i32
      %mul3A_282 = arith.constant 3 : i32
      %mul3A_283 = arith.muli %scan3A_279, %mul3A_282 : i32
      %add3A_284 = arith.constant 0 : i32
      %add3A_285 = arith.addi %mul3A_283, %add3A_284 : i32
      %lt3A = arith.constant 160 : i32
      %lt3A_286 = arith.cmpi slt, %add3A_285, %lt3A : i32
      %convert_element_type3A = arith.extui %lt3A_286 : i1 to i32
      %cond3A = arith.constant 0 : i32
      %cond3A_287 = arith.cmpi ne, %convert_element_type3A, %cond3A : i32
      scf.if %cond3A_287 {
        %dma_wait3A_306 = arith.constant 0 : i32
        %dma_wait3A_307 = arith.constant 0 : i32
        %dma_wait3A_308 = arith.constant 0 : i32
        %dma_wait3A_309 = arith.constant 0 : i32
        %dma_wait3A_310 = tpu.memref_slice %arg9[%dma_wait3A_307, %dma_wait3A_308, %dma_wait3A_309] : memref<3x125x128xf32, #tpu.memory_space<vmem>> -> memref<1x125x128xf32, #tpu.memory_space<vmem>>
        %dma_wait3A_311 = tpu.memref_squeeze %dma_wait3A_310 : memref<1x125x128xf32, #tpu.memory_space<vmem>> -> memref<125x128xf32, #tpu.memory_space<vmem>>
        %dma_wait3A_312 = arith.constant 0 : i32
        %dma_wait3A_313 = tpu.memref_slice %arg7[%dma_wait3A_306, %dma_wait3A_312] : memref<3x125xi32, #tpu.memory_space<vmem>> -> memref<1x125xi32, #tpu.memory_space<vmem>>
        %dma_wait3A_314 = tpu.memref_squeeze %dma_wait3A_313 : memref<1x125xi32, #tpu.memory_space<vmem>> -> memref<125xi32, #tpu.memory_space<vmem>>
        %dma_wait3A_315 = arith.constant 0 : i32
        %dma_wait3A_316 = arith.constant 0 : i32
        %dma_wait3A_317 = tpu.memref_slice %arg2[%dma_wait3A_315, %dma_wait3A_316] : memref<20000x128xf32, #tpu.memory_space<hbm>> -> memref<20000x128xf32, #tpu.memory_space<hbm>>
        tpu.wait_indirect_dma semaphore(%arg11 : memref<!tpu.dma_semaphore, #tpu.memory_space<semaphore_mem>>) src(%dma_wait3A_317 : memref<20000x128xf32, #tpu.memory_space<hbm>>) dst(%dma_wait3A_311 : memref<125x128xf32, #tpu.memory_space<vmem>>)
        %add3A_318 = arith.constant 3 : i32
        %add3A_319 = arith.addi %add3A_285, %add3A_318 : i32
        %lt3A_320 = arith.constant 160 : i32
        %lt3A_321 = arith.cmpi slt, %add3A_319, %lt3A_320 : i32
        %convert_element_type3A_322 = arith.extui %lt3A_321 : i1 to i32
        %cond3A_323 = arith.constant 0 : i32
        %cond3A_324 = arith.cmpi ne, %convert_element_type3A_322, %cond3A_323 : i32
        scf.if %cond3A_324 {
          %add3A_356 = arith.constant 3 : i32
          %add3A_357 = arith.addi %add3A_285, %add3A_356 : i32
          %dma_start3A_358 = arith.constant 0 : i32
          %dma_start3A_359 = arith.constant 0 : i32
          %dma_start3A_360 = tpu.memref_slice %arg7[%dma_start3A_358, %dma_start3A_359] : memref<3x125xi32, #tpu.memory_space<vmem>> -> memref<1x125xi32, #tpu.memory_space<vmem>>
          %dma_start3A_361 = tpu.memref_squeeze %dma_start3A_360 : memref<1x125xi32, #tpu.memory_space<vmem>> -> memref<125xi32, #tpu.memory_space<vmem>>
          %dma_start3A_362 = arith.constant 0 : i32
          %dma_start3A_363 = tpu.memref_slice %arg3[%arg0, %arg1, %add3A_357, %dma_start3A_362] : memref<2x16x160x125xi32, #tpu.memory_space<hbm>> -> memref<1x1x1x125xi32, #tpu.memory_space<hbm>>
          %dma_start3A_364 = tpu.memref_squeeze %dma_start3A_363 : memref<1x1x1x125xi32, #tpu.memory_space<hbm>> -> memref<125xi32, #tpu.memory_space<hbm>>
          %dma_start3A_365 = arith.constant 0 : i32
          %dma_start3A_366 = tpu.memref_slice %arg7[%dma_start3A_358, %dma_start3A_365] : memref<3x125xi32, #tpu.memory_space<vmem>> -> memref<1x125xi32, #tpu.memory_space<vmem>>
          %dma_start3A_367 = tpu.memref_squeeze %dma_start3A_366 : memref<1x125xi32, #tpu.memory_space<vmem>> -> memref<125xi32, #tpu.memory_space<vmem>>
          %dma_start3A_368 = arith.constant 0 : i32
          %dma_start3A_369 = tpu.memref_slice %arg3[%arg0, %arg1, %add3A_357, %dma_start3A_368] : memref<2x16x160x125xi32, #tpu.memory_space<hbm>> -> memref<1x1x1x125xi32, #tpu.memory_space<hbm>>
          %dma_start3A_370 = tpu.memref_squeeze %dma_start3A_369 : memref<1x1x1x125xi32, #tpu.memory_space<hbm>> -> memref<125xi32, #tpu.memory_space<hbm>>
          tpu.enqueue_dma source(%dma_start3A_370 : memref<125xi32, #tpu.memory_space<hbm>>) target(%dma_start3A_367 : memref<125xi32, #tpu.memory_space<vmem>>) target_semaphore(%arg11 : memref<!tpu.dma_semaphore, #tpu.memory_space<semaphore_mem>>)
          %add3A_371 = arith.constant 3 : i32
          %add3A_372 = arith.addi %add3A_285, %add3A_371 : i32
          %dma_start3A_373 = arith.constant 0 : i32
          %dma_start3A_374 = arith.constant 0 : i32
          %dma_start3A_375 = tpu.memref_slice %arg8[%dma_start3A_373, %sub3A_281, %dma_start3A_374] : memref<3x2x125xi32, #tpu.memory_space<vmem>> -> memref<1x1x125xi32, #tpu.memory_space<vmem>>
          %dma_start3A_376 = tpu.memref_squeeze %dma_start3A_375 : memref<1x1x125xi32, #tpu.memory_space<vmem>> -> memref<125xi32, #tpu.memory_space<vmem>>
          %dma_start3A_377 = arith.constant 0 : i32
          %dma_start3A_378 = tpu.memref_slice %arg4[%arg1, %add3A_372, %dma_start3A_377] : memref<16x160x125xi32, #tpu.memory_space<hbm>> -> memref<1x1x125xi32, #tpu.memory_space<hbm>>
          %dma_start3A_379 = tpu.memref_squeeze %dma_start3A_378 : memref<1x1x125xi32, #tpu.memory_space<hbm>> -> memref<125xi32, #tpu.memory_space<hbm>>
          %dma_start3A_380 = arith.constant 0 : i32
          %dma_start3A_381 = tpu.memref_slice %arg8[%dma_start3A_373, %sub3A_281, %dma_start3A_380] : memref<3x2x125xi32, #tpu.memory_space<vmem>> -> memref<1x1x125xi32, #tpu.memory_space<vmem>>
          %dma_start3A_382 = tpu.memref_squeeze %dma_start3A_381 : memref<1x1x125xi32, #tpu.memory_space<vmem>> -> memref<125xi32, #tpu.memory_space<vmem>>
          %dma_start3A_383 = arith.constant 0 : i32
          %dma_start3A_384 = tpu.memref_slice %arg4[%arg1, %add3A_372, %dma_start3A_383] : memref<16x160x125xi32, #tpu.memory_space<hbm>> -> memref<1x1x125xi32, #tpu.memory_space<hbm>>
          %dma_start3A_385 = tpu.memref_squeeze %dma_start3A_384 : memref<1x1x125xi32, #tpu.memory_space<hbm>> -> memref<125xi32, #tpu.memory_space<hbm>>
          tpu.enqueue_dma source(%dma_start3A_385 : memref<125xi32, #tpu.memory_space<hbm>>) target(%dma_start3A_382 : memref<125xi32, #tpu.memory_space<vmem>>) target_semaphore(%arg11 : memref<!tpu.dma_semaphore, #tpu.memory_space<semaphore_mem>>)
        } else {
        }
        %dma_start3A_325 = arith.constant 0 : i32
        %dma_start3A_326 = arith.constant 0 : i32
        %dma_start3A_327 = arith.constant 0 : i32
        %dma_start3A_328 = arith.constant 0 : i32
        %dma_start3A_329 = tpu.memref_slice %arg9[%dma_start3A_325, %dma_start3A_327, %dma_start3A_328] : memref<3x125x128xf32, #tpu.memory_space<vmem>> -> memref<1x125x128xf32, #tpu.memory_space<vmem>>
        %dma_start3A_330 = tpu.memref_squeeze %dma_start3A_329 : memref<1x125x128xf32, #tpu.memory_space<vmem>> -> memref<125x128xf32, #tpu.memory_space<vmem>>
        %dma_start3A_331 = arith.constant 0 : i32
        %dma_start3A_332 = tpu.memref_slice %arg8[%dma_start3A_326, %rem3A_280, %dma_start3A_331] : memref<3x2x125xi32, #tpu.memory_space<vmem>> -> memref<1x1x125xi32, #tpu.memory_space<vmem>>
        %dma_start3A_333 = tpu.memref_squeeze %dma_start3A_332 : memref<1x1x125xi32, #tpu.memory_space<vmem>> -> memref<125xi32, #tpu.memory_space<vmem>>
        %dma_start3A_334 = arith.constant 0 : i32
        %dma_start3A_335 = arith.constant 0 : i32
        %dma_start3A_336 = tpu.memref_slice %arg10[%dma_start3A_334, %dma_start3A_335] : memref<10000x128xf32, #tpu.memory_space<vmem_shared>> -> memref<10000x128xf32, #tpu.memory_space<vmem_shared>>
        tpu.enqueue_indirect_dma source(%dma_start3A_330 : memref<125x128xf32, #tpu.memory_space<vmem>>) target(%dma_start3A_336 : memref<10000x128xf32, #tpu.memory_space<vmem_shared>>) offsets(%dma_start3A_333 : memref<125xi32, #tpu.memory_space<vmem>>) semaphore(%arg15 : memref<!tpu.dma_semaphore, #tpu.memory_space<semaphore_mem>>) {add = true}
        %dma_wait3A_337 = arith.constant 0 : i32
        %dma_wait3A_338 = arith.constant 0 : i32
        %dma_wait3A_339 = arith.constant 0 : i32
        %dma_wait3A_340 = arith.constant 0 : i32
        %dma_wait3A_341 = tpu.memref_slice %arg9[%dma_wait3A_337, %dma_wait3A_339, %dma_wait3A_340] : memref<3x125x128xf32, #tpu.memory_space<vmem>> -> memref<1x125x128xf32, #tpu.memory_space<vmem>>
        %dma_wait3A_342 = tpu.memref_squeeze %dma_wait3A_341 : memref<1x125x128xf32, #tpu.memory_space<vmem>> -> memref<125x128xf32, #tpu.memory_space<vmem>>
        %dma_wait3A_343 = arith.constant 0 : i32
        %dma_wait3A_344 = tpu.memref_slice %arg8[%dma_wait3A_338, %rem3A_280, %dma_wait3A_343] : memref<3x2x125xi32, #tpu.memory_space<vmem>> -> memref<1x1x125xi32, #tpu.memory_space<vmem>>
        %dma_wait3A_345 = tpu.memref_squeeze %dma_wait3A_344 : memref<1x1x125xi32, #tpu.memory_space<vmem>> -> memref<125xi32, #tpu.memory_space<vmem>>
        %dma_wait3A_346 = arith.constant 0 : i32
        %dma_wait3A_347 = arith.constant 0 : i32
        %dma_wait3A_348 = tpu.memref_slice %arg10[%dma_wait3A_346, %dma_wait3A_347] : memref<10000x128xf32, #tpu.memory_space<vmem_shared>> -> memref<10000x128xf32, #tpu.memory_space<vmem_shared>>
        tpu.wait_indirect_dma semaphore(%arg15 : memref<!tpu.dma_semaphore, #tpu.memory_space<semaphore_mem>>) src(%dma_wait3A_342 : memref<125x128xf32, #tpu.memory_space<vmem>>) dst(%dma_wait3A_348 : memref<10000x128xf32, #tpu.memory_space<vmem_shared>>)
        %add3A_349 = arith.constant 3 : i32
        %add3A_350 = arith.addi %add3A_285, %add3A_349 : i32
        %lt3A_351 = arith.constant 160 : i32
        %lt3A_352 = arith.cmpi slt, %add3A_350, %lt3A_351 : i32
        %convert_element_type3A_353 = arith.extui %lt3A_352 : i1 to i32
        %cond3A_354 = arith.constant 0 : i32
        %cond3A_355 = arith.cmpi ne, %convert_element_type3A_353, %cond3A_354 : i32
        scf.if %cond3A_355 {
          %add3A_356 = arith.constant 3 : i32
          %add3A_357 = arith.addi %add3A_285, %add3A_356 : i32
          %dma_wait3A_358 = arith.constant 0 : i32
          %dma_wait3A_359 = arith.constant 0 : i32
          %dma_wait3A_360 = tpu.memref_slice %arg7[%dma_wait3A_358, %dma_wait3A_359] : memref<3x125xi32, #tpu.memory_space<vmem>> -> memref<1x125xi32, #tpu.memory_space<vmem>>
          %dma_wait3A_361 = tpu.memref_squeeze %dma_wait3A_360 : memref<1x125xi32, #tpu.memory_space<vmem>> -> memref<125xi32, #tpu.memory_space<vmem>>
          %dma_wait3A_362 = arith.constant 0 : i32
          %dma_wait3A_363 = tpu.memref_slice %arg3[%arg0, %arg1, %add3A_357, %dma_wait3A_362] : memref<2x16x160x125xi32, #tpu.memory_space<hbm>> -> memref<1x1x1x125xi32, #tpu.memory_space<hbm>>
          %dma_wait3A_364 = tpu.memref_squeeze %dma_wait3A_363 : memref<1x1x1x125xi32, #tpu.memory_space<hbm>> -> memref<125xi32, #tpu.memory_space<hbm>>
          %dma_wait3A_365 = arith.constant 0 : i32
          %dma_wait3A_366 = tpu.memref_slice %arg7[%dma_wait3A_358, %dma_wait3A_365] : memref<3x125xi32, #tpu.memory_space<vmem>> -> memref<1x125xi32, #tpu.memory_space<vmem>>
          %dma_wait3A_367 = tpu.memref_squeeze %dma_wait3A_366 : memref<1x125xi32, #tpu.memory_space<vmem>> -> memref<125xi32, #tpu.memory_space<vmem>>
          %dma_wait3A_368 = arith.constant 0 : i32
          %dma_wait3A_369 = tpu.memref_slice %arg3[%arg0, %arg1, %add3A_357, %dma_wait3A_368] : memref<2x16x160x125xi32, #tpu.memory_space<hbm>> -> memref<1x1x1x125xi32, #tpu.memory_space<hbm>>
          %dma_wait3A_370 = tpu.memref_squeeze %dma_wait3A_369 : memref<1x1x1x125xi32, #tpu.memory_space<hbm>> -> memref<125xi32, #tpu.memory_space<hbm>>
          tpu.wait_dma2 semaphore(%arg11 : memref<!tpu.dma_semaphore, #tpu.memory_space<semaphore_mem>>) src(%dma_wait3A_370 : memref<125xi32, #tpu.memory_space<hbm>>) dst(%dma_wait3A_367 : memref<125xi32, #tpu.memory_space<vmem>>)
          %add3A_371 = arith.constant 3 : i32
          %add3A_372 = arith.addi %add3A_285, %add3A_371 : i32
          %dma_wait3A_373 = arith.constant 0 : i32
          %dma_wait3A_374 = arith.constant 0 : i32
          %dma_wait3A_375 = tpu.memref_slice %arg8[%dma_wait3A_373, %sub3A_281, %dma_wait3A_374] : memref<3x2x125xi32, #tpu.memory_space<vmem>> -> memref<1x1x125xi32, #tpu.memory_space<vmem>>
          %dma_wait3A_376 = tpu.memref_squeeze %dma_wait3A_375 : memref<1x1x125xi32, #tpu.memory_space<vmem>> -> memref<125xi32, #tpu.memory_space<vmem>>
          %dma_wait3A_377 = arith.constant 0 : i32
          %dma_wait3A_378 = tpu.memref_slice %arg4[%arg1, %add3A_372, %dma_wait3A_377] : memref<16x160x125xi32, #tpu.memory_space<hbm>> -> memref<1x1x125xi32, #tpu.memory_space<hbm>>
          %dma_wait3A_379 = tpu.memref_squeeze %dma_wait3A_378 : memref<1x1x125xi32, #tpu.memory_space<hbm>> -> memref<125xi32, #tpu.memory_space<hbm>>
          %dma_wait3A_380 = arith.constant 0 : i32
          %dma_wait3A_381 = tpu.memref_slice %arg8[%dma_wait3A_373, %sub3A_281, %dma_wait3A_380] : memref<3x2x125xi32, #tpu.memory_space<vmem>> -> memref<1x1x125xi32, #tpu.memory_space<vmem>>
          %dma_wait3A_382 = tpu.memref_squeeze %dma_wait3A_381 : memref<1x1x125xi32, #tpu.memory_space<vmem>> -> memref<125xi32, #tpu.memory_space<vmem>>
          %dma_wait3A_383 = arith.constant 0 : i32
          %dma_wait3A_384 = tpu.memref_slice %arg4[%arg1, %add3A_372, %dma_wait3A_383] : memref<16x160x125xi32, #tpu.memory_space<hbm>> -> memref<1x1x125xi32, #tpu.memory_space<hbm>>
          %dma_wait3A_385 = tpu.memref_squeeze %dma_wait3A_384 : memref<1x1x125xi32, #tpu.memory_space<hbm>> -> memref<125xi32, #tpu.memory_space<hbm>>
          tpu.wait_dma2 semaphore(%arg11 : memref<!tpu.dma_semaphore, #tpu.memory_space<semaphore_mem>>) src(%dma_wait3A_385 : memref<125xi32, #tpu.memory_space<hbm>>) dst(%dma_wait3A_382 : memref<125xi32, #tpu.memory_space<vmem>>)
          %dma_start3A_386 = arith.constant 0 : i32
          %dma_start3A_387 = arith.constant 0 : i32
          %dma_start3A_388 = arith.constant 0 : i32
          %dma_start3A_389 = arith.constant 0 : i32
          %dma_start3A_390 = tpu.memref_slice %arg9[%dma_start3A_387, %dma_start3A_388, %dma_start3A_389] : memref<3x125x128xf32, #tpu.memory_space<vmem>> -> memref<1x125x128xf32, #tpu.memory_space<vmem>>
          %dma_start3A_391 = tpu.memref_squeeze %dma_start3A_390 : memref<1x125x128xf32, #tpu.memory_space<vmem>> -> memref<125x128xf32, #tpu.memory_space<vmem>>
          %dma_start3A_392 = arith.constant 0 : i32
          %dma_start3A_393 = tpu.memref_slice %arg7[%dma_start3A_386, %dma_start3A_392] : memref<3x125xi32, #tpu.memory_space<vmem>> -> memref<1x125xi32, #tpu.memory_space<vmem>>
          %dma_start3A_394 = tpu.memref_squeeze %dma_start3A_393 : memref<1x125xi32, #tpu.memory_space<vmem>> -> memref<125xi32, #tpu.memory_space<vmem>>
          %dma_start3A_395 = arith.constant 0 : i32
          %dma_start3A_396 = arith.constant 0 : i32
          %dma_start3A_397 = tpu.memref_slice %arg2[%dma_start3A_395, %dma_start3A_396] : memref<20000x128xf32, #tpu.memory_space<hbm>> -> memref<20000x128xf32, #tpu.memory_space<hbm>>
          tpu.enqueue_indirect_dma source(%dma_start3A_397 : memref<20000x128xf32, #tpu.memory_space<hbm>>) target(%dma_start3A_391 : memref<125x128xf32, #tpu.memory_space<vmem>>) offsets(%dma_start3A_394 : memref<125xi32, #tpu.memory_space<vmem>>) semaphore(%arg11 : memref<!tpu.dma_semaphore, #tpu.memory_space<semaphore_mem>>)
        } else {
        }
      } else {
      }
      %mul3A_288 = arith.constant 3 : i32
      %mul3A_289 = arith.muli %scan3A_279, %mul3A_288 : i32
      %add3A_290 = arith.constant 1 : i32
      %add3A_291 = arith.addi %mul3A_289, %add3A_290 : i32
      %lt3A_292 = arith.constant 160 : i32
      %lt3A_293 = arith.cmpi slt, %add3A_291, %lt3A_292 : i32
      %convert_element_type3A_294 = arith.extui %lt3A_293 : i1 to i32
      %cond3A_295 = arith.constant 0 : i32
      %cond3A_296 = arith.cmpi ne, %convert_element_type3A_294, %cond3A_295 : i32
      scf.if %cond3A_296 {
        %dma_wait3A_306 = arith.constant 1 : i32
        %dma_wait3A_307 = arith.constant 1 : i32
        %dma_wait3A_308 = arith.constant 0 : i32
        %dma_wait3A_309 = arith.constant 0 : i32
        %dma_wait3A_310 = tpu.memref_slice %arg9[%dma_wait3A_307, %dma_wait3A_308, %dma_wait3A_309] : memref<3x125x128xf32, #tpu.memory_space<vmem>> -> memref<1x125x128xf32, #tpu.memory_space<vmem>>
        %dma_wait3A_311 = tpu.memref_squeeze %dma_wait3A_310 : memref<1x125x128xf32, #tpu.memory_space<vmem>> -> memref<125x128xf32, #tpu.memory_space<vmem>>
        %dma_wait3A_312 = arith.constant 0 : i32
        %dma_wait3A_313 = tpu.memref_slice %arg7[%dma_wait3A_306, %dma_wait3A_312] : memref<3x125xi32, #tpu.memory_space<vmem>> -> memref<1x125xi32, #tpu.memory_space<vmem>>
        %dma_wait3A_314 = tpu.memref_squeeze %dma_wait3A_313 : memref<1x125xi32, #tpu.memory_space<vmem>> -> memref<125xi32, #tpu.memory_space<vmem>>
        %dma_wait3A_315 = arith.constant 0 : i32
        %dma_wait3A_316 = arith.constant 0 : i32
        %dma_wait3A_317 = tpu.memref_slice %arg2[%dma_wait3A_315, %dma_wait3A_316] : memref<20000x128xf32, #tpu.memory_space<hbm>> -> memref<20000x128xf32, #tpu.memory_space<hbm>>
        tpu.wait_indirect_dma semaphore(%arg12 : memref<!tpu.dma_semaphore, #tpu.memory_space<semaphore_mem>>) src(%dma_wait3A_317 : memref<20000x128xf32, #tpu.memory_space<hbm>>) dst(%dma_wait3A_311 : memref<125x128xf32, #tpu.memory_space<vmem>>)
        %add3A_318 = arith.constant 3 : i32
        %add3A_319 = arith.addi %add3A_291, %add3A_318 : i32
        %lt3A_320 = arith.constant 160 : i32
        %lt3A_321 = arith.cmpi slt, %add3A_319, %lt3A_320 : i32
        %convert_element_type3A_322 = arith.extui %lt3A_321 : i1 to i32
        %cond3A_323 = arith.constant 0 : i32
        %cond3A_324 = arith.cmpi ne, %convert_element_type3A_322, %cond3A_323 : i32
        scf.if %cond3A_324 {
          %add3A_356 = arith.constant 3 : i32
          %add3A_357 = arith.addi %add3A_291, %add3A_356 : i32
          %dma_start3A_358 = arith.constant 1 : i32
          %dma_start3A_359 = arith.constant 0 : i32
          %dma_start3A_360 = tpu.memref_slice %arg7[%dma_start3A_358, %dma_start3A_359] : memref<3x125xi32, #tpu.memory_space<vmem>> -> memref<1x125xi32, #tpu.memory_space<vmem>>
          %dma_start3A_361 = tpu.memref_squeeze %dma_start3A_360 : memref<1x125xi32, #tpu.memory_space<vmem>> -> memref<125xi32, #tpu.memory_space<vmem>>
          %dma_start3A_362 = arith.constant 0 : i32
          %dma_start3A_363 = tpu.memref_slice %arg3[%arg0, %arg1, %add3A_357, %dma_start3A_362] : memref<2x16x160x125xi32, #tpu.memory_space<hbm>> -> memref<1x1x1x125xi32, #tpu.memory_space<hbm>>
          %dma_start3A_364 = tpu.memref_squeeze %dma_start3A_363 : memref<1x1x1x125xi32, #tpu.memory_space<hbm>> -> memref<125xi32, #tpu.memory_space<hbm>>
          %dma_start3A_365 = arith.constant 0 : i32
          %dma_start3A_366 = tpu.memref_slice %arg7[%dma_start3A_358, %dma_start3A_365] : memref<3x125xi32, #tpu.memory_space<vmem>> -> memref<1x125xi32, #tpu.memory_space<vmem>>
          %dma_start3A_367 = tpu.memref_squeeze %dma_start3A_366 : memref<1x125xi32, #tpu.memory_space<vmem>> -> memref<125xi32, #tpu.memory_space<vmem>>
          %dma_start3A_368 = arith.constant 0 : i32
          %dma_start3A_369 = tpu.memref_slice %arg3[%arg0, %arg1, %add3A_357, %dma_start3A_368] : memref<2x16x160x125xi32, #tpu.memory_space<hbm>> -> memref<1x1x1x125xi32, #tpu.memory_space<hbm>>
          %dma_start3A_370 = tpu.memref_squeeze %dma_start3A_369 : memref<1x1x1x125xi32, #tpu.memory_space<hbm>> -> memref<125xi32, #tpu.memory_space<hbm>>
          tpu.enqueue_dma source(%dma_start3A_370 : memref<125xi32, #tpu.memory_space<hbm>>) target(%dma_start3A_367 : memref<125xi32, #tpu.memory_space<vmem>>) target_semaphore(%arg12 : memref<!tpu.dma_semaphore, #tpu.memory_space<semaphore_mem>>)
          %add3A_371 = arith.constant 3 : i32
          %add3A_372 = arith.addi %add3A_291, %add3A_371 : i32
          %dma_start3A_373 = arith.constant 1 : i32
          %dma_start3A_374 = arith.constant 0 : i32
          %dma_start3A_375 = tpu.memref_slice %arg8[%dma_start3A_373, %sub3A_281, %dma_start3A_374] : memref<3x2x125xi32, #tpu.memory_space<vmem>> -> memref<1x1x125xi32, #tpu.memory_space<vmem>>
          %dma_start3A_376 = tpu.memref_squeeze %dma_start3A_375 : memref<1x1x125xi32, #tpu.memory_space<vmem>> -> memref<125xi32, #tpu.memory_space<vmem>>
          %dma_start3A_377 = arith.constant 0 : i32
          %dma_start3A_378 = tpu.memref_slice %arg4[%arg1, %add3A_372, %dma_start3A_377] : memref<16x160x125xi32, #tpu.memory_space<hbm>> -> memref<1x1x125xi32, #tpu.memory_space<hbm>>
          %dma_start3A_379 = tpu.memref_squeeze %dma_start3A_378 : memref<1x1x125xi32, #tpu.memory_space<hbm>> -> memref<125xi32, #tpu.memory_space<hbm>>
          %dma_start3A_380 = arith.constant 0 : i32
          %dma_start3A_381 = tpu.memref_slice %arg8[%dma_start3A_373, %sub3A_281, %dma_start3A_380] : memref<3x2x125xi32, #tpu.memory_space<vmem>> -> memref<1x1x125xi32, #tpu.memory_space<vmem>>
          %dma_start3A_382 = tpu.memref_squeeze %dma_start3A_381 : memref<1x1x125xi32, #tpu.memory_space<vmem>> -> memref<125xi32, #tpu.memory_space<vmem>>
          %dma_start3A_383 = arith.constant 0 : i32
          %dma_start3A_384 = tpu.memref_slice %arg4[%arg1, %add3A_372, %dma_start3A_383] : memref<16x160x125xi32, #tpu.memory_space<hbm>> -> memref<1x1x125xi32, #tpu.memory_space<hbm>>
          %dma_start3A_385 = tpu.memref_squeeze %dma_start3A_384 : memref<1x1x125xi32, #tpu.memory_space<hbm>> -> memref<125xi32, #tpu.memory_space<hbm>>
          tpu.enqueue_dma source(%dma_start3A_385 : memref<125xi32, #tpu.memory_space<hbm>>) target(%dma_start3A_382 : memref<125xi32, #tpu.memory_space<vmem>>) target_semaphore(%arg12 : memref<!tpu.dma_semaphore, #tpu.memory_space<semaphore_mem>>)
        } else {
        }
        %dma_start3A_325 = arith.constant 1 : i32
        %dma_start3A_326 = arith.constant 1 : i32
        %dma_start3A_327 = arith.constant 0 : i32
        %dma_start3A_328 = arith.constant 0 : i32
        %dma_start3A_329 = tpu.memref_slice %arg9[%dma_start3A_325, %dma_start3A_327, %dma_start3A_328] : memref<3x125x128xf32, #tpu.memory_space<vmem>> -> memref<1x125x128xf32, #tpu.memory_space<vmem>>
        %dma_start3A_330 = tpu.memref_squeeze %dma_start3A_329 : memref<1x125x128xf32, #tpu.memory_space<vmem>> -> memref<125x128xf32, #tpu.memory_space<vmem>>
        %dma_start3A_331 = arith.constant 0 : i32
        %dma_start3A_332 = tpu.memref_slice %arg8[%dma_start3A_326, %rem3A_280, %dma_start3A_331] : memref<3x2x125xi32, #tpu.memory_space<vmem>> -> memref<1x1x125xi32, #tpu.memory_space<vmem>>
        %dma_start3A_333 = tpu.memref_squeeze %dma_start3A_332 : memref<1x1x125xi32, #tpu.memory_space<vmem>> -> memref<125xi32, #tpu.memory_space<vmem>>
        %dma_start3A_334 = arith.constant 0 : i32
        %dma_start3A_335 = arith.constant 0 : i32
        %dma_start3A_336 = tpu.memref_slice %arg10[%dma_start3A_334, %dma_start3A_335] : memref<10000x128xf32, #tpu.memory_space<vmem_shared>> -> memref<10000x128xf32, #tpu.memory_space<vmem_shared>>
        tpu.enqueue_indirect_dma source(%dma_start3A_330 : memref<125x128xf32, #tpu.memory_space<vmem>>) target(%dma_start3A_336 : memref<10000x128xf32, #tpu.memory_space<vmem_shared>>) offsets(%dma_start3A_333 : memref<125xi32, #tpu.memory_space<vmem>>) semaphore(%arg16 : memref<!tpu.dma_semaphore, #tpu.memory_space<semaphore_mem>>) {add = true}
        %dma_wait3A_337 = arith.constant 1 : i32
        %dma_wait3A_338 = arith.constant 1 : i32
        %dma_wait3A_339 = arith.constant 0 : i32
        %dma_wait3A_340 = arith.constant 0 : i32
        %dma_wait3A_341 = tpu.memref_slice %arg9[%dma_wait3A_337, %dma_wait3A_339, %dma_wait3A_340] : memref<3x125x128xf32, #tpu.memory_space<vmem>> -> memref<1x125x128xf32, #tpu.memory_space<vmem>>
        %dma_wait3A_342 = tpu.memref_squeeze %dma_wait3A_341 : memref<1x125x128xf32, #tpu.memory_space<vmem>> -> memref<125x128xf32, #tpu.memory_space<vmem>>
        %dma_wait3A_343 = arith.constant 0 : i32
        %dma_wait3A_344 = tpu.memref_slice %arg8[%dma_wait3A_338, %rem3A_280, %dma_wait3A_343] : memref<3x2x125xi32, #tpu.memory_space<vmem>> -> memref<1x1x125xi32, #tpu.memory_space<vmem>>
        %dma_wait3A_345 = tpu.memref_squeeze %dma_wait3A_344 : memref<1x1x125xi32, #tpu.memory_space<vmem>> -> memref<125xi32, #tpu.memory_space<vmem>>
        %dma_wait3A_346 = arith.constant 0 : i32
        %dma_wait3A_347 = arith.constant 0 : i32
        %dma_wait3A_348 = tpu.memref_slice %arg10[%dma_wait3A_346, %dma_wait3A_347] : memref<10000x128xf32, #tpu.memory_space<vmem_shared>> -> memref<10000x128xf32, #tpu.memory_space<vmem_shared>>
        tpu.wait_indirect_dma semaphore(%arg16 : memref<!tpu.dma_semaphore, #tpu.memory_space<semaphore_mem>>) src(%dma_wait3A_342 : memref<125x128xf32, #tpu.memory_space<vmem>>) dst(%dma_wait3A_348 : memref<10000x128xf32, #tpu.memory_space<vmem_shared>>)
        %add3A_349 = arith.constant 3 : i32
        %add3A_350 = arith.addi %add3A_291, %add3A_349 : i32
        %lt3A_351 = arith.constant 160 : i32
        %lt3A_352 = arith.cmpi slt, %add3A_350, %lt3A_351 : i32
        %convert_element_type3A_353 = arith.extui %lt3A_352 : i1 to i32
        %cond3A_354 = arith.constant 0 : i32
        %cond3A_355 = arith.cmpi ne, %convert_element_type3A_353, %cond3A_354 : i32
        scf.if %cond3A_355 {
          %add3A_356 = arith.constant 3 : i32
          %add3A_357 = arith.addi %add3A_291, %add3A_356 : i32
          %dma_wait3A_358 = arith.constant 1 : i32
          %dma_wait3A_359 = arith.constant 0 : i32
          %dma_wait3A_360 = tpu.memref_slice %arg7[%dma_wait3A_358, %dma_wait3A_359] : memref<3x125xi32, #tpu.memory_space<vmem>> -> memref<1x125xi32, #tpu.memory_space<vmem>>
          %dma_wait3A_361 = tpu.memref_squeeze %dma_wait3A_360 : memref<1x125xi32, #tpu.memory_space<vmem>> -> memref<125xi32, #tpu.memory_space<vmem>>
          %dma_wait3A_362 = arith.constant 0 : i32
          %dma_wait3A_363 = tpu.memref_slice %arg3[%arg0, %arg1, %add3A_357, %dma_wait3A_362] : memref<2x16x160x125xi32, #tpu.memory_space<hbm>> -> memref<1x1x1x125xi32, #tpu.memory_space<hbm>>
          %dma_wait3A_364 = tpu.memref_squeeze %dma_wait3A_363 : memref<1x1x1x125xi32, #tpu.memory_space<hbm>> -> memref<125xi32, #tpu.memory_space<hbm>>
          %dma_wait3A_365 = arith.constant 0 : i32
          %dma_wait3A_366 = tpu.memref_slice %arg7[%dma_wait3A_358, %dma_wait3A_365] : memref<3x125xi32, #tpu.memory_space<vmem>> -> memref<1x125xi32, #tpu.memory_space<vmem>>
          %dma_wait3A_367 = tpu.memref_squeeze %dma_wait3A_366 : memref<1x125xi32, #tpu.memory_space<vmem>> -> memref<125xi32, #tpu.memory_space<vmem>>
          %dma_wait3A_368 = arith.constant 0 : i32
          %dma_wait3A_369 = tpu.memref_slice %arg3[%arg0, %arg1, %add3A_357, %dma_wait3A_368] : memref<2x16x160x125xi32, #tpu.memory_space<hbm>> -> memref<1x1x1x125xi32, #tpu.memory_space<hbm>>
          %dma_wait3A_370 = tpu.memref_squeeze %dma_wait3A_369 : memref<1x1x1x125xi32, #tpu.memory_space<hbm>> -> memref<125xi32, #tpu.memory_space<hbm>>
          tpu.wait_dma2 semaphore(%arg12 : memref<!tpu.dma_semaphore, #tpu.memory_space<semaphore_mem>>) src(%dma_wait3A_370 : memref<125xi32, #tpu.memory_space<hbm>>) dst(%dma_wait3A_367 : memref<125xi32, #tpu.memory_space<vmem>>)
          %add3A_371 = arith.constant 3 : i32
          %add3A_372 = arith.addi %add3A_291, %add3A_371 : i32
          %dma_wait3A_373 = arith.constant 1 : i32
          %dma_wait3A_374 = arith.constant 0 : i32
          %dma_wait3A_375 = tpu.memref_slice %arg8[%dma_wait3A_373, %sub3A_281, %dma_wait3A_374] : memref<3x2x125xi32, #tpu.memory_space<vmem>> -> memref<1x1x125xi32, #tpu.memory_space<vmem>>
          %dma_wait3A_376 = tpu.memref_squeeze %dma_wait3A_375 : memref<1x1x125xi32, #tpu.memory_space<vmem>> -> memref<125xi32, #tpu.memory_space<vmem>>
          %dma_wait3A_377 = arith.constant 0 : i32
          %dma_wait3A_378 = tpu.memref_slice %arg4[%arg1, %add3A_372, %dma_wait3A_377] : memref<16x160x125xi32, #tpu.memory_space<hbm>> -> memref<1x1x125xi32, #tpu.memory_space<hbm>>
          %dma_wait3A_379 = tpu.memref_squeeze %dma_wait3A_378 : memref<1x1x125xi32, #tpu.memory_space<hbm>> -> memref<125xi32, #tpu.memory_space<hbm>>
          %dma_wait3A_380 = arith.constant 0 : i32
          %dma_wait3A_381 = tpu.memref_slice %arg8[%dma_wait3A_373, %sub3A_281, %dma_wait3A_380] : memref<3x2x125xi32, #tpu.memory_space<vmem>> -> memref<1x1x125xi32, #tpu.memory_space<vmem>>
          %dma_wait3A_382 = tpu.memref_squeeze %dma_wait3A_381 : memref<1x1x125xi32, #tpu.memory_space<vmem>> -> memref<125xi32, #tpu.memory_space<vmem>>
          %dma_wait3A_383 = arith.constant 0 : i32
          %dma_wait3A_384 = tpu.memref_slice %arg4[%arg1, %add3A_372, %dma_wait3A_383] : memref<16x160x125xi32, #tpu.memory_space<hbm>> -> memref<1x1x125xi32, #tpu.memory_space<hbm>>
          %dma_wait3A_385 = tpu.memref_squeeze %dma_wait3A_384 : memref<1x1x125xi32, #tpu.memory_space<hbm>> -> memref<125xi32, #tpu.memory_space<hbm>>
          tpu.wait_dma2 semaphore(%arg12 : memref<!tpu.dma_semaphore, #tpu.memory_space<semaphore_mem>>) src(%dma_wait3A_385 : memref<125xi32, #tpu.memory_space<hbm>>) dst(%dma_wait3A_382 : memref<125xi32, #tpu.memory_space<vmem>>)
          %dma_start3A_386 = arith.constant 1 : i32
          %dma_start3A_387 = arith.constant 1 : i32
          %dma_start3A_388 = arith.constant 0 : i32
          %dma_start3A_389 = arith.constant 0 : i32
          %dma_start3A_390 = tpu.memref_slice %arg9[%dma_start3A_387, %dma_start3A_388, %dma_start3A_389] : memref<3x125x128xf32, #tpu.memory_space<vmem>> -> memref<1x125x128xf32, #tpu.memory_space<vmem>>
          %dma_start3A_391 = tpu.memref_squeeze %dma_start3A_390 : memref<1x125x128xf32, #tpu.memory_space<vmem>> -> memref<125x128xf32, #tpu.memory_space<vmem>>
          %dma_start3A_392 = arith.constant 0 : i32
          %dma_start3A_393 = tpu.memref_slice %arg7[%dma_start3A_386, %dma_start3A_392] : memref<3x125xi32, #tpu.memory_space<vmem>> -> memref<1x125xi32, #tpu.memory_space<vmem>>
          %dma_start3A_394 = tpu.memref_squeeze %dma_start3A_393 : memref<1x125xi32, #tpu.memory_space<vmem>> -> memref<125xi32, #tpu.memory_space<vmem>>
          %dma_start3A_395 = arith.constant 0 : i32
          %dma_start3A_396 = arith.constant 0 : i32
          %dma_start3A_397 = tpu.memref_slice %arg2[%dma_start3A_395, %dma_start3A_396] : memref<20000x128xf32, #tpu.memory_space<hbm>> -> memref<20000x128xf32, #tpu.memory_space<hbm>>
          tpu.enqueue_indirect_dma source(%dma_start3A_397 : memref<20000x128xf32, #tpu.memory_space<hbm>>) target(%dma_start3A_391 : memref<125x128xf32, #tpu.memory_space<vmem>>) offsets(%dma_start3A_394 : memref<125xi32, #tpu.memory_space<vmem>>) semaphore(%arg12 : memref<!tpu.dma_semaphore, #tpu.memory_space<semaphore_mem>>)
        } else {
        }
      } else {
      }
      %mul3A_297 = arith.constant 3 : i32
      %mul3A_298 = arith.muli %scan3A_279, %mul3A_297 : i32
      %add3A_299 = arith.constant 2 : i32
      %add3A_300 = arith.addi %mul3A_298, %add3A_299 : i32
      %lt3A_301 = arith.constant 160 : i32
      %lt3A_302 = arith.cmpi slt, %add3A_300, %lt3A_301 : i32
      %convert_element_type3A_303 = arith.extui %lt3A_302 : i1 to i32
      %cond3A_304 = arith.constant 0 : i32
      %cond3A_305 = arith.cmpi ne, %convert_element_type3A_303, %cond3A_304 : i32
      scf.if %cond3A_305 {
        %dma_wait3A_306 = arith.constant 2 : i32
        %dma_wait3A_307 = arith.constant 2 : i32
        %dma_wait3A_308 = arith.constant 0 : i32
        %dma_wait3A_309 = arith.constant 0 : i32
        %dma_wait3A_310 = tpu.memref_slice %arg9[%dma_wait3A_307, %dma_wait3A_308, %dma_wait3A_309] : memref<3x125x128xf32, #tpu.memory_space<vmem>> -> memref<1x125x128xf32, #tpu.memory_space<vmem>>
        %dma_wait3A_311 = tpu.memref_squeeze %dma_wait3A_310 : memref<1x125x128xf32, #tpu.memory_space<vmem>> -> memref<125x128xf32, #tpu.memory_space<vmem>>
        %dma_wait3A_312 = arith.constant 0 : i32
        %dma_wait3A_313 = tpu.memref_slice %arg7[%dma_wait3A_306, %dma_wait3A_312] : memref<3x125xi32, #tpu.memory_space<vmem>> -> memref<1x125xi32, #tpu.memory_space<vmem>>
        %dma_wait3A_314 = tpu.memref_squeeze %dma_wait3A_313 : memref<1x125xi32, #tpu.memory_space<vmem>> -> memref<125xi32, #tpu.memory_space<vmem>>
        %dma_wait3A_315 = arith.constant 0 : i32
        %dma_wait3A_316 = arith.constant 0 : i32
        %dma_wait3A_317 = tpu.memref_slice %arg2[%dma_wait3A_315, %dma_wait3A_316] : memref<20000x128xf32, #tpu.memory_space<hbm>> -> memref<20000x128xf32, #tpu.memory_space<hbm>>
        tpu.wait_indirect_dma semaphore(%arg13 : memref<!tpu.dma_semaphore, #tpu.memory_space<semaphore_mem>>) src(%dma_wait3A_317 : memref<20000x128xf32, #tpu.memory_space<hbm>>) dst(%dma_wait3A_311 : memref<125x128xf32, #tpu.memory_space<vmem>>)
        %add3A_318 = arith.constant 3 : i32
        %add3A_319 = arith.addi %add3A_300, %add3A_318 : i32
        %lt3A_320 = arith.constant 160 : i32
        %lt3A_321 = arith.cmpi slt, %add3A_319, %lt3A_320 : i32
        %convert_element_type3A_322 = arith.extui %lt3A_321 : i1 to i32
        %cond3A_323 = arith.constant 0 : i32
        %cond3A_324 = arith.cmpi ne, %convert_element_type3A_322, %cond3A_323 : i32
        scf.if %cond3A_324 {
          %add3A_356 = arith.constant 3 : i32
          %add3A_357 = arith.addi %add3A_300, %add3A_356 : i32
          %dma_start3A_358 = arith.constant 2 : i32
          %dma_start3A_359 = arith.constant 0 : i32
          %dma_start3A_360 = tpu.memref_slice %arg7[%dma_start3A_358, %dma_start3A_359] : memref<3x125xi32, #tpu.memory_space<vmem>> -> memref<1x125xi32, #tpu.memory_space<vmem>>
          %dma_start3A_361 = tpu.memref_squeeze %dma_start3A_360 : memref<1x125xi32, #tpu.memory_space<vmem>> -> memref<125xi32, #tpu.memory_space<vmem>>
          %dma_start3A_362 = arith.constant 0 : i32
          %dma_start3A_363 = tpu.memref_slice %arg3[%arg0, %arg1, %add3A_357, %dma_start3A_362] : memref<2x16x160x125xi32, #tpu.memory_space<hbm>> -> memref<1x1x1x125xi32, #tpu.memory_space<hbm>>
          %dma_start3A_364 = tpu.memref_squeeze %dma_start3A_363 : memref<1x1x1x125xi32, #tpu.memory_space<hbm>> -> memref<125xi32, #tpu.memory_space<hbm>>
          %dma_start3A_365 = arith.constant 0 : i32
          %dma_start3A_366 = tpu.memref_slice %arg7[%dma_start3A_358, %dma_start3A_365] : memref<3x125xi32, #tpu.memory_space<vmem>> -> memref<1x125xi32, #tpu.memory_space<vmem>>
          %dma_start3A_367 = tpu.memref_squeeze %dma_start3A_366 : memref<1x125xi32, #tpu.memory_space<vmem>> -> memref<125xi32, #tpu.memory_space<vmem>>
          %dma_start3A_368 = arith.constant 0 : i32
          %dma_start3A_369 = tpu.memref_slice %arg3[%arg0, %arg1, %add3A_357, %dma_start3A_368] : memref<2x16x160x125xi32, #tpu.memory_space<hbm>> -> memref<1x1x1x125xi32, #tpu.memory_space<hbm>>
          %dma_start3A_370 = tpu.memref_squeeze %dma_start3A_369 : memref<1x1x1x125xi32, #tpu.memory_space<hbm>> -> memref<125xi32, #tpu.memory_space<hbm>>
          tpu.enqueue_dma source(%dma_start3A_370 : memref<125xi32, #tpu.memory_space<hbm>>) target(%dma_start3A_367 : memref<125xi32, #tpu.memory_space<vmem>>) target_semaphore(%arg13 : memref<!tpu.dma_semaphore, #tpu.memory_space<semaphore_mem>>)
          %add3A_371 = arith.constant 3 : i32
          %add3A_372 = arith.addi %add3A_300, %add3A_371 : i32
          %dma_start3A_373 = arith.constant 2 : i32
          %dma_start3A_374 = arith.constant 0 : i32
          %dma_start3A_375 = tpu.memref_slice %arg8[%dma_start3A_373, %sub3A_281, %dma_start3A_374] : memref<3x2x125xi32, #tpu.memory_space<vmem>> -> memref<1x1x125xi32, #tpu.memory_space<vmem>>
          %dma_start3A_376 = tpu.memref_squeeze %dma_start3A_375 : memref<1x1x125xi32, #tpu.memory_space<vmem>> -> memref<125xi32, #tpu.memory_space<vmem>>
          %dma_start3A_377 = arith.constant 0 : i32
          %dma_start3A_378 = tpu.memref_slice %arg4[%arg1, %add3A_372, %dma_start3A_377] : memref<16x160x125xi32, #tpu.memory_space<hbm>> -> memref<1x1x125xi32, #tpu.memory_space<hbm>>
          %dma_start3A_379 = tpu.memref_squeeze %dma_start3A_378 : memref<1x1x125xi32, #tpu.memory_space<hbm>> -> memref<125xi32, #tpu.memory_space<hbm>>
          %dma_start3A_380 = arith.constant 0 : i32
          %dma_start3A_381 = tpu.memref_slice %arg8[%dma_start3A_373, %sub3A_281, %dma_start3A_380] : memref<3x2x125xi32, #tpu.memory_space<vmem>> -> memref<1x1x125xi32, #tpu.memory_space<vmem>>
          %dma_start3A_382 = tpu.memref_squeeze %dma_start3A_381 : memref<1x1x125xi32, #tpu.memory_space<vmem>> -> memref<125xi32, #tpu.memory_space<vmem>>
          %dma_start3A_383 = arith.constant 0 : i32
          %dma_start3A_384 = tpu.memref_slice %arg4[%arg1, %add3A_372, %dma_start3A_383] : memref<16x160x125xi32, #tpu.memory_space<hbm>> -> memref<1x1x125xi32, #tpu.memory_space<hbm>>
          %dma_start3A_385 = tpu.memref_squeeze %dma_start3A_384 : memref<1x1x125xi32, #tpu.memory_space<hbm>> -> memref<125xi32, #tpu.memory_space<hbm>>
          tpu.enqueue_dma source(%dma_start3A_385 : memref<125xi32, #tpu.memory_space<hbm>>) target(%dma_start3A_382 : memref<125xi32, #tpu.memory_space<vmem>>) target_semaphore(%arg13 : memref<!tpu.dma_semaphore, #tpu.memory_space<semaphore_mem>>)
        } else {
        }
        %dma_start3A_325 = arith.constant 2 : i32
        %dma_start3A_326 = arith.constant 2 : i32
        %dma_start3A_327 = arith.constant 0 : i32
        %dma_start3A_328 = arith.constant 0 : i32
        %dma_start3A_329 = tpu.memref_slice %arg9[%dma_start3A_325, %dma_start3A_327, %dma_start3A_328] : memref<3x125x128xf32, #tpu.memory_space<vmem>> -> memref<1x125x128xf32, #tpu.memory_space<vmem>>
        %dma_start3A_330 = tpu.memref_squeeze %dma_start3A_329 : memref<1x125x128xf32, #tpu.memory_space<vmem>> -> memref<125x128xf32, #tpu.memory_space<vmem>>
        %dma_start3A_331 = arith.constant 0 : i32
        %dma_start3A_332 = tpu.memref_slice %arg8[%dma_start3A_326, %rem3A_280, %dma_start3A_331] : memref<3x2x125xi32, #tpu.memory_space<vmem>> -> memref<1x1x125xi32, #tpu.memory_space<vmem>>
        %dma_start3A_333 = tpu.memref_squeeze %dma_start3A_332 : memref<1x1x125xi32, #tpu.memory_space<vmem>> -> memref<125xi32, #tpu.memory_space<vmem>>
        %dma_start3A_334 = arith.constant 0 : i32
        %dma_start3A_335 = arith.constant 0 : i32
        %dma_start3A_336 = tpu.memref_slice %arg10[%dma_start3A_334, %dma_start3A_335] : memref<10000x128xf32, #tpu.memory_space<vmem_shared>> -> memref<10000x128xf32, #tpu.memory_space<vmem_shared>>
        tpu.enqueue_indirect_dma source(%dma_start3A_330 : memref<125x128xf32, #tpu.memory_space<vmem>>) target(%dma_start3A_336 : memref<10000x128xf32, #tpu.memory_space<vmem_shared>>) offsets(%dma_start3A_333 : memref<125xi32, #tpu.memory_space<vmem>>) semaphore(%arg17 : memref<!tpu.dma_semaphore, #tpu.memory_space<semaphore_mem>>) {add = true}
        %dma_wait3A_337 = arith.constant 2 : i32
        %dma_wait3A_338 = arith.constant 2 : i32
        %dma_wait3A_339 = arith.constant 0 : i32
        %dma_wait3A_340 = arith.constant 0 : i32
        %dma_wait3A_341 = tpu.memref_slice %arg9[%dma_wait3A_337, %dma_wait3A_339, %dma_wait3A_340] : memref<3x125x128xf32, #tpu.memory_space<vmem>> -> memref<1x125x128xf32, #tpu.memory_space<vmem>>
        %dma_wait3A_342 = tpu.memref_squeeze %dma_wait3A_341 : memref<1x125x128xf32, #tpu.memory_space<vmem>> -> memref<125x128xf32, #tpu.memory_space<vmem>>
        %dma_wait3A_343 = arith.constant 0 : i32
        %dma_wait3A_344 = tpu.memref_slice %arg8[%dma_wait3A_338, %rem3A_280, %dma_wait3A_343] : memref<3x2x125xi32, #tpu.memory_space<vmem>> -> memref<1x1x125xi32, #tpu.memory_space<vmem>>
        %dma_wait3A_345 = tpu.memref_squeeze %dma_wait3A_344 : memref<1x1x125xi32, #tpu.memory_space<vmem>> -> memref<125xi32, #tpu.memory_space<vmem>>
        %dma_wait3A_346 = arith.constant 0 : i32
        %dma_wait3A_347 = arith.constant 0 : i32
        %dma_wait3A_348 = tpu.memref_slice %arg10[%dma_wait3A_346, %dma_wait3A_347] : memref<10000x128xf32, #tpu.memory_space<vmem_shared>> -> memref<10000x128xf32, #tpu.memory_space<vmem_shared>>
        tpu.wait_indirect_dma semaphore(%arg17 : memref<!tpu.dma_semaphore, #tpu.memory_space<semaphore_mem>>) src(%dma_wait3A_342 : memref<125x128xf32, #tpu.memory_space<vmem>>) dst(%dma_wait3A_348 : memref<10000x128xf32, #tpu.memory_space<vmem_shared>>)
        %add3A_349 = arith.constant 3 : i32
        %add3A_350 = arith.addi %add3A_300, %add3A_349 : i32
        %lt3A_351 = arith.constant 160 : i32
        %lt3A_352 = arith.cmpi slt, %add3A_350, %lt3A_351 : i32
        %convert_element_type3A_353 = arith.extui %lt3A_352 : i1 to i32
        %cond3A_354 = arith.constant 0 : i32
        %cond3A_355 = arith.cmpi ne, %convert_element_type3A_353, %cond3A_354 : i32
        scf.if %cond3A_355 {
          %add3A_356 = arith.constant 3 : i32
          %add3A_357 = arith.addi %add3A_300, %add3A_356 : i32
          %dma_wait3A_358 = arith.constant 2 : i32
          %dma_wait3A_359 = arith.constant 0 : i32
          %dma_wait3A_360 = tpu.memref_slice %arg7[%dma_wait3A_358, %dma_wait3A_359] : memref<3x125xi32, #tpu.memory_space<vmem>> -> memref<1x125xi32, #tpu.memory_space<vmem>>
          %dma_wait3A_361 = tpu.memref_squeeze %dma_wait3A_360 : memref<1x125xi32, #tpu.memory_space<vmem>> -> memref<125xi32, #tpu.memory_space<vmem>>
          %dma_wait3A_362 = arith.constant 0 : i32
          %dma_wait3A_363 = tpu.memref_slice %arg3[%arg0, %arg1, %add3A_357, %dma_wait3A_362] : memref<2x16x160x125xi32, #tpu.memory_space<hbm>> -> memref<1x1x1x125xi32, #tpu.memory_space<hbm>>
          %dma_wait3A_364 = tpu.memref_squeeze %dma_wait3A_363 : memref<1x1x1x125xi32, #tpu.memory_space<hbm>> -> memref<125xi32, #tpu.memory_space<hbm>>
          %dma_wait3A_365 = arith.constant 0 : i32
          %dma_wait3A_366 = tpu.memref_slice %arg7[%dma_wait3A_358, %dma_wait3A_365] : memref<3x125xi32, #tpu.memory_space<vmem>> -> memref<1x125xi32, #tpu.memory_space<vmem>>
          %dma_wait3A_367 = tpu.memref_squeeze %dma_wait3A_366 : memref<1x125xi32, #tpu.memory_space<vmem>> -> memref<125xi32, #tpu.memory_space<vmem>>
          %dma_wait3A_368 = arith.constant 0 : i32
          %dma_wait3A_369 = tpu.memref_slice %arg3[%arg0, %arg1, %add3A_357, %dma_wait3A_368] : memref<2x16x160x125xi32, #tpu.memory_space<hbm>> -> memref<1x1x1x125xi32, #tpu.memory_space<hbm>>
          %dma_wait3A_370 = tpu.memref_squeeze %dma_wait3A_369 : memref<1x1x1x125xi32, #tpu.memory_space<hbm>> -> memref<125xi32, #tpu.memory_space<hbm>>
          tpu.wait_dma2 semaphore(%arg13 : memref<!tpu.dma_semaphore, #tpu.memory_space<semaphore_mem>>) src(%dma_wait3A_370 : memref<125xi32, #tpu.memory_space<hbm>>) dst(%dma_wait3A_367 : memref<125xi32, #tpu.memory_space<vmem>>)
          %add3A_371 = arith.constant 3 : i32
          %add3A_372 = arith.addi %add3A_300, %add3A_371 : i32
          %dma_wait3A_373 = arith.constant 2 : i32
          %dma_wait3A_374 = arith.constant 0 : i32
          %dma_wait3A_375 = tpu.memref_slice %arg8[%dma_wait3A_373, %sub3A_281, %dma_wait3A_374] : memref<3x2x125xi32, #tpu.memory_space<vmem>> -> memref<1x1x125xi32, #tpu.memory_space<vmem>>
          %dma_wait3A_376 = tpu.memref_squeeze %dma_wait3A_375 : memref<1x1x125xi32, #tpu.memory_space<vmem>> -> memref<125xi32, #tpu.memory_space<vmem>>
          %dma_wait3A_377 = arith.constant 0 : i32
          %dma_wait3A_378 = tpu.memref_slice %arg4[%arg1, %add3A_372, %dma_wait3A_377] : memref<16x160x125xi32, #tpu.memory_space<hbm>> -> memref<1x1x125xi32, #tpu.memory_space<hbm>>
          %dma_wait3A_379 = tpu.memref_squeeze %dma_wait3A_378 : memref<1x1x125xi32, #tpu.memory_space<hbm>> -> memref<125xi32, #tpu.memory_space<hbm>>
          %dma_wait3A_380 = arith.constant 0 : i32
          %dma_wait3A_381 = tpu.memref_slice %arg8[%dma_wait3A_373, %sub3A_281, %dma_wait3A_380] : memref<3x2x125xi32, #tpu.memory_space<vmem>> -> memref<1x1x125xi32, #tpu.memory_space<vmem>>
          %dma_wait3A_382 = tpu.memref_squeeze %dma_wait3A_381 : memref<1x1x125xi32, #tpu.memory_space<vmem>> -> memref<125xi32, #tpu.memory_space<vmem>>
          %dma_wait3A_383 = arith.constant 0 : i32
          %dma_wait3A_384 = tpu.memref_slice %arg4[%arg1, %add3A_372, %dma_wait3A_383] : memref<16x160x125xi32, #tpu.memory_space<hbm>> -> memref<1x1x125xi32, #tpu.memory_space<hbm>>
          %dma_wait3A_385 = tpu.memref_squeeze %dma_wait3A_384 : memref<1x1x125xi32, #tpu.memory_space<hbm>> -> memref<125xi32, #tpu.memory_space<hbm>>
          tpu.wait_dma2 semaphore(%arg13 : memref<!tpu.dma_semaphore, #tpu.memory_space<semaphore_mem>>) src(%dma_wait3A_385 : memref<125xi32, #tpu.memory_space<hbm>>) dst(%dma_wait3A_382 : memref<125xi32, #tpu.memory_space<vmem>>)
          %dma_start3A_386 = arith.constant 2 : i32
          %dma_start3A_387 = arith.constant 2 : i32
          %dma_start3A_388 = arith.constant 0 : i32
          %dma_start3A_389 = arith.constant 0 : i32
          %dma_start3A_390 = tpu.memref_slice %arg9[%dma_start3A_387, %dma_start3A_388, %dma_start3A_389] : memref<3x125x128xf32, #tpu.memory_space<vmem>> -> memref<1x125x128xf32, #tpu.memory_space<vmem>>
          %dma_start3A_391 = tpu.memref_squeeze %dma_start3A_390 : memref<1x125x128xf32, #tpu.memory_space<vmem>> -> memref<125x128xf32, #tpu.memory_space<vmem>>
          %dma_start3A_392 = arith.constant 0 : i32
          %dma_start3A_393 = tpu.memref_slice %arg7[%dma_start3A_386, %dma_start3A_392] : memref<3x125xi32, #tpu.memory_space<vmem>> -> memref<1x125xi32, #tpu.memory_space<vmem>>
          %dma_start3A_394 = tpu.memref_squeeze %dma_start3A_393 : memref<1x125xi32, #tpu.memory_space<vmem>> -> memref<125xi32, #tpu.memory_space<vmem>>
          %dma_start3A_395 = arith.constant 0 : i32
          %dma_start3A_396 = arith.constant 0 : i32
          %dma_start3A_397 = tpu.memref_slice %arg2[%dma_start3A_395, %dma_start3A_396] : memref<20000x128xf32, #tpu.memory_space<hbm>> -> memref<20000x128xf32, #tpu.memory_space<hbm>>
          tpu.enqueue_indirect_dma source(%dma_start3A_397 : memref<20000x128xf32, #tpu.memory_space<hbm>>) target(%dma_start3A_391 : memref<125x128xf32, #tpu.memory_space<vmem>>) offsets(%dma_start3A_394 : memref<125xi32, #tpu.memory_space<vmem>>) semaphore(%arg13 : memref<!tpu.dma_semaphore, #tpu.memory_space<semaphore_mem>>)
        } else {
        }
      } else {
      }
    }
    %scan3A_270 = arith.constant 54 : i32
    %barrier3A_271 = arith.constant 0 : index
    tpu.barrier barrier_id(%barrier3A_271)
    %mul3A_272 = arith.constant 625 : i32
    %mul3A_273 = arith.muli %arg1, %mul3A_272 : i32
    %mul3A_274 = arith.constant 10000 : i32
    %mul3A_275 = arith.muli %arg0, %mul3A_274 : i32
    %mul3A_276 = arith.constant 625 : i32
    %mul3A_277 = arith.muli %arg1, %mul3A_276 : i32
    %add3A_278 = arith.addi %mul3A_275, %mul3A_277 : i32
    "tpu.region"() ({
      %run_scoped3A = tpu.sem_alloc : memref<!tpu.dma_semaphore, #tpu.memory_space<semaphore_mem>>
      %dma_start3A_279 = arith.constant 0 : i32
      %dma_start3A_280 = tpu.memref_slice %arg6[%add3A_278, %dma_start3A_279] : memref<20000x128xf32, #tpu.memory_space<hbm>> -> memref<625x128xf32, #tpu.memory_space<hbm>>
      %dma_start3A_281 = arith.constant 0 : i32
      %dma_start3A_282 = tpu.memref_slice %arg10[%mul3A_273, %dma_start3A_281] : memref<10000x128xf32, #tpu.memory_space<vmem_shared>> -> memref<625x128xf32, #tpu.memory_space<vmem_shared>>
      tpu.enqueue_dma source(%dma_start3A_282 : memref<625x128xf32, #tpu.memory_space<vmem_shared>>) target(%dma_start3A_280 : memref<625x128xf32, #tpu.memory_space<hbm>>) target_semaphore(%run_scoped3A : memref<!tpu.dma_semaphore, #tpu.memory_space<semaphore_mem>>)
      %dma_wait3A_283 = arith.constant 0 : i32
      %dma_wait3A_284 = tpu.memref_slice %arg6[%add3A_278, %dma_wait3A_283] : memref<20000x128xf32, #tpu.memory_space<hbm>> -> memref<625x128xf32, #tpu.memory_space<hbm>>
      %dma_wait3A_285 = arith.constant 0 : i32
      %dma_wait3A_286 = tpu.memref_slice %arg10[%mul3A_273, %dma_wait3A_285] : memref<10000x128xf32, #tpu.memory_space<vmem_shared>> -> memref<625x128xf32, #tpu.memory_space<vmem_shared>>
      tpu.wait_dma2 semaphore(%run_scoped3A : memref<!tpu.dma_semaphore, #tpu.memory_space<semaphore_mem>>) src(%dma_wait3A_286 : memref<625x128xf32, #tpu.memory_space<vmem_shared>>) dst(%dma_wait3A_284 : memref<625x128xf32, #tpu.memory_space<hbm>>)
      tpu.yield
    }) : () -> ()
    return
  }
}

module attributes {stable_mosaic.version = 14 : i64} {
  func.func @_tca1_body(%arg0: i32, %arg1: memref<400x128xf32, #tpu.memory_space<vmem>>, %arg2: memref<128x256xf32, #tpu.memory_space<vmem>>, %arg3: memref<400x1xi32, #tpu.memory_space<vmem>>, %arg4: memref<400x256xf32, #tpu.memory_space<vmem>>, %arg5: memref<1x128xi32, #tpu.memory_space<vmem>>) attributes {dimension_semantics = [#tpu.dimension_semantics<arbitrary>], iteration_bounds = array<i64: 25>, scalar_prefetch = 0 : i64, scratch_operands = 0 : i64, tpu.core_type = #tpu.core_type<tc>, window_params = [{transform_indices = @transform_0, window_bounds = array<i64: 400, 128>}, {pipeline_mode = #tpu.pipeline_mode<synchronous>, transform_indices = @transform_1, window_bounds = array<i64: 128, 256>}, {transform_indices = @transform_2, window_bounds = array<i64: 400, 1>}, {transform_indices = @transform_3, window_bounds = array<i64: 400, 256>}, {pipeline_mode = #tpu.pipeline_mode<synchronous>, transform_indices = @transform_4, window_bounds = array<i64: 1, 128>}]} {
    %get3A = arith.constant 0 : index
    %get3A_0 = arith.constant 0 : index
    %get3A_1 = vector.load %arg1[%get3A, %get3A_0] : memref<400x128xf32, #tpu.memory_space<vmem>>, vector<400x128xf32>
    %get3A_2 = arith.constant 0 : index
    %get3A_3 = arith.constant 0 : index
    %get3A_4 = vector.load %arg2[%get3A_2, %get3A_3] : memref<128x256xf32, #tpu.memory_space<vmem>>, vector<128x256xf32>
    %dot_general3A = arith.constant dense<0.000000e+00> : vector<400x256xf32>
    %dot_general3A_5 = tpu.matmul %get3A_1, %get3A_4, %dot_general3A {dimension_numbers = #tpu.dot_dimension_numbers<[1], [0], [0], [1], [0, 0, 1, 1], [], []>, transpose_lhs_hint = false} : vector<400x128xf32>, vector<128x256xf32>, vector<400x256xf32> -> vector<400x256xf32>
    %swap3A = arith.constant 0 : index
    %swap3A_6 = arith.constant 0 : index
    %swap3A_7 = vector.load %arg4[%swap3A, %swap3A_6] : memref<400x256xf32, #tpu.memory_space<vmem>>, vector<400x256xf32>
    tpu.vector_store %arg4[%swap3A, %swap3A_6], %dot_general3A_5 {strides = array<i32>} : memref<400x256xf32, #tpu.memory_space<vmem>>, vector<400x256xf32>,
    %eq3A = arith.constant 0 : i32
    %eq3A_8 = arith.cmpi eq, %arg0, %eq3A : i32
    %convert_element_type3A = arith.extui %eq3A_8 : i1 to i32
    %cond3A = arith.constant 0 : i32
    %cond3A_9 = arith.cmpi ne, %convert_element_type3A, %cond3A : i32
    scf.if %cond3A_9 {
      %broadcast_in_dim3A_23 = arith.constant 0 : i32
      %broadcast_in_dim3A_24 = vector.broadcast %broadcast_in_dim3A_23 : i32 to vector<1x128xi32>
      %swap3A_25 = arith.constant 0 : index
      %swap3A_26 = arith.constant 0 : index
      %swap3A_27 = vector.load %arg5[%swap3A_25, %swap3A_26] : memref<1x128xi32, #tpu.memory_space<vmem>>, vector<1x128xi32>
      tpu.vector_store %arg5[%swap3A_25, %swap3A_26], %broadcast_in_dim3A_24 {strides = array<i32>} : memref<1x128xi32, #tpu.memory_space<vmem>>, vector<1x128xi32>,
    } else {
    }
    %get3A_10 = arith.constant 0 : index
    %get3A_11 = arith.constant 0 : index
    %get3A_12 = vector.load %arg3[%get3A_10, %get3A_11] : memref<400x1xi32, #tpu.memory_space<vmem>>, vector<400x1xi32>
    %iota3A = tpu.iota {dimensions = array<i32: 1>} : vector<1x128xi32>
    %get3A_13 = arith.constant 0 : index
    %get3A_14 = arith.constant 0 : index
    %get3A_15 = vector.load %arg5[%get3A_13, %get3A_14] : memref<1x128xi32, #tpu.memory_space<vmem>>, vector<1x128xi32>
    %lt3A = vector.broadcast %get3A_12 : vector<400x1xi32> to vector<400x128xi32>
    %lt3A_16 = vector.broadcast %iota3A : vector<1x128xi32> to vector<400x128xi32>
    %lt3A_17 = arith.cmpi slt, %lt3A, %lt3A_16 : vector<400x128xi32>
    %convert_element_type3A_18 = arith.extui %lt3A_17 : vector<400x128xi1> to vector<400x128xi32>
    %reduce_sum3A = arith.constant dense<0> : vector<128xi32>
    %reduce_sum3A_19 = vector.multi_reduction <add>, %convert_element_type3A_18, %reduce_sum3A [0] : vector<400x128xi32> to vector<128xi32>
    %broadcast_in_dim3A = vector.shape_cast %reduce_sum3A_19 : vector<128xi32> to vector<1x128xi32>
    %add3A = arith.addi %get3A_15, %broadcast_in_dim3A : vector<1x128xi32>
    %swap3A_20 = arith.constant 0 : index
    %swap3A_21 = arith.constant 0 : index
    %swap3A_22 = vector.load %arg5[%swap3A_20, %swap3A_21] : memref<1x128xi32, #tpu.memory_space<vmem>>, vector<1x128xi32>
    tpu.vector_store %arg5[%swap3A_20, %swap3A_21], %add3A {strides = array<i32>} : memref<1x128xi32, #tpu.memory_space<vmem>>, vector<1x128xi32>,
    return
  }
  func.func @transform_0(%arg0: i32) -> (i32, i32) {
    %c0_i32 = arith.constant 0 : i32
    %c0_i32_0 = arith.constant 0 : i32
    return %arg0, %c0_i32 : i32, i32
  }
  func.func @transform_1(%arg0: i32) -> (i32, i32) {
    %c0_i32 = arith.constant 0 : i32
    %c0_i32_0 = arith.constant 0 : i32
    %c0_i32_1 = arith.constant 0 : i32
    return %c0_i32, %c0_i32_0 : i32, i32
  }
  func.func @transform_2(%arg0: i32) -> (i32, i32) {
    %c0_i32 = arith.constant 0 : i32
    %c0_i32_0 = arith.constant 0 : i32
    return %arg0, %c0_i32 : i32, i32
  }
  func.func @transform_3(%arg0: i32) -> (i32, i32) {
    %c0_i32 = arith.constant 0 : i32
    %c0_i32_0 = arith.constant 0 : i32
    return %arg0, %c0_i32 : i32, i32
  }
  func.func @transform_4(%arg0: i32) -> (i32, i32) {
    %c0_i32 = arith.constant 0 : i32
    %c0_i32_0 = arith.constant 0 : i32
    %c0_i32_1 = arith.constant 0 : i32
    return %c0_i32, %c0_i32_0 : i32, i32
  }
}

module attributes {stable_mosaic.version = 14 : i64} {
  func.func @_tca2_body(%arg0: i32, %arg1: memref<400x256xf32, #tpu.memory_space<vmem>>, %arg2: memref<2x400x16xf32, #tpu.memory_space<vmem>>, %arg3: memref<2x400x128xf32, #tpu.memory_space<vmem>>, %arg4: memref<400x1xf32, #tpu.memory_space<vmem>>) attributes {dimension_semantics = [#tpu.dimension_semantics<arbitrary>], iteration_bounds = array<i64: 25>, scalar_prefetch = 0 : i64, scratch_operands = 0 : i64, tpu.core_type = #tpu.core_type<tc>, window_params = [{transform_indices = @transform_0, window_bounds = array<i64: 400, 256>}, {transform_indices = @transform_1, window_bounds = array<i64: 2, 400, 16>}, {transform_indices = @transform_2, window_bounds = array<i64: 2, 400, 128>}, {transform_indices = @transform_3, window_bounds = array<i64: 400, 1>}]} {
    %get3A = arith.constant 0 : index
    %get3A_0 = arith.constant 0 : index
    %get3A_1 = arith.constant 0 : index
    %get3A_2 = vector.load %arg2[%get3A, %get3A_0, %get3A_1] : memref<2x400x16xf32, #tpu.memory_space<vmem>>, vector<1x400x1xf32>
    %get3A_3 = vector.shape_cast %get3A_2 : vector<1x400x1xf32> to vector<400x1xf32>
    %get3A_4 = arith.constant 1 : index
    %get3A_5 = arith.constant 0 : index
    %get3A_6 = arith.constant 0 : index
    %get3A_7 = vector.load %arg2[%get3A_4, %get3A_5, %get3A_6] : memref<2x400x16xf32, #tpu.memory_space<vmem>>, vector<1x400x1xf32>
    %get3A_8 = vector.shape_cast %get3A_7 : vector<1x400x1xf32> to vector<400x1xf32>
    %add3A = arith.addf %get3A_3, %get3A_8 : vector<400x1xf32>
    %add3A_9 = arith.constant 1.000000e+00 : f32
    %add3A_10 = vector.broadcast %add3A_9 : f32 to vector<400x1xf32>
    %add3A_11 = arith.addf %add3A, %add3A_10 : vector<400x1xf32>
    %rsqrt3A = math.rsqrt %add3A_11 : vector<400x1xf32>
    %get3A_12 = arith.constant 0 : index
    %get3A_13 = arith.constant 0 : index
    %get3A_14 = vector.load %arg1[%get3A_12, %get3A_13] : memref<400x256xf32, #tpu.memory_space<vmem>>, vector<400x256xf32>
    %mul3A = vector.broadcast %rsqrt3A : vector<400x1xf32> to vector<400x256xf32>
    %mul3A_15 = arith.mulf %get3A_14, %mul3A : vector<400x256xf32>
    %slice3A = vector.extract_strided_slice %mul3A_15 {offsets = [0, 0], sizes = [400, 128], strides = [1, 1]} : vector<400x256xf32> to vector<400x128xf32>
    %swap3A = arith.constant 0 : index
    %swap3A_16 = arith.constant 0 : index
    %swap3A_17 = arith.constant 0 : index
    %swap3A_18 = vector.load %arg3[%swap3A, %swap3A_16, %swap3A_17] : memref<2x400x128xf32, #tpu.memory_space<vmem>>, vector<1x400x128xf32>
    %swap3A_19 = vector.shape_cast %swap3A_18 : vector<1x400x128xf32> to vector<400x128xf32>
    %swap3A_20 = vector.shape_cast %slice3A : vector<400x128xf32> to vector<1x400x128xf32>
    tpu.vector_store %arg3[%swap3A, %swap3A_16, %swap3A_17], %swap3A_20 {strides = array<i32>} : memref<2x400x128xf32, #tpu.memory_space<vmem>>, vector<1x400x128xf32>,
    %slice3A_21 = vector.extract_strided_slice %mul3A_15 {offsets = [0, 128], sizes = [400, 128], strides = [1, 1]} : vector<400x256xf32> to vector<400x128xf32>
    %swap3A_22 = arith.constant 1 : index
    %swap3A_23 = arith.constant 0 : index
    %swap3A_24 = arith.constant 0 : index
    %swap3A_25 = vector.load %arg3[%swap3A_22, %swap3A_23, %swap3A_24] : memref<2x400x128xf32, #tpu.memory_space<vmem>>, vector<1x400x128xf32>
    %swap3A_26 = vector.shape_cast %swap3A_25 : vector<1x400x128xf32> to vector<400x128xf32>
    %swap3A_27 = vector.shape_cast %slice3A_21 : vector<400x128xf32> to vector<1x400x128xf32>
    tpu.vector_store %arg3[%swap3A_22, %swap3A_23, %swap3A_24], %swap3A_27 {strides = array<i32>} : memref<2x400x128xf32, #tpu.memory_space<vmem>>, vector<1x400x128xf32>,
    %swap3A_28 = arith.constant 0 : index
    %swap3A_29 = arith.constant 0 : index
    %swap3A_30 = vector.load %arg4[%swap3A_28, %swap3A_29] : memref<400x1xf32, #tpu.memory_space<vmem>>, vector<400x1xf32>
    tpu.vector_store %arg4[%swap3A_28, %swap3A_29], %rsqrt3A {strides = array<i32>} : memref<400x1xf32, #tpu.memory_space<vmem>>, vector<400x1xf32>,
    return
  }
  func.func @transform_0(%arg0: i32) -> (i32, i32) {
    %c0_i32 = arith.constant 0 : i32
    %c0_i32_0 = arith.constant 0 : i32
    return %arg0, %c0_i32 : i32, i32
  }
  func.func @transform_1(%arg0: i32) -> (i32, i32, i32) {
    %c0_i32 = arith.constant 0 : i32
    %c0_i32_0 = arith.constant 0 : i32
    %c0_i32_1 = arith.constant 0 : i32
    return %c0_i32, %arg0, %c0_i32_0 : i32, i32, i32
  }
  func.func @transform_2(%arg0: i32) -> (i32, i32, i32) {
    %c0_i32 = arith.constant 0 : i32
    %c0_i32_0 = arith.constant 0 : i32
    %c0_i32_1 = arith.constant 0 : i32
    return %c0_i32, %arg0, %c0_i32_0 : i32, i32, i32
  }
  func.func @transform_3(%arg0: i32) -> (i32, i32) {
    %c0_i32 = arith.constant 0 : i32
    %c0_i32_0 = arith.constant 0 : i32
    return %arg0, %c0_i32 : i32, i32
  }
}

module attributes {stable_mosaic.version = 14 : i64} {
  func.func @_tcb_body(%arg0: i32, %arg1: i32, %arg2: memref<2x400x128xf32, #tpu.memory_space<vmem>>, %arg3: memref<2x400x128xf32, #tpu.memory_space<vmem>>, %arg4: memref<400x1xf32, #tpu.memory_space<vmem>>, %arg5: memref<1x256xf32, #tpu.memory_space<vmem>>, %arg6: memref<1x256xf32, #tpu.memory_space<vmem>>, %arg7: memref<1x256xf32, #tpu.memory_space<vmem>>, %arg8: memref<256x256xf32, #tpu.memory_space<vmem>>, %arg9: memref<400x256xf32, #tpu.memory_space<vmem>>, %arg10: memref<2x400x128xf32, #tpu.memory_space<vmem>>, %arg11: memref<10000x256xf32, #tpu.memory_space<vmem>>, %arg12: memref<1x256xf32, #tpu.memory_space<vmem>>, %arg13: memref<1x256xf32, #tpu.memory_space<vmem>>) attributes {dimension_semantics = [#tpu.dimension_semantics<arbitrary>, #tpu.dimension_semantics<arbitrary>], iteration_bounds = array<i64: 2, 25>, scalar_prefetch = 0 : i64, scratch_operands = 3 : i64, tpu.core_type = #tpu.core_type<tc>, window_params = [{transform_indices = @transform_0, window_bounds = array<i64: 2, 400, 128>}, {transform_indices = @transform_1, window_bounds = array<i64: 2, 400, 128>}, {transform_indices = @transform_2, window_bounds = array<i64: 400, 1>}, {pipeline_mode = #tpu.pipeline_mode<synchronous>, transform_indices = @transform_3, window_bounds = array<i64: 1, 256>}, {pipeline_mode = #tpu.pipeline_mode<synchronous>, transform_indices = @transform_4, window_bounds = array<i64: 1, 256>}, {pipeline_mode = #tpu.pipeline_mode<synchronous>, transform_indices = @transform_5, window_bounds = array<i64: 1, 256>}, {pipeline_mode = #tpu.pipeline_mode<synchronous>, transform_indices = @transform_6, window_bounds = array<i64: 256, 256>}, {transform_indices = @transform_7, window_bounds = array<i64: 400, 256>}, {transform_indices = @transform_8, window_bounds = array<i64: 2, 400, 128>}]} {
    %eq3A = arith.constant 0 : i32
    %eq3A_0 = arith.cmpi eq, %arg0, %eq3A : i32
    %convert_element_type3A = arith.extui %eq3A_0 : i1 to i32
    %cond3A = arith.constant 0 : i32
    %cond3A_1 = arith.cmpi ne, %convert_element_type3A, %cond3A : i32
    scf.if %cond3A_1 {
      %get3A = arith.constant 0 : index
      %get3A_7 = arith.constant 0 : index
      %get3A_8 = arith.constant 0 : index
      %get3A_9 = vector.load %arg2[%get3A, %get3A_7, %get3A_8] : memref<2x400x128xf32, #tpu.memory_space<vmem>>, vector<1x400x128xf32>
      %get3A_10 = vector.shape_cast %get3A_9 : vector<1x400x128xf32> to vector<400x128xf32>
      %get3A_11 = arith.constant 1 : index
      %get3A_12 = arith.constant 0 : index
      %get3A_13 = arith.constant 0 : index
      %get3A_14 = vector.load %arg2[%get3A_11, %get3A_12, %get3A_13] : memref<2x400x128xf32, #tpu.memory_space<vmem>>, vector<1x400x128xf32>
      %get3A_15 = vector.shape_cast %get3A_14 : vector<1x400x128xf32> to vector<400x128xf32>
      %concatenate3A = tpu.concatenate %get3A_10, %get3A_15 in 1 : vector<400x128xf32>, vector<400x128xf32> -> vector<400x256xf32>
      %get3A_16 = arith.constant 0 : index
      %get3A_17 = arith.constant 0 : index
      %get3A_18 = arith.constant 0 : index
      %get3A_19 = vector.load %arg3[%get3A_16, %get3A_17, %get3A_18] : memref<2x400x128xf32, #tpu.memory_space<vmem>>, vector<1x400x128xf32>
      %get3A_20 = vector.shape_cast %get3A_19 : vector<1x400x128xf32> to vector<400x128xf32>
      %get3A_21 = arith.constant 1 : index
      %get3A_22 = arith.constant 0 : index
      %get3A_23 = arith.constant 0 : index
      %get3A_24 = vector.load %arg3[%get3A_21, %get3A_22, %get3A_23] : memref<2x400x128xf32, #tpu.memory_space<vmem>>, vector<1x400x128xf32>
      %get3A_25 = vector.shape_cast %get3A_24 : vector<1x400x128xf32> to vector<400x128xf32>
      %concatenate3A_26 = tpu.concatenate %get3A_20, %get3A_25 in 1 : vector<400x128xf32>, vector<400x128xf32> -> vector<400x256xf32>
      %get3A_27 = arith.constant 0 : index
      %get3A_28 = arith.constant 0 : index
      %get3A_29 = vector.load %arg4[%get3A_27, %get3A_28] : memref<400x1xf32, #tpu.memory_space<vmem>>, vector<400x1xf32>
      %add3A = arith.addf %concatenate3A, %concatenate3A_26 : vector<400x256xf32>
      %mul3A = vector.broadcast %get3A_29 : vector<400x1xf32> to vector<400x256xf32>
      %mul3A_30 = arith.mulf %mul3A, %add3A : vector<400x256xf32>
      %get3A_31 = arith.constant 0 : index
      %get3A_32 = arith.constant 0 : index
      %get3A_33 = vector.load %arg5[%get3A_31, %get3A_32] : memref<1x256xf32, #tpu.memory_space<vmem>>, vector<1x256xf32>
      %add3A_34 = vector.broadcast %get3A_33 : vector<1x256xf32> to vector<400x256xf32>
      %add3A_35 = arith.addf %mul3A_30, %add3A_34 : vector<400x256xf32>
      %mul3A_36 = arith.constant 400 : i32
      %mul3A_37 = arith.muli %arg1, %mul3A_36 : i32
      %swap3A = arith.index_cast %mul3A_37 : i32 to index
      %swap3A_38 = arith.constant 0 : index
      %swap3A_39 = vector.load %arg11[%swap3A, %swap3A_38] : memref<10000x256xf32, #tpu.memory_space<vmem>>, vector<400x256xf32>
      tpu.vector_store %arg11[%swap3A, %swap3A_38], %add3A_35 {strides = array<i32>} : memref<10000x256xf32, #tpu.memory_space<vmem>>, vector<400x256xf32>,
      %eq3A_40 = arith.constant 0 : i32
      %eq3A_41 = arith.cmpi eq, %arg1, %eq3A_40 : i32
      %convert_element_type3A_42 = arith.extui %eq3A_41 : i1 to i32
      %cond3A_43 = arith.constant 0 : i32
      %cond3A_44 = arith.cmpi ne, %convert_element_type3A_42, %cond3A_43 : i32
      scf.if %cond3A_44 {
        %broadcast_in_dim3A_64 = arith.constant 0.000000e+00 : f32
        %broadcast_in_dim3A_65 = vector.broadcast %broadcast_in_dim3A_64 : f32 to vector<1x256xf32>
        %swap3A_66 = arith.constant 0 : index
        %swap3A_67 = arith.constant 0 : index
        %swap3A_68 = vector.load %arg12[%swap3A_66, %swap3A_67] : memref<1x256xf32, #tpu.memory_space<vmem>>, vector<1x256xf32>
        tpu.vector_store %arg12[%swap3A_66, %swap3A_67], %broadcast_in_dim3A_65 {strides = array<i32>} : memref<1x256xf32, #tpu.memory_space<vmem>>, vector<1x256xf32>,
        %broadcast_in_dim3A_69 = arith.constant 0.000000e+00 : f32
        %broadcast_in_dim3A_70 = vector.broadcast %broadcast_in_dim3A_69 : f32 to vector<1x256xf32>
        %swap3A_71 = arith.constant 0 : index
        %swap3A_72 = arith.constant 0 : index
        %swap3A_73 = vector.load %arg13[%swap3A_71, %swap3A_72] : memref<1x256xf32, #tpu.memory_space<vmem>>, vector<1x256xf32>
        tpu.vector_store %arg13[%swap3A_71, %swap3A_72], %broadcast_in_dim3A_70 {strides = array<i32>} : memref<1x256xf32, #tpu.memory_space<vmem>>, vector<1x256xf32>,
      } else {
      }
      %get3A_45 = arith.constant 0 : index
      %get3A_46 = arith.constant 0 : index
      %get3A_47 = vector.load %arg12[%get3A_45, %get3A_46] : memref<1x256xf32, #tpu.memory_space<vmem>>, vector<1x256xf32>
      %reduce_sum3A = arith.constant dense<0.000000e+00> : vector<256xf32>
      %reduce_sum3A_48 = vector.multi_reduction <add>, %add3A_35, %reduce_sum3A [0] : vector<400x256xf32> to vector<256xf32>
      %broadcast_in_dim3A = vector.shape_cast %reduce_sum3A_48 : vector<256xf32> to vector<1x256xf32>
      %add3A_49 = arith.addf %get3A_47, %broadcast_in_dim3A : vector<1x256xf32>
      %swap3A_50 = arith.constant 0 : index
      %swap3A_51 = arith.constant 0 : index
      %swap3A_52 = vector.load %arg12[%swap3A_50, %swap3A_51] : memref<1x256xf32, #tpu.memory_space<vmem>>, vector<1x256xf32>
      tpu.vector_store %arg12[%swap3A_50, %swap3A_51], %add3A_49 {strides = array<i32>} : memref<1x256xf32, #tpu.memory_space<vmem>>, vector<1x256xf32>,
      %get3A_53 = arith.constant 0 : index
      %get3A_54 = arith.constant 0 : index
      %get3A_55 = vector.load %arg13[%get3A_53, %get3A_54] : memref<1x256xf32, #tpu.memory_space<vmem>>, vector<1x256xf32>
      %mul3A_56 = arith.mulf %add3A_35, %add3A_35 : vector<400x256xf32>
      %reduce_sum3A_57 = arith.constant dense<0.000000e+00> : vector<256xf32>
      %reduce_sum3A_58 = vector.multi_reduction <add>, %mul3A_56, %reduce_sum3A_57 [0] : vector<400x256xf32> to vector<256xf32>
      %broadcast_in_dim3A_59 = vector.shape_cast %reduce_sum3A_58 : vector<256xf32> to vector<1x256xf32>
      %add3A_60 = arith.addf %get3A_55, %broadcast_in_dim3A_59 : vector<1x256xf32>
      %swap3A_61 = arith.constant 0 : index
      %swap3A_62 = arith.constant 0 : index
      %swap3A_63 = vector.load %arg13[%swap3A_61, %swap3A_62] : memref<1x256xf32, #tpu.memory_space<vmem>>, vector<1x256xf32>
      tpu.vector_store %arg13[%swap3A_61, %swap3A_62], %add3A_60 {strides = array<i32>} : memref<1x256xf32, #tpu.memory_space<vmem>>, vector<1x256xf32>,
    } else {
    }
    %eq3A_2 = arith.constant 1 : i32
    %eq3A_3 = arith.cmpi eq, %arg0, %eq3A_2 : i32
    %convert_element_type3A_4 = arith.extui %eq3A_3 : i1 to i32
    %cond3A_5 = arith.constant 0 : i32
    %cond3A_6 = arith.cmpi ne, %convert_element_type3A_4, %cond3A_5 : i32
    scf.if %cond3A_6 {
      %get3A = arith.constant 0 : index
      %get3A_7 = arith.constant 0 : index
      %get3A_8 = vector.load %arg12[%get3A, %get3A_7] : memref<1x256xf32, #tpu.memory_space<vmem>>, vector<1x256xf32>
      %mul3A = arith.constant 9.99999974E-5 : f32
      %mul3A_9 = vector.broadcast %mul3A : f32 to vector<1x256xf32>
      %mul3A_10 = arith.mulf %get3A_8, %mul3A_9 : vector<1x256xf32>
      %get3A_11 = arith.constant 0 : index
      %get3A_12 = arith.constant 0 : index
      %get3A_13 = vector.load %arg13[%get3A_11, %get3A_12] : memref<1x256xf32, #tpu.memory_space<vmem>>, vector<1x256xf32>
      %mul3A_14 = arith.constant 9.99999974E-5 : f32
      %mul3A_15 = vector.broadcast %mul3A_14 : f32 to vector<1x256xf32>
      %mul3A_16 = arith.mulf %get3A_13, %mul3A_15 : vector<1x256xf32>
      %mul3A_17 = arith.mulf %mul3A_10, %mul3A_10 : vector<1x256xf32>
      %sub3A = arith.subf %mul3A_16, %mul3A_17 : vector<1x256xf32>
      %mul3A_18 = arith.constant 400 : i32
      %mul3A_19 = arith.muli %arg1, %mul3A_18 : i32
      %get3A_20 = arith.index_cast %mul3A_19 : i32 to index
      %get3A_21 = arith.constant 0 : index
      %get3A_22 = vector.load %arg11[%get3A_20, %get3A_21] : memref<10000x256xf32, #tpu.memory_space<vmem>>, vector<400x256xf32>
      %sub3A_23 = vector.broadcast %mul3A_10 : vector<1x256xf32> to vector<400x256xf32>
      %sub3A_24 = arith.subf %get3A_22, %sub3A_23 : vector<400x256xf32>
      %add3A = arith.constant 9.99999974E-6 : f32
      %add3A_25 = vector.broadcast %add3A : f32 to vector<1x256xf32>
      %add3A_26 = arith.addf %sub3A, %add3A_25 : vector<1x256xf32>
      %rsqrt3A = math.rsqrt %add3A_26 : vector<1x256xf32>
      %mul3A_27 = vector.broadcast %rsqrt3A : vector<1x256xf32> to vector<400x256xf32>
      %mul3A_28 = arith.mulf %sub3A_24, %mul3A_27 : vector<400x256xf32>
      %get3A_29 = arith.constant 0 : index
      %get3A_30 = arith.constant 0 : index
      %get3A_31 = vector.load %arg6[%get3A_29, %get3A_30] : memref<1x256xf32, #tpu.memory_space<vmem>>, vector<1x256xf32>
      %mul3A_32 = vector.broadcast %get3A_31 : vector<1x256xf32> to vector<400x256xf32>
      %mul3A_33 = arith.mulf %mul3A_28, %mul3A_32 : vector<400x256xf32>
      %get3A_34 = arith.constant 0 : index
      %get3A_35 = arith.constant 0 : index
      %get3A_36 = vector.load %arg7[%get3A_34, %get3A_35] : memref<1x256xf32, #tpu.memory_space<vmem>>, vector<1x256xf32>
      %add3A_37 = vector.broadcast %get3A_36 : vector<1x256xf32> to vector<400x256xf32>
      %add3A_38 = arith.addf %mul3A_33, %add3A_37 : vector<400x256xf32>
      %max3A = arith.constant 0.000000e+00 : f32
      %max3A_39 = vector.broadcast %max3A : f32 to vector<400x256xf32>
      %max3A_40 = arith.maximumf %add3A_38, %max3A_39 : vector<400x256xf32>
      %swap3A = arith.constant 0 : index
      %swap3A_41 = arith.constant 0 : index
      %swap3A_42 = vector.load %arg9[%swap3A, %swap3A_41] : memref<400x256xf32, #tpu.memory_space<vmem>>, vector<400x256xf32>
      tpu.vector_store %arg9[%swap3A, %swap3A_41], %max3A_40 {strides = array<i32>} : memref<400x256xf32, #tpu.memory_space<vmem>>, vector<400x256xf32>,
      %get3A_43 = arith.constant 0 : index
      %get3A_44 = arith.constant 0 : index
      %get3A_45 = vector.load %arg8[%get3A_43, %get3A_44] : memref<256x256xf32, #tpu.memory_space<vmem>>, vector<256x256xf32>
      %dot_general3A = arith.constant dense<0.000000e+00> : vector<400x256xf32>
      %dot_general3A_46 = tpu.matmul %max3A_40, %get3A_45, %dot_general3A {dimension_numbers = #tpu.dot_dimension_numbers<[1], [0], [0], [1], [0, 0, 1, 1], [], []>, transpose_lhs_hint = false} : vector<400x256xf32>, vector<256x256xf32>, vector<400x256xf32> -> vector<400x256xf32>
      %get3A_47 = arith.constant 0 : index
      %get3A_48 = arith.constant 0 : index
      %get3A_49 = vector.load %arg4[%get3A_47, %get3A_48] : memref<400x1xf32, #tpu.memory_space<vmem>>, vector<400x1xf32>
      %mul3A_50 = vector.broadcast %get3A_49 : vector<400x1xf32> to vector<400x256xf32>
      %mul3A_51 = arith.mulf %dot_general3A_46, %mul3A_50 : vector<400x256xf32>
      %slice3A = vector.extract_strided_slice %mul3A_51 {offsets = [0, 0], sizes = [400, 128], strides = [1, 1]} : vector<400x256xf32> to vector<400x128xf32>
      %swap3A_52 = arith.constant 0 : index
      %swap3A_53 = arith.constant 0 : index
      %swap3A_54 = arith.constant 0 : index
      %swap3A_55 = vector.load %arg10[%swap3A_52, %swap3A_53, %swap3A_54] : memref<2x400x128xf32, #tpu.memory_space<vmem>>, vector<1x400x128xf32>
      %swap3A_56 = vector.shape_cast %swap3A_55 : vector<1x400x128xf32> to vector<400x128xf32>
      %swap3A_57 = vector.shape_cast %slice3A : vector<400x128xf32> to vector<1x400x128xf32>
      tpu.vector_store %arg10[%swap3A_52, %swap3A_53, %swap3A_54], %swap3A_57 {strides = array<i32>} : memref<2x400x128xf32, #tpu.memory_space<vmem>>, vector<1x400x128xf32>,
      %slice3A_58 = vector.extract_strided_slice %mul3A_51 {offsets = [0, 128], sizes = [400, 128], strides = [1, 1]} : vector<400x256xf32> to vector<400x128xf32>
      %swap3A_59 = arith.constant 1 : index
      %swap3A_60 = arith.constant 0 : index
      %swap3A_61 = arith.constant 0 : index
      %swap3A_62 = vector.load %arg10[%swap3A_59, %swap3A_60, %swap3A_61] : memref<2x400x128xf32, #tpu.memory_space<vmem>>, vector<1x400x128xf32>
      %swap3A_63 = vector.shape_cast %swap3A_62 : vector<1x400x128xf32> to vector<400x128xf32>
      %swap3A_64 = vector.shape_cast %slice3A_58 : vector<400x128xf32> to vector<1x400x128xf32>
      tpu.vector_store %arg10[%swap3A_59, %swap3A_60, %swap3A_61], %swap3A_64 {strides = array<i32>} : memref<2x400x128xf32, #tpu.memory_space<vmem>>, vector<1x400x128xf32>,
    } else {
    }
    return
  }
  func.func @transform_0(%arg0: i32, %arg1: i32) -> (i32, i32, i32) {
    %sub3A = arith.constant 1 : i32
    %sub3A_0 = arith.subi %sub3A, %arg0 : i32
    %mul3A = arith.muli %arg1, %sub3A_0 : i32
    %c0_i32 = arith.constant 0 : i32
    %c0_i32_1 = arith.constant 0 : i32
    %c0_i32_2 = arith.constant 0 : i32
    return %c0_i32, %mul3A, %c0_i32_1 : i32, i32, i32
  }
  func.func @transform_1(%arg0: i32, %arg1: i32) -> (i32, i32, i32) {
    %sub3A = arith.constant 1 : i32
    %sub3A_0 = arith.subi %sub3A, %arg0 : i32
    %mul3A = arith.muli %arg1, %sub3A_0 : i32
    %c0_i32 = arith.constant 0 : i32
    %c0_i32_1 = arith.constant 0 : i32
    %c0_i32_2 = arith.constant 0 : i32
    return %c0_i32, %mul3A, %c0_i32_1 : i32, i32, i32
  }
  func.func @transform_2(%arg0: i32, %arg1: i32) -> (i32, i32) {
    %c0_i32 = arith.constant 0 : i32
    %c0_i32_0 = arith.constant 0 : i32
    return %arg1, %c0_i32 : i32, i32
  }
  func.func @transform_3(%arg0: i32, %arg1: i32) -> (i32, i32) {
    %c0_i32 = arith.constant 0 : i32
    %c0_i32_0 = arith.constant 0 : i32
    %c0_i32_1 = arith.constant 0 : i32
    return %c0_i32, %c0_i32_0 : i32, i32
  }
  func.func @transform_4(%arg0: i32, %arg1: i32) -> (i32, i32) {
    %c0_i32 = arith.constant 0 : i32
    %c0_i32_0 = arith.constant 0 : i32
    %c0_i32_1 = arith.constant 0 : i32
    return %c0_i32, %c0_i32_0 : i32, i32
  }
  func.func @transform_5(%arg0: i32, %arg1: i32) -> (i32, i32) {
    %c0_i32 = arith.constant 0 : i32
    %c0_i32_0 = arith.constant 0 : i32
    %c0_i32_1 = arith.constant 0 : i32
    return %c0_i32, %c0_i32_0 : i32, i32
  }
  func.func @transform_6(%arg0: i32, %arg1: i32) -> (i32, i32) {
    %c0_i32 = arith.constant 0 : i32
    %c0_i32_0 = arith.constant 0 : i32
    %c0_i32_1 = arith.constant 0 : i32
    return %c0_i32, %c0_i32_0 : i32, i32
  }
  func.func @transform_7(%arg0: i32, %arg1: i32) -> (i32, i32) {
    %mul3A = arith.muli %arg1, %arg0 : i32
    %c0_i32 = arith.constant 0 : i32
    %c0_i32_0 = arith.constant 0 : i32
    return %mul3A, %c0_i32 : i32, i32
  }
  func.func @transform_8(%arg0: i32, %arg1: i32) -> (i32, i32, i32) {
    %mul3A = arith.muli %arg1, %arg0 : i32
    %c0_i32 = arith.constant 0 : i32
    %c0_i32_0 = arith.constant 0 : i32
    %c0_i32_1 = arith.constant 0 : i32
    return %c0_i32, %mul3A, %c0_i32_0 : i32, i32, i32
  }
}

module attributes {stable_mosaic.version = 14 : i64} {
  func.func @_tcd_body(%arg0: i32, %arg1: memref<128xi32, #tpu.memory_space<smem>>, %arg2: memref<10000x256xf32, #tpu.memory_space<vmem>>, %arg3: memref<10000x256xf32, #tpu.memory_space<vmem>>, %arg4: memref<1x1x1024xf32, #tpu.memory_space<vmem>>) attributes {dimension_semantics = [#tpu.dimension_semantics<arbitrary>], iteration_bounds = array<i64: 64>, scalar_prefetch = 1 : i64, scratch_operands = 0 : i64, tpu.core_type = #tpu.core_type<tc>, window_params = [{pipeline_mode = #tpu.pipeline_mode<synchronous>, transform_indices = @transform_0, window_bounds = array<i64: 10000, 256>}, {pipeline_mode = #tpu.pipeline_mode<synchronous>, transform_indices = @transform_1, window_bounds = array<i64: 10000, 256>}, {transform_indices = @transform_2, window_bounds = array<i64: 1, 1, 1024>}]} {
    %get3A = arith.index_cast %arg0 : i32 to index
    %get3A_0 = memref.load %arg1[%get3A] : memref<128xi32, #tpu.memory_space<smem>>
    %add3A = arith.constant 1 : i32
    %add3A_1 = arith.addi %arg0, %add3A : i32
    %get3A_2 = arith.index_cast %add3A_1 : i32 to index
    %get3A_3 = memref.load %arg1[%get3A_2] : memref<128xi32, #tpu.memory_space<smem>>
    %div3A = arith.constant 8 : i32
    %div3A_4 = arith.divsi %get3A_0, %div3A : i32
    %add3A_5 = arith.constant 7 : i32
    %add3A_6 = arith.addi %get3A_3, %add3A_5 : i32
    %div3A_7 = arith.constant 8 : i32
    %div3A_8 = arith.divsi %add3A_6, %div3A_7 : i32
    %broadcast_in_dim3A = arith.constant 0.000000e+00 : f32
    %broadcast_in_dim3A_9 = vector.broadcast %broadcast_in_dim3A : f32 to vector<8x256xf32>
    %broadcast_in_dim3A_10 = arith.constant 0xFF800000 : f32
    %broadcast_in_dim3A_11 = vector.broadcast %broadcast_in_dim3A_10 : f32 to vector<8x256xf32>
    %while3A = arith.constant 0xFF800000 : f32
    %while3A_12 = arith.subi %div3A_8, %div3A_4 : i32
    %while3A_13 = arith.addi %div3A_4, %while3A_12 : i32
    %while3A_14 = arith.constant 1 : i32
    %while3A_15 = arith.divsi %while3A_12, %while3A_14 : i32
    %while3A_16 = arith.muli %while3A_15, %while3A_14 : i32
    %while3A_17 = arith.addi %div3A_4, %while3A_16 : i32
    %while3A_18 = arith.constant 1 : i32
    %while3A_19:4 = scf.for %while3A_42 = %div3A_4 to %while3A_17 step %while3A_18 iter_args(%while3A_43 = %broadcast_in_dim3A_9, %while3A_44 = %broadcast_in_dim3A_9, %while3A_45 = %broadcast_in_dim3A_11, %while3A_46 = %broadcast_in_dim3A_11) -> (vector<8x256xf32>, vector<8x256xf32>, vector<8x256xf32>, vector<8x256xf32>)  : i32 {
      %mul3A = arith.constant 8 : i32
      %mul3A_47 = arith.muli %while3A_42, %mul3A : i32
      %iota3A = tpu.iota {dimensions = array<i32: 0>} : vector<8x256xi32>
      %add3A_48 = vector.broadcast %mul3A_47 : i32 to vector<8x256xi32>
      %add3A_49 = arith.addi %add3A_48, %iota3A : vector<8x256xi32>
      %ge3A = vector.broadcast %get3A_0 : i32 to vector<8x256xi32>
      %ge3A_50 = arith.cmpi sge, %add3A_49, %ge3A : vector<8x256xi32>
      %lt3A = vector.broadcast %get3A_3 : i32 to vector<8x256xi32>
      %lt3A_51 = arith.cmpi slt, %add3A_49, %lt3A : vector<8x256xi32>
      %and3A = arith.andi %ge3A_50, %lt3A_51 : vector<8x256xi1>
      %get3A_52 = arith.index_cast %mul3A_47 : i32 to index
      %get3A_53 = arith.constant 0 : index
      %get3A_54 = vector.load %arg2[%get3A_52, %get3A_53] : memref<10000x256xf32, #tpu.memory_space<vmem>>, vector<8x256xf32>
      %get3A_55 = arith.index_cast %mul3A_47 : i32 to index
      %get3A_56 = arith.constant 0 : index
      %get3A_57 = vector.load %arg3[%get3A_55, %get3A_56] : memref<10000x256xf32, #tpu.memory_space<vmem>>, vector<8x256xf32>
      %jit3A = arith.constant 0.000000e+00 : f32
      %broadcast_in_dim3A_58 = vector.broadcast %jit3A : f32 to vector<8x256xf32>
      %select_n3A = arith.select %and3A, %get3A_54, %broadcast_in_dim3A_58 : vector<8x256xi1>, vector<8x256xf32>
      %add3A_59 = arith.addf %while3A_43, %select_n3A : vector<8x256xf32>
      %jit3A_60 = arith.constant 0.000000e+00 : f32
      %broadcast_in_dim3A_61 = vector.broadcast %jit3A_60 : f32 to vector<8x256xf32>
      %select_n3A_62 = arith.select %and3A, %get3A_57, %broadcast_in_dim3A_61 : vector<8x256xi1>, vector<8x256xf32>
      %add3A_63 = arith.addf %while3A_44, %select_n3A_62 : vector<8x256xf32>
      %broadcast_in_dim3A_64 = vector.broadcast %while3A : f32 to vector<8x256xf32>
      %select_n3A_65 = arith.select %and3A, %get3A_54, %broadcast_in_dim3A_64 : vector<8x256xi1>, vector<8x256xf32>
      %max3A_66 = arith.maximumf %while3A_45, %select_n3A_65 : vector<8x256xf32>
      %broadcast_in_dim3A_67 = vector.broadcast %while3A : f32 to vector<8x256xf32>
      %select_n3A_68 = arith.select %and3A, %get3A_57, %broadcast_in_dim3A_67 : vector<8x256xi1>, vector<8x256xf32>
      %max3A_69 = arith.maximumf %while3A_46, %select_n3A_68 : vector<8x256xf32>
      scf.yield %add3A_59, %add3A_63, %max3A_66, %max3A_69 : vector<8x256xf32>, vector<8x256xf32>, vector<8x256xf32>, vector<8x256xf32>
    }
    %while3A_20 = arith.constant 1 : i32
    %while3A_21:4 = scf.for %while3A_42 = %while3A_17 to %while3A_13 step %while3A_20 iter_args(%while3A_43 = %while3A_19#0, %while3A_44 = %while3A_19#1, %while3A_45 = %while3A_19#2, %while3A_46 = %while3A_19#3) -> (vector<8x256xf32>, vector<8x256xf32>, vector<8x256xf32>, vector<8x256xf32>)  : i32 {
      %mul3A = arith.constant 8 : i32
      %mul3A_47 = arith.muli %while3A_42, %mul3A : i32
      %iota3A = tpu.iota {dimensions = array<i32: 0>} : vector<8x256xi32>
      %add3A_48 = vector.broadcast %mul3A_47 : i32 to vector<8x256xi32>
      %add3A_49 = arith.addi %add3A_48, %iota3A : vector<8x256xi32>
      %ge3A = vector.broadcast %get3A_0 : i32 to vector<8x256xi32>
      %ge3A_50 = arith.cmpi sge, %add3A_49, %ge3A : vector<8x256xi32>
      %lt3A = vector.broadcast %get3A_3 : i32 to vector<8x256xi32>
      %lt3A_51 = arith.cmpi slt, %add3A_49, %lt3A : vector<8x256xi32>
      %and3A = arith.andi %ge3A_50, %lt3A_51 : vector<8x256xi1>
      %get3A_52 = arith.index_cast %mul3A_47 : i32 to index
      %get3A_53 = arith.constant 0 : index
      %get3A_54 = vector.load %arg2[%get3A_52, %get3A_53] : memref<10000x256xf32, #tpu.memory_space<vmem>>, vector<8x256xf32>
      %get3A_55 = arith.index_cast %mul3A_47 : i32 to index
      %get3A_56 = arith.constant 0 : index
      %get3A_57 = vector.load %arg3[%get3A_55, %get3A_56] : memref<10000x256xf32, #tpu.memory_space<vmem>>, vector<8x256xf32>
      %jit3A = arith.constant 0.000000e+00 : f32
      %broadcast_in_dim3A_58 = vector.broadcast %jit3A : f32 to vector<8x256xf32>
      %select_n3A = arith.select %and3A, %get3A_54, %broadcast_in_dim3A_58 : vector<8x256xi1>, vector<8x256xf32>
      %add3A_59 = arith.addf %while3A_43, %select_n3A : vector<8x256xf32>
      %jit3A_60 = arith.constant 0.000000e+00 : f32
      %broadcast_in_dim3A_61 = vector.broadcast %jit3A_60 : f32 to vector<8x256xf32>
      %select_n3A_62 = arith.select %and3A, %get3A_57, %broadcast_in_dim3A_61 : vector<8x256xi1>, vector<8x256xf32>
      %add3A_63 = arith.addf %while3A_44, %select_n3A_62 : vector<8x256xf32>
      %broadcast_in_dim3A_64 = vector.broadcast %while3A : f32 to vector<8x256xf32>
      %select_n3A_65 = arith.select %and3A, %get3A_54, %broadcast_in_dim3A_64 : vector<8x256xi1>, vector<8x256xf32>
      %max3A_66 = arith.maximumf %while3A_45, %select_n3A_65 : vector<8x256xf32>
      %broadcast_in_dim3A_67 = vector.broadcast %while3A : f32 to vector<8x256xf32>
      %select_n3A_68 = arith.select %and3A, %get3A_57, %broadcast_in_dim3A_67 : vector<8x256xi1>, vector<8x256xf32>
      %max3A_69 = arith.maximumf %while3A_46, %select_n3A_68 : vector<8x256xf32>
      scf.yield %add3A_59, %add3A_63, %max3A_66, %max3A_69 : vector<8x256xf32>, vector<8x256xf32>, vector<8x256xf32>, vector<8x256xf32>
    }
    %sub3A = arith.subi %get3A_3, %get3A_0 : i32
    %convert_element_type3A = arith.sitofp %sub3A : i32 to f32
    %max3A = arith.constant 1.000000e+00 : f32
    %max3A_22 = arith.maximumf %convert_element_type3A, %max3A : f32
    %reduce_sum3A = arith.constant dense<0.000000e+00> : vector<256xf32>
    %reduce_sum3A_23 = vector.multi_reduction <add>, %while3A_21#0, %reduce_sum3A [0] : vector<8x256xf32> to vector<256xf32>
    %broadcast_in_dim3A_24 = vector.shape_cast %reduce_sum3A_23 : vector<256xf32> to vector<1x256xf32>
    %div3A_25 = vector.broadcast %max3A_22 : f32 to vector<1x256xf32>
    %div3A_26 = arith.divf %broadcast_in_dim3A_24, %div3A_25 : vector<1x256xf32>
    %reduce_sum3A_27 = arith.constant dense<0.000000e+00> : vector<256xf32>
    %reduce_sum3A_28 = vector.multi_reduction <add>, %while3A_21#1, %reduce_sum3A_27 [0] : vector<8x256xf32> to vector<256xf32>
    %broadcast_in_dim3A_29 = vector.shape_cast %reduce_sum3A_28 : vector<256xf32> to vector<1x256xf32>
    %div3A_30 = vector.broadcast %max3A_22 : f32 to vector<1x256xf32>
    %div3A_31 = arith.divf %broadcast_in_dim3A_29, %div3A_30 : vector<1x256xf32>
    %reduce_max3A = arith.constant dense<0xFF800000> : vector<256xf32>
    %reduce_max3A_32 = vector.multi_reduction <maximumf>, %while3A_21#2, %reduce_max3A [0] : vector<8x256xf32> to vector<256xf32>
    %broadcast_in_dim3A_33 = vector.shape_cast %reduce_max3A_32 : vector<256xf32> to vector<1x256xf32>
    %reduce_max3A_34 = arith.constant dense<0xFF800000> : vector<256xf32>
    %reduce_max3A_35 = vector.multi_reduction <maximumf>, %while3A_21#3, %reduce_max3A_34 [0] : vector<8x256xf32> to vector<256xf32>
    %broadcast_in_dim3A_36 = vector.shape_cast %reduce_max3A_35 : vector<256xf32> to vector<1x256xf32>
    %concatenate3A = tpu.concatenate %div3A_26, %div3A_31, %broadcast_in_dim3A_33, %broadcast_in_dim3A_36 in 1 : vector<1x256xf32>, vector<1x256xf32>, vector<1x256xf32>, vector<1x256xf32> -> vector<1x1024xf32>
    %swap3A = arith.constant 0 : index
    %swap3A_37 = arith.constant 0 : index
    %swap3A_38 = arith.constant 0 : index
    %swap3A_39 = vector.load %arg4[%swap3A, %swap3A_37, %swap3A_38] : memref<1x1x1024xf32, #tpu.memory_space<vmem>>, vector<1x1x1024xf32>
    %swap3A_40 = vector.shape_cast %swap3A_39 : vector<1x1x1024xf32> to vector<1x1024xf32>
    %swap3A_41 = vector.shape_cast %concatenate3A : vector<1x1024xf32> to vector<1x1x1024xf32>
    tpu.vector_store %arg4[%swap3A, %swap3A_37, %swap3A_38], %swap3A_41 {strides = array<i32>} : memref<1x1x1024xf32, #tpu.memory_space<vmem>>, vector<1x1x1024xf32>,
    return
  }
  func.func @transform_0(%arg0: i32, %arg1: memref<128xi32, #tpu.memory_space<smem>>) -> (i32, i32) {
    %c0_i32 = arith.constant 0 : i32
    %c0_i32_0 = arith.constant 0 : i32
    %c0_i32_1 = arith.constant 0 : i32
    return %c0_i32, %c0_i32_0 : i32, i32
  }
  func.func @transform_1(%arg0: i32, %arg1: memref<128xi32, #tpu.memory_space<smem>>) -> (i32, i32) {
    %c0_i32 = arith.constant 0 : i32
    %c0_i32_0 = arith.constant 0 : i32
    %c0_i32_1 = arith.constant 0 : i32
    return %c0_i32, %c0_i32_0 : i32, i32
  }
  func.func @transform_2(%arg0: i32, %arg1: memref<128xi32, #tpu.memory_space<smem>>) -> (i32, i32, i32) {
    %c0_i32 = arith.constant 0 : i32
    %c0_i32_0 = arith.constant 0 : i32
    %c0_i32_1 = arith.constant 0 : i32
    return %arg0, %c0_i32, %c0_i32_0 : i32, i32, i32
  }
}

module attributes {stable_mosaic.version = 14 : i64} {
  func.func @_tcc_body(%arg0: i32, %arg1: memref<2x400x128xf32, #tpu.memory_space<vmem>>, %arg2: memref<2x400x128xf32, #tpu.memory_space<vmem>>, %arg3: memref<400x1xf32, #tpu.memory_space<vmem>>, %arg4: memref<1x256xf32, #tpu.memory_space<vmem>>, %arg5: memref<400x256xf32, #tpu.memory_space<vmem>>) attributes {dimension_semantics = [#tpu.dimension_semantics<arbitrary>], iteration_bounds = array<i64: 25>, scalar_prefetch = 0 : i64, scratch_operands = 0 : i64, tpu.core_type = #tpu.core_type<tc>, window_params = [{transform_indices = @transform_0, window_bounds = array<i64: 2, 400, 128>}, {transform_indices = @transform_1, window_bounds = array<i64: 2, 400, 128>}, {transform_indices = @transform_2, window_bounds = array<i64: 400, 1>}, {pipeline_mode = #tpu.pipeline_mode<synchronous>, transform_indices = @transform_3, window_bounds = array<i64: 1, 256>}, {transform_indices = @transform_4, window_bounds = array<i64: 400, 256>}]} {
    %get3A = arith.constant 0 : index
    %get3A_0 = arith.constant 0 : index
    %get3A_1 = arith.constant 0 : index
    %get3A_2 = vector.load %arg1[%get3A, %get3A_0, %get3A_1] : memref<2x400x128xf32, #tpu.memory_space<vmem>>, vector<1x400x128xf32>
    %get3A_3 = vector.shape_cast %get3A_2 : vector<1x400x128xf32> to vector<400x128xf32>
    %get3A_4 = arith.constant 1 : index
    %get3A_5 = arith.constant 0 : index
    %get3A_6 = arith.constant 0 : index
    %get3A_7 = vector.load %arg1[%get3A_4, %get3A_5, %get3A_6] : memref<2x400x128xf32, #tpu.memory_space<vmem>>, vector<1x400x128xf32>
    %get3A_8 = vector.shape_cast %get3A_7 : vector<1x400x128xf32> to vector<400x128xf32>
    %concatenate3A = tpu.concatenate %get3A_3, %get3A_8 in 1 : vector<400x128xf32>, vector<400x128xf32> -> vector<400x256xf32>
    %get3A_9 = arith.constant 0 : index
    %get3A_10 = arith.constant 0 : index
    %get3A_11 = arith.constant 0 : index
    %get3A_12 = vector.load %arg2[%get3A_9, %get3A_10, %get3A_11] : memref<2x400x128xf32, #tpu.memory_space<vmem>>, vector<1x400x128xf32>
    %get3A_13 = vector.shape_cast %get3A_12 : vector<1x400x128xf32> to vector<400x128xf32>
    %get3A_14 = arith.constant 1 : index
    %get3A_15 = arith.constant 0 : index
    %get3A_16 = arith.constant 0 : index
    %get3A_17 = vector.load %arg2[%get3A_14, %get3A_15, %get3A_16] : memref<2x400x128xf32, #tpu.memory_space<vmem>>, vector<1x400x128xf32>
    %get3A_18 = vector.shape_cast %get3A_17 : vector<1x400x128xf32> to vector<400x128xf32>
    %concatenate3A_19 = tpu.concatenate %get3A_13, %get3A_18 in 1 : vector<400x128xf32>, vector<400x128xf32> -> vector<400x256xf32>
    %get3A_20 = arith.constant 0 : index
    %get3A_21 = arith.constant 0 : index
    %get3A_22 = vector.load %arg3[%get3A_20, %get3A_21] : memref<400x1xf32, #tpu.memory_space<vmem>>, vector<400x1xf32>
    %add3A = arith.addf %concatenate3A, %concatenate3A_19 : vector<400x256xf32>
    %mul3A = vector.broadcast %get3A_22 : vector<400x1xf32> to vector<400x256xf32>
    %mul3A_23 = arith.mulf %mul3A, %add3A : vector<400x256xf32>
    %get3A_24 = arith.constant 0 : index
    %get3A_25 = arith.constant 0 : index
    %get3A_26 = vector.load %arg4[%get3A_24, %get3A_25] : memref<1x256xf32, #tpu.memory_space<vmem>>, vector<1x256xf32>
    %add3A_27 = vector.broadcast %get3A_26 : vector<1x256xf32> to vector<400x256xf32>
    %add3A_28 = arith.addf %mul3A_23, %add3A_27 : vector<400x256xf32>
    %max3A = arith.constant 0.000000e+00 : f32
    %max3A_29 = vector.broadcast %max3A : f32 to vector<400x256xf32>
    %max3A_30 = arith.maximumf %add3A_28, %max3A_29 : vector<400x256xf32>
    %swap3A = arith.constant 0 : index
    %swap3A_31 = arith.constant 0 : index
    %swap3A_32 = vector.load %arg5[%swap3A, %swap3A_31] : memref<400x256xf32, #tpu.memory_space<vmem>>, vector<400x256xf32>
    tpu.vector_store %arg5[%swap3A, %swap3A_31], %max3A_30 {strides = array<i32>} : memref<400x256xf32, #tpu.memory_space<vmem>>, vector<400x256xf32>,
    return
  }
  func.func @transform_0(%arg0: i32) -> (i32, i32, i32) {
    %c0_i32 = arith.constant 0 : i32
    %c0_i32_0 = arith.constant 0 : i32
    %c0_i32_1 = arith.constant 0 : i32
    return %c0_i32, %arg0, %c0_i32_0 : i32, i32, i32
  }
  func.func @transform_1(%arg0: i32) -> (i32, i32, i32) {
    %c0_i32 = arith.constant 0 : i32
    %c0_i32_0 = arith.constant 0 : i32
    %c0_i32_1 = arith.constant 0 : i32
    return %c0_i32, %arg0, %c0_i32_0 : i32, i32, i32
  }
  func.func @transform_2(%arg0: i32) -> (i32, i32) {
    %c0_i32 = arith.constant 0 : i32
    %c0_i32_0 = arith.constant 0 : i32
    return %arg0, %c0_i32 : i32, i32
  }
  func.func @transform_3(%arg0: i32) -> (i32, i32) {
    %c0_i32 = arith.constant 0 : i32
    %c0_i32_0 = arith.constant 0 : i32
    %c0_i32_1 = arith.constant 0 : i32
    return %c0_i32, %c0_i32_0 : i32, i32
  }
  func.func @transform_4(%arg0: i32) -> (i32, i32) {
    %c0_i32 = arith.constant 0 : i32
    %c0_i32_0 = arith.constant 0 : i32
    return %arg0, %c0_i32 : i32, i32
  }
}

</mosaic_0001>

<sc_bundles>
// kernel: kernel.10.cloned.1.call-start
scs
__scs_entry_jumppad:
0x0: {  	(pc) =	sbr.rel $0x88, $3  }
0x1: {  	(tag) =	ssettag $0x0;
	lr =	simm.s32 $0x1  }
0x2: {  	[smem:$0x3F98] =	sst lr;
	_ =	strace $0xD0000000  }
0x3: {  	_ = 	snop  }
0x4: {  	_ = 	snop  }
0x5: {  	_ = 	snop  }
0x6: {  	_ = 	snop  }
0x7: {  	_ = 	snop  }
__scs_overlays_trampoline_lowered:
0x8: {  	[smem:$0x3FA7] =	sst s0  }
0x9: {  	[smem:$0x3FA8] =	sst s1  }
0xa: {  	[smem:$0x3FA9] =	sst s2  }
0xb: {  	[smem:$0x3FAA] =	sst s3  }
0xc: {  	[smem:$0x3FAB] =	sst s4  }
0xd: {  	[smem:$0x3FAC] =	sst s5  }
0xe: {  	[smem:$0x3FAD] =	sst s6  }
0xf: {  	[smem:$0x3FAE] =	sst s7  }
0x10: {  	[smem:$0x3FAF] =	sst s8  }
0x11: {  	[smem:$0x3FB0] =	sst s9;
	s0 =	simm.s32 @!p0 $0x0  }
0x12: {  	s1 =	sld [smem:$0x3F96];
	s0 =	simm.s32 @p0 $0x1  }
0x13: {  	[smem:$0x3FB1] =	sst s0;
	s0 =	simm.s32 @!p1 $0x0  }
0x14: {  	s2 =	sld [smem:$0x3F95];
	s0 =	simm.s32 @p1 $0x1  }
0x15: {  	[smem:$0x3FB2] =	sst s0;
	s0 =	simm.s32 @!p2 $0x0  }
0x16: {  	s3 =	sld [smem:$0x3FDB];
	s0 =	simm.s32 @p2 $0x1  }
0x17: {  	s4 =	simm.s32 $0x1BF5;
	[smem:$0x3FB4] =	sst s0  }
0x18: {  	s0 =	sld [smem:$0x3F97];
	_ =	swait.ge [sflag:s4], $0x0  }
0x19: {  	s7 =	sld [smem:$0x3F98]  }
0x1a: {  	s8 =	sadd.s32 $0xFFFFE003, lr  }
0x1b: {  	s9 =	sadd.s32 $0xFFFFFEF7, lr;
	s5 =	simm.s32 $0xFFFFFFFF;
	p2 =	slt.u32 s8, $0xFFFFF086  }
0x1c: {  	p1 =	slt.u32 s9, $0xF7A;
	s5 =	simm.s32 @!p2 $0x0  }
0x1d: {  	s5 =	simm.s32 @p1 $0x1;
	p0 =	seq.s32 s7, s2  }
0x1e: {  	s7 =	smul.u32 @!p0 $0xF7A, s2;
	p2 =	seq.s32 @!p0 s5, $0x0  }
0x1f: {  	s9 =	smul.u32 $0xF7A, s1;
	s8 =	simm.s32 @!p0 $0x1BF5;
	p2 =	por !p2, p0  }
0x20: {  	[sflag:s8] =	ssyncset.s32 @!p0 $0xFFFFF086;
	s6 =	sadd.s32 @!p0 s3, s7;
	s7 =	simm.s32 @!p0 $0x108  }
0x21: {  	s3 =	sadd.s32 s3, s9;
	s6 =	sadd.s32 @!p0 $0x88, s6;
	s7 =	simm.s32 @p2 $0x1082  }
0x22: {  	[simem:s7], [sflag:s8] =	dma.local @!p0 [hbm:s6], $0xF7A  }
0x23: {  	s9 =	sor.u32 $0xD0000000, s2;
	s6 =	simm.s32 $0x108;
	_ =	swait.ge @!p0 [sflag:s8], $0x0  }
0x24: {  	s3 =	sadd.s32 $0x88, s3;
	s6 =	simm.s32 @!p1 $0x1082;
	[sflag:s4] =	ssyncset.s32 $0xFFFFF086  }
0x25: {  	[simem:s6], [sflag:s4] =	dma.local [hbm:s3], $0xF7A  }
0x26: {  	[smem:$0x3F98] =	sst s1;
	(tag) =	ssettag s2;
	_ =	strace s9  }
0x27: {  	s1 =	sld [smem:$0x3FA8]  }
0x28: {  	s2 =	sld [smem:$0x3FA9]  }
0x29: {  	s4 =	sld [smem:$0x3FAB]  }
0x2a: {  	p0 =	seq.s32 s5, $0x0;
	s5 =	sld [smem:$0x3FAC]  }
0x2b: {  	s6 =	sld [smem:$0x3FAD]  }
0x2c: {  	s7 =	sld [smem:$0x3FAE]  }
0x2d: {  	s3 =	simm.s32 $0x108;
	s8 =	sld [smem:$0x3FAF]  }
0x2e: {  	s3 =	simm.s32 @!p0 $0x1082;
	s9 =	sld [smem:$0x3FB0]  }
0x2f: {  	lr =	sadd.s32 s0, s3;
	s0 =	sld [smem:$0x3FA7]  }
0x30: {  	s3 =	sld [smem:$0x3FAA]  }
0x31: {  	[smem:$0x3FB3] =	sst s10  }
0x32: {  	s10 =	sld [smem:$0x3FB1];
	_ =	sdelay $0x3  }
0x33: {  	p0 =	seq.s32 s10, $0x1;
	s10 =	sld [smem:$0x3FB3];
	_ =	sdelay $0x3  }
0x34: {  	[smem:$0x3FB3] =	sst s10  }
0x35: {  	s10 =	sld [smem:$0x3FB2];
	_ =	sdelay $0x3  }
0x36: {  	p1 =	seq.s32 s10, $0x1;
	s10 =	sld [smem:$0x3FB3];
	_ =	sdelay $0x3  }
0x37: {  	[smem:$0x3FB3] =	sst s10  }
0x38: {  	s10 =	sld [smem:$0x3FB4]  }
0x39: {  	_ = 	snop;
	(pc) =	sbr.ind lr, $3  }
0x3a: {  	_ = 	snop  }
0x3b: {  	_ = 	snop  }
0x3c: {  	p2 =	seq.s32 s10, $0x1;
	s10 =	sld [smem:$0x3FB3]  }
0x3d: {  	_ =	shalt  }
0x3e: {  	_ =	shalt  }
0x3f: {  	_ =	shalt  }
0x40: {  	_ =	shalt  }
0x41: {  	_ =	shalt  }
0x42: {  	_ =	shalt  }
0x43: {  	_ =	shalt  }
0x44: {  	_ =	shalt  }
0x45: {  	_ =	shalt  }
0x46: {  	_ =	shalt  }
0x47: {  	_ =	shalt  }
0x48: {  	_ =	shalt  }
0x49: {  	_ =	shalt  }
0x4a: {  	_ =	shalt  }
0x4b: {  	_ =	shalt  }
0x4c: {  	_ =	shalt  }
0x4d: {  	_ =	shalt  }
0x4e: {  	_ =	shalt  }
0x4f: {  	_ =	shalt  }
0x50: {  	_ =	shalt  }
0x51: {  	_ =	shalt  }
0x52: {  	_ =	shalt  }
0x53: {  	_ =	shalt  }
0x54: {  	_ =	shalt  }
0x55: {  	_ =	shalt  }
0x56: {  	_ =	shalt  }
0x57: {  	_ =	shalt  }
0x58: {  	_ =	shalt  }
0x59: {  	_ =	shalt  }
0x5a: {  	_ =	shalt  }
0x5b: {  	_ =	shalt  }
0x5c: {  	_ =	shalt  }
0x5d: {  	_ =	shalt  }
0x5e: {  	_ =	shalt  }
0x5f: {  	_ =	shalt  }
0x60: {  	_ =	shalt  }
0x61: {  	_ =	shalt  }
0x62: {  	_ =	shalt  }
0x63: {  	_ =	shalt  }
0x64: {  	_ =	shalt  }
0x65: {  	_ =	shalt  }
0x66: {  	_ =	shalt  }
0x67: {  	_ =	shalt  }
0x68: {  	_ =	shalt  }
0x69: {  	_ =	shalt  }
0x6a: {  	_ =	shalt  }
0x6b: {  	_ =	shalt  }
0x6c: {  	_ =	shalt  }
0x6d: {  	_ =	shalt  }
0x6e: {  	_ =	shalt  }
0x6f: {  	_ =	shalt  }
0x70: {  	_ =	shalt  }
0x71: {  	_ =	shalt  }
0x72: {  	_ =	shalt  }
0x73: {  	_ =	shalt  }
0x74: {  	_ =	shalt  }
0x75: {  	_ =	shalt  }
0x76: {  	_ =	shalt  }
0x77: {  	_ =	shalt  }
0x78: {  	_ =	shalt  }
0x79: {  	_ =	shalt  }
0x7a: {  	_ =	shalt  }
0x7b: {  	_ =	shalt  }
0x7c: {  	_ =	shalt  }
0x7d: {  	_ =	shalt  }
0x7e: {  	_ =	shalt  }
0x7f: {  	_ =	shalt  }
0x80: {  	_ =	shalt  }
0x81: {  	_ =	shalt  }
0x82: {  	_ =	shalt  }
0x83: {  	_ =	shalt  }
0x84: {  	_ =	shalt  }
0x85: {  	_ =	shalt  }
0x86: {  	_ =	shalt  }
0x87: {  	_ =	shalt  }
.Lfunc_end0:
.L_simem_size_0:
called_computation_lowered:
.L_overlay_start_0:
0x88: {  	s2 =	sld [smem:$0x3FD9]  }
0x89: {  	s3 =	sld [smem:$0x3FFE];
	_ =	sdelay $0x1  }
0x8a: {  	s1 =	srdreg.scid  }
0x8b: {  	s0 =	sand.u32 $0x1, s1  }
0x8c: {  	s17 =	sshll.u32 s0, $0xA;
	s2 =	sadd.s32 s3, s2  }
0x8d: {  	s2 =	sadd.s32 s2, s17  }
0x8e: {  	[smem:$0x3FBF] =	sst s2  }
0x8f: {  	_ = 	snop  }
0x90: {  	s2 =	sld [smem:$0x3FD0];
	(tm) =	ssettm $0x1  }
0x91: {  	s18 =	sld [smem:$0x3FFB];
	_ =	sdelay $0x3  }
0x92: {  	_ =	strace s18  }
0x93: {  	s3 =	sld [smem:$0x3FFC];
	_ =	sdelay $0x3  }
0x94: {  	_ =	strace s3  }
0x95: {  	s3 =	sld [smem:$0x3FFD];
	_ =	sdelay $0x3  }
0x96: {  	_ =	strace s3  }
0x97: {  	_ =	strace $0x8FFFFFFF  }
0x98: {  	s19 =	sld [smem:$0x3FDB];
	_ =	sdelay $0x1  }
0x99: {  	s4 =	simm.s32 $_scs_section_size  }
0x9a: {  	s5 =	simm.s32 $_size__tile_overlayer_lowered;
	s6 =	simm.s32 $_tile_overlayer_lowered  }
0x9b: {  	s22 =	simm.s32 $0x1BFF;
	s21 =	sshll.u32 s6, $0x1;
	s3 =	sadd.s32 s4, s19  }
0x9c: {  	s7 =	simm.s32 $0x0;
	s20 =	sshll.u32 s5, $0x1;
	s5 =	sadd.s32 s21, s3  }
0x9d: {  	[timem:s7], [sflag:s22] =	dma.local [hbm:s5], s20  }
0x9e: {  	_ =	swait.ge [sflag:s22], s20  }
0x9f: {  	s4 =	ssub.s32 $0x0, s20;
	[sflag:s22] =	ssyncset.done $0x0  }
0xa0: {  	[sflag:s22] =	ssyncadd.s32 s4;
	_ =	sdelay $0x1  }
0xa1: {  	s23 =	simm.s32 $0x1B8B  }
0xa2: {  	_ =	swait.ge [sflag:s23], $0x1  }
0xa3: {  	[sflag:s23] =	ssyncset.done $0x0  }
0xa4: {  	s25 =	simm.s32 $0x1B8E;
	s24 =	sld [smem:$0x3FFE];
	[sflag:s23] =	ssyncadd.s32 $0xFFFFFFFF  }
0xa5: {  	s26 =	simm.s32 $execute0_lowered;
	[smem:$0x3FD2] =	sst s25  }
0xa6: {  	s5 =	sshll.u32 s26, $0x1;
	_ =	strace $0x80000046;
	[dreg:$0x1] =	wrdreg $0xFFFFFFFF  }
0xa7: {  	s28 =	simm.s32 $_size_execute0_lowered;
	s3 =	sadd.s32 s3, s5;
	[dreg:$0x0] =	wrdreg $0x0  }
0xa8: {  	s5 =	sshll.u32 s28, $0x1;
	[dreg:$0x2] =	wrdreg s3  }
0xa9: {  	[dreg:$0x3] =	wrdreg s5  }
0xaa: {  	[dreg:$0x4] =	wrdreg $0xC0  }
0xab: {  	_ =	task [dreg:s7], $0x5FFFF  }
0xac: {  	[dreg:$0x1] =	wrdreg $0xFFFFFFFF  }
0xad: {  	[dreg:$0x0] =	wrdreg $0x60  }
0xae: {  	[dreg:$0x2] =	wrdreg s24  }
0xaf: {  	[dreg:$0x3] =	wrdreg s2  }
0xb0: {  	[dreg:$0x4] =	wrdreg $0x2C100  }
0xb1: {  	[dreg:$0x5] =	wrdreg $0x9  }
0xb2: {  	_ =	task.clear_ibuf [dreg:s7], $0x6FFFF;
	_ =	strace $0x90000046  }
0xb3: {  	s29 =	simm.s32 $0x9;
	_ =	strace $0x80000048  }
0xb4: {  	_ =	swait.ge [sflag:s29], $0x1  }
0xb5: {  	[sflag:s29] =	ssyncadd.s32 $0xFFFFFFFF  }
0xb6: {  	_ =	strace $0x90000048  }
0xb7: {  	_ =	sfence  }
0xb8: {  	s30 =	sld [smem:$0x0];
	_ =	sdelay $0x2  }
0xb9: {  	s31 =	sshll.u32 s1, $0xD;
	s1 =	sshrl.u32 s1, $0x2  }
0xba: {  	s3 =	sand.u32 $0x4000, s31;
	s1 =	sadd.s32 s1, s30  }
0xbb: {  	s0 =	sor.u32 s3, s0;
	s1 =	sshll.u32 s1, $0x11  }
0xbc: {  	s0 =	sor.u32 s1, s0  }
0xbd: {  	s0 =	sadd.s32 $0x8F2B, s0  }
0xbe: {  	[sflag:s0] =	ssyncadd.remote.s32 $0x1  }
0xbf: {  	_ =	sfence.sel $0xFFFF  }
0xc0: {  	[dreg:$0x0] =	wrdreg $0xFFFFFFFF;
	(pc) =	sbr.abs _section_cstart, $3  }
0xc1: {  	[dreg:$0x1] =	wrdreg $0xFFFFFFFF  }
0xc2: {  	_ =	task.clear_ibuf [dreg:s7], $0x2FFFF;
	_ =	strace $0x9FFFFFFF  }
0xc3: {  	(tm) =	ssettm $0x7FFFFFFF  }
tec
execute0_lowered:
.L_overlay_start_1:
0x0: {  	(tag) =	ssettag $0x1  }
0x1: {  	s5 =	rddreg [dreg:$0x0]  }
0x2: {  	s0 =	srdreg.scid;
	s1 =	rddreg [dreg:$0x1]  }
0x3: {  	s12 =	stileid.u32;
	s2 =	rddreg [dreg:$0x2];
	s3 =	simm.s32 $0x0  }
0x4: {  	s11 =	simm.s32 $0x500;
	s4 =	sand.u32 $0x1, s0;
	s0 =	rddreg [dreg:$0x3]  }
0x5: {  	s14 =	simm.s32 $0x0;
	s7 =	smul.u32 $0x2710, s12;
	[smem:$0x7FF] =	sst s3  }
0x6: {  	s9 =	smul.u32 $0xA000, s12;
	s31 =	sshll.u32 s12, $0x6;
	p0 =	sne.s32 s12, $0x0  }
0x7: {  	s12 =	simm.s32 $0x50;
	s6 =	smul.u32 $0x27100, s4;
	_ =	strace $0x80000047  }
0x8: {  	s8 =	ssub.s32 $0x2, s4;
	s4 =	sadd.s32 $0xC800, s5;
	s13 =	sshrl.u32 @!p0 s2, $0x3  }
0x9: {  	s29 =	sshrl.u32 s8, $0x1;
	s30 =	sshrl.u32 s9, $0x2;
	s7 =	sadd.s32 s7, s6  }
0xa: {  	s6 =	sshrl.u32 s6, $0x3;
	s8 =	ssub.s32 s8, s29;
	s9 =	sadd.s32 s30, s2  }
0xb: {  	s7 =	sshrl.u32 s7, $0x3;
	s10 =	sadd.s32 s6, s5;
	s8 =	smax.u32 s8, $0x1  }
0xc: {  	s9 =	sshrl.u32 s9, $0x3;
	s7 =	sadd.s32 s7, s5;
	s5 =	sor.u32 $0x1C01, s31  }
0xd: {  	s6 =	sadd.s32 $0x2A00, s7;
	s7 =	sadd.s32 $0xCA00, s10;
	s10 =	simm.s32 $0x1  }
.LBB2_1:
0xe: {  	[spmem:s9], [sflag:s5] =	dma.local [hbm:s1], $0x500  }
0xf: {  	_ =	swait.ge [sflag:s10], $0x500  }
0x10: {  	[sflag:s10] =	ssyncset.done $0x0  }
0x11: {  	[sflag:s10] =	ssyncadd.s32 $0xFFFFFB00  }
0x12: {  	[tilespmem:s3], [sflag:$0x1] =	stream.linear.gather [hbm4b:s4+s3], $0x500, $0x38;
	[tilespmem:$0x5410] =	vst v63  }
0x13: {  	_ =	swait.ge [sflag:s10], $0x500  }
0x14: {  	[sflag:s10] =	ssyncset.done $0x0  }
0x15: {  	[sflag:s10] =	ssyncadd.s32 $0xFFFFFB00  }
0x16: {  	[tilespmem:s11], [sflag:$0x1] =	stream.linear.gather [hbm4b:s6+s3], $0x2710, $0x38;
	[tilespmem:$0x5410] =	vst v63  }
0x17: {  	_ =	swait.ge [sflag:s10], $0x2710  }
0x18: {  	[sflag:s10] =	ssyncset.done $0x0  }
0x19: {  	[sflag:s10] =	ssyncadd.s32 $0xFFFFD8F0  }
0x1a: {  	s15 =	simm.s32 $0x500;
	[bflag:$0x0] =	sbarrier.arrive $0xFFFF  }
0x1b: {  	[spmem:s2] =	stream.indirect.scatter.add.f32 [tilespmem:s3], [sflag:$0x1], $0x10, s15, s12, $0xb8;
	[tilespmem:$0x5410] =	vst v63  }
0x1c: {  	s15 =	simm.s32 $0x140;
	_ =	swait.ge [sflag:s10], $0x500  }
.LBB2_2:
0x1d: {  	s16 =	sshra.s32 s15, $0x2;
	[sflag:s10] =	ssyncset.done $0x0;
	p1 =	sne.s32 s15, $0x9B00  }
.Ltmp0:
0x1e: {  	s16 =	sadd.s32 $0x500, s16;
	[sflag:s10] =	ssyncadd.s32 $0xFFFFFB00;
	(pc) =	sbr.rel @p1 .LBB2_2-.Ltmp0, $3  }
0x1f: {  	[spmem:s2] =	stream.indirect.scatter.add.f32 [tilespmem:s3], [sflag:$0x1], $0x10, s16, s12, $0xb8;
	[tilespmem:$0x5410] =	vst v63  }
0x20: {  	s15 =	sadd.s32 $0x140, s15;
	_ =	sdelay $0x1  }
0x21: {  	_ =	swait.ge [sflag:s10], $0x500  }
0x22: {  	[sflag:s10] =	ssyncset.done $0x0;
	s14 =	sadd.s32 $0x1, s14  }
0x23: {  	[sflag:s10] =	ssyncadd.s32 $0xFFFFFB00;
	p1 =	sne.s32 s14, s8  }
.Ltmp1:
0x24: {  	s15 =	simm.s32 @!p0 $0x1;
	[bflag:$0x0] =	sbarrier.arrive $0xFFFF;
	(pc) =	sbr.rel @p1 .LBB2_1-.Ltmp1, $4  }
0x25: {  	[hbm:s7], [sflag:s5] =	dma.local @!p0 [spmem:s13], $0x4E20  }
0x26: {  	_ =	swait.ge @!p0 [sflag:s15], $0x4E20  }
0x27: {  	[sflag:s15] =	ssyncset.done @!p0 $0x0  }
0x28: {  	[sflag:s15] =	ssyncadd.s32 @!p0 $0xFFFFB1E0  }
0x29: {  	_ =	sfence.sel $0x180000  }
0x2a: {  	[bflag:$0x0] =	sbarrier.arrive $0xFFFF  }
0x2b: {  	_ =	strace $0x90000047  }
0x2c: {  	s0 =	sadd.s32 @!p0 $0x100000, s0;
	[bflag:$0x2] =	sbarrier.arrive $0xFFFF  }
0x2d: {  	[sflag:s0] =	ssyncadd.tile.s32 @!p0 $0x1;
	_ =	shalt  }
.Lfunc_end2:
_tile_overlayer_lowered:
.L_overlay_start_2:
0x2e: {  	(tag) =	ssettag $0x2  }
0x2f: {  	s0 =	rddreg [dreg:$0x0];
	s2 =	stileid.u32  }
0x30: {  	s1 =	rddreg [dreg:$0x1];
	p0 =	sne.s32 s2, $0x0  }
0x31: {  	s3 =	rddreg [dreg:$0x2];
	[bflag:$0x3] =	sbarrier.arrive $0xFFFF;
	s2 =	simm.s32 @!p0 $0x1C01  }
0x32: {  	[timem:s3], [sflag:s2] =	dma.local @!p0 [hbm:s0], s1  }
0x33: {  	s0 =	simm.s32 @!p0 $0x1  }
0x34: {  	_ =	swait.ge @!p0 [sflag:s0], s1  }
0x35: {  	s1 =	ssub.s32 @!p0 $0x0, s1;
	[sflag:s0] =	ssyncset.done @!p0 $0x0  }
0x36: {  	[sflag:s0] =	ssyncadd.s32 @!p0 s1  }
0x37: {  	[bflag:$0x3] =	sbarrier.arrive $0xFFFF  }
0x38: {  	_ =	shalt  }

// kernel: kernel.13.cloned.1.call-start
scs
__scs_entry_jumppad:
0x0: {  	(pc) =	sbr.rel $0x88, $3  }
0x1: {  	(tag) =	ssettag $0x0;
	lr =	simm.s32 $0x1  }
0x2: {  	[smem:$0x3F98] =	sst lr;
	_ =	strace $0xD0000000  }
0x3: {  	_ = 	snop  }
0x4: {  	_ = 	snop  }
0x5: {  	_ = 	snop  }
0x6: {  	_ = 	snop  }
0x7: {  	_ = 	snop  }
__scs_overlays_trampoline_lowered:
0x8: {  	[smem:$0x3FA7] =	sst s0  }
0x9: {  	[smem:$0x3FA8] =	sst s1  }
0xa: {  	[smem:$0x3FA9] =	sst s2  }
0xb: {  	[smem:$0x3FAA] =	sst s3  }
0xc: {  	[smem:$0x3FAB] =	sst s4  }
0xd: {  	[smem:$0x3FAC] =	sst s5  }
0xe: {  	[smem:$0x3FAD] =	sst s6  }
0xf: {  	[smem:$0x3FAE] =	sst s7  }
0x10: {  	[smem:$0x3FAF] =	sst s8  }
0x11: {  	[smem:$0x3FB0] =	sst s9;
	s0 =	simm.s32 @!p0 $0x0  }
0x12: {  	s1 =	sld [smem:$0x3F96];
	s0 =	simm.s32 @p0 $0x1  }
0x13: {  	[smem:$0x3FB1] =	sst s0;
	s0 =	simm.s32 @!p1 $0x0  }
0x14: {  	s2 =	sld [smem:$0x3F95];
	s0 =	simm.s32 @p1 $0x1  }
0x15: {  	[smem:$0x3FB2] =	sst s0;
	s0 =	simm.s32 @!p2 $0x0  }
0x16: {  	s3 =	sld [smem:$0x3FDB];
	s0 =	simm.s32 @p2 $0x1  }
0x17: {  	s4 =	simm.s32 $0x1BF5;
	[smem:$0x3FB4] =	sst s0  }
0x18: {  	s0 =	sld [smem:$0x3F97];
	_ =	swait.ge [sflag:s4], $0x0  }
0x19: {  	s7 =	sld [smem:$0x3F98]  }
0x1a: {  	s8 =	sadd.s32 $0xFFFFE003, lr  }
0x1b: {  	s9 =	sadd.s32 $0xFFFFFEF7, lr;
	s5 =	simm.s32 $0xFFFFFFFF;
	p2 =	slt.u32 s8, $0xFFFFF086  }
0x1c: {  	p1 =	slt.u32 s9, $0xF7A;
	s5 =	simm.s32 @!p2 $0x0  }
0x1d: {  	s5 =	simm.s32 @p1 $0x1;
	p0 =	seq.s32 s7, s2  }
0x1e: {  	s7 =	smul.u32 @!p0 $0xF7A, s2;
	p2 =	seq.s32 @!p0 s5, $0x0  }
0x1f: {  	s9 =	smul.u32 $0xF7A, s1;
	s8 =	simm.s32 @!p0 $0x1BF5;
	p2 =	por !p2, p0  }
0x20: {  	[sflag:s8] =	ssyncset.s32 @!p0 $0xFFFFF086;
	s6 =	sadd.s32 @!p0 s3, s7;
	s7 =	simm.s32 @!p0 $0x108  }
0x21: {  	s3 =	sadd.s32 s3, s9;
	s6 =	sadd.s32 @!p0 $0x88, s6;
	s7 =	simm.s32 @p2 $0x1082  }
0x22: {  	[simem:s7], [sflag:s8] =	dma.local @!p0 [hbm:s6], $0xF7A  }
0x23: {  	s9 =	sor.u32 $0xD0000000, s2;
	s6 =	simm.s32 $0x108;
	_ =	swait.ge @!p0 [sflag:s8], $0x0  }
0x24: {  	s3 =	sadd.s32 $0x88, s3;
	s6 =	simm.s32 @!p1 $0x1082;
	[sflag:s4] =	ssyncset.s32 $0xFFFFF086  }
0x25: {  	[simem:s6], [sflag:s4] =	dma.local [hbm:s3], $0xF7A  }
0x26: {  	[smem:$0x3F98] =	sst s1;
	(tag) =	ssettag s2;
	_ =	strace s9  }
0x27: {  	s1 =	sld [smem:$0x3FA8]  }
0x28: {  	s2 =	sld [smem:$0x3FA9]  }
0x29: {  	s4 =	sld [smem:$0x3FAB]  }
0x2a: {  	p0 =	seq.s32 s5, $0x0;
	s5 =	sld [smem:$0x3FAC]  }
0x2b: {  	s6 =	sld [smem:$0x3FAD]  }
0x2c: {  	s7 =	sld [smem:$0x3FAE]  }
0x2d: {  	s3 =	simm.s32 $0x108;
	s8 =	sld [smem:$0x3FAF]  }
0x2e: {  	s3 =	simm.s32 @!p0 $0x1082;
	s9 =	sld [smem:$0x3FB0]  }
0x2f: {  	lr =	sadd.s32 s0, s3;
	s0 =	sld [smem:$0x3FA7]  }
0x30: {  	s3 =	sld [smem:$0x3FAA]  }
0x31: {  	[smem:$0x3FB3] =	sst s10  }
0x32: {  	s10 =	sld [smem:$0x3FB1];
	_ =	sdelay $0x3  }
0x33: {  	p0 =	seq.s32 s10, $0x1;
	s10 =	sld [smem:$0x3FB3];
	_ =	sdelay $0x3  }
0x34: {  	[smem:$0x3FB3] =	sst s10  }
0x35: {  	s10 =	sld [smem:$0x3FB2];
	_ =	sdelay $0x3  }
0x36: {  	p1 =	seq.s32 s10, $0x1;
	s10 =	sld [smem:$0x3FB3];
	_ =	sdelay $0x3  }
0x37: {  	[smem:$0x3FB3] =	sst s10  }
0x38: {  	s10 =	sld [smem:$0x3FB4]  }
0x39: {  	_ = 	snop;
	(pc) =	sbr.ind lr, $3  }
0x3a: {  	_ = 	snop  }
0x3b: {  	_ = 	snop  }
0x3c: {  	p2 =	seq.s32 s10, $0x1;
	s10 =	sld [smem:$0x3FB3]  }
0x3d: {  	_ =	shalt  }
0x3e: {  	_ =	shalt  }
0x3f: {  	_ =	shalt  }
0x40: {  	_ =	shalt  }
0x41: {  	_ =	shalt  }
0x42: {  	_ =	shalt  }
0x43: {  	_ =	shalt  }
0x44: {  	_ =	shalt  }
0x45: {  	_ =	shalt  }
0x46: {  	_ =	shalt  }
0x47: {  	_ =	shalt  }
0x48: {  	_ =	shalt  }
0x49: {  	_ =	shalt  }
0x4a: {  	_ =	shalt  }
0x4b: {  	_ =	shalt  }
0x4c: {  	_ =	shalt  }
0x4d: {  	_ =	shalt  }
0x4e: {  	_ =	shalt  }
0x4f: {  	_ =	shalt  }
0x50: {  	_ =	shalt  }
0x51: {  	_ =	shalt  }
0x52: {  	_ =	shalt  }
0x53: {  	_ =	shalt  }
0x54: {  	_ =	shalt  }
0x55: {  	_ =	shalt  }
0x56: {  	_ =	shalt  }
0x57: {  	_ =	shalt  }
0x58: {  	_ =	shalt  }
0x59: {  	_ =	shalt  }
0x5a: {  	_ =	shalt  }
0x5b: {  	_ =	shalt  }
0x5c: {  	_ =	shalt  }
0x5d: {  	_ =	shalt  }
0x5e: {  	_ =	shalt  }
0x5f: {  	_ =	shalt  }
0x60: {  	_ =	shalt  }
0x61: {  	_ =	shalt  }
0x62: {  	_ =	shalt  }
0x63: {  	_ =	shalt  }
0x64: {  	_ =	shalt  }
0x65: {  	_ =	shalt  }
0x66: {  	_ =	shalt  }
0x67: {  	_ =	shalt  }
0x68: {  	_ =	shalt  }
0x69: {  	_ =	shalt  }
0x6a: {  	_ =	shalt  }
0x6b: {  	_ =	shalt  }
0x6c: {  	_ =	shalt  }
0x6d: {  	_ =	shalt  }
0x6e: {  	_ =	shalt  }
0x6f: {  	_ =	shalt  }
0x70: {  	_ =	shalt  }
0x71: {  	_ =	shalt  }
0x72: {  	_ =	shalt  }
0x73: {  	_ =	shalt  }
0x74: {  	_ =	shalt  }
0x75: {  	_ =	shalt  }
0x76: {  	_ =	shalt  }
0x77: {  	_ =	shalt  }
0x78: {  	_ =	shalt  }
0x79: {  	_ =	shalt  }
0x7a: {  	_ =	shalt  }
0x7b: {  	_ =	shalt  }
0x7c: {  	_ =	shalt  }
0x7d: {  	_ =	shalt  }
0x7e: {  	_ =	shalt  }
0x7f: {  	_ =	shalt  }
0x80: {  	_ =	shalt  }
0x81: {  	_ =	shalt  }
0x82: {  	_ =	shalt  }
0x83: {  	_ =	shalt  }
0x84: {  	_ =	shalt  }
0x85: {  	_ =	shalt  }
0x86: {  	_ =	shalt  }
0x87: {  	_ =	shalt  }
.Lfunc_end0:
.L_simem_size_0:
called_computation.1_lowered:
.L_overlay_start_0:
0x88: {  	s2 =	sld [smem:$0x3FD9]  }
0x89: {  	s3 =	sld [smem:$0x3FFE];
	_ =	sdelay $0x1  }
0x8a: {  	s1 =	srdreg.scid  }
0x8b: {  	s0 =	sand.u32 $0x1, s1  }
0x8c: {  	s17 =	sshll.u32 s0, $0xA;
	s2 =	sadd.s32 s3, s2  }
0x8d: {  	s2 =	sadd.s32 s2, s17  }
0x8e: {  	[smem:$0x3FBF] =	sst s2  }
0x8f: {  	_ = 	snop  }
0x90: {  	s2 =	sld [smem:$0x3FD0];
	(tm) =	ssettm $0x1  }
0x91: {  	s18 =	sld [smem:$0x3FFB];
	_ =	sdelay $0x3  }
0x92: {  	_ =	strace s18  }
0x93: {  	s3 =	sld [smem:$0x3FFC];
	_ =	sdelay $0x3  }
0x94: {  	_ =	strace s3  }
0x95: {  	s3 =	sld [smem:$0x3FFD];
	_ =	sdelay $0x3  }
0x96: {  	_ =	strace s3  }
0x97: {  	_ =	strace $0x8FFFFFFF  }
0x98: {  	s19 =	sld [smem:$0x3FDB];
	_ =	sdelay $0x1  }
0x99: {  	s4 =	simm.s32 $_scs_section_size  }
0x9a: {  	s5 =	simm.s32 $_size__tile_overlayer_lowered;
	s6 =	simm.s32 $_tile_overlayer_lowered  }
0x9b: {  	s22 =	simm.s32 $0x1BFF;
	s21 =	sshll.u32 s6, $0x1;
	s3 =	sadd.s32 s4, s19  }
0x9c: {  	s7 =	simm.s32 $0x0;
	s20 =	sshll.u32 s5, $0x1;
	s5 =	sadd.s32 s21, s3  }
0x9d: {  	[timem:s7], [sflag:s22] =	dma.local [hbm:s5], s20  }
0x9e: {  	_ =	swait.ge [sflag:s22], s20  }
0x9f: {  	s4 =	ssub.s32 $0x0, s20;
	[sflag:s22] =	ssyncset.done $0x0  }
0xa0: {  	[sflag:s22] =	ssyncadd.s32 s4;
	_ =	sdelay $0x1  }
0xa1: {  	s23 =	simm.s32 $0x1B8B  }
0xa2: {  	_ =	swait.ge [sflag:s23], $0x1  }
0xa3: {  	[sflag:s23] =	ssyncset.done $0x0  }
0xa4: {  	s25 =	simm.s32 $0x1B8E;
	s24 =	sld [smem:$0x3FFE];
	[sflag:s23] =	ssyncadd.s32 $0xFFFFFFFF  }
0xa5: {  	s26 =	simm.s32 $execute0_lowered;
	[smem:$0x3FD2] =	sst s25  }
0xa6: {  	s5 =	sshll.u32 s26, $0x1;
	_ =	strace $0x80000049;
	[dreg:$0x1] =	wrdreg $0xFFFFFFFF  }
0xa7: {  	s28 =	simm.s32 $_size_execute0_lowered;
	s3 =	sadd.s32 s3, s5;
	[dreg:$0x0] =	wrdreg $0x0  }
0xa8: {  	s5 =	sshll.u32 s28, $0x1;
	[dreg:$0x2] =	wrdreg s3  }
0xa9: {  	[dreg:$0x3] =	wrdreg s5  }
0xaa: {  	[dreg:$0x4] =	wrdreg $0xC0  }
0xab: {  	_ =	task [dreg:s7], $0x5FFFF  }
0xac: {  	[dreg:$0x1] =	wrdreg $0xFFFFFFFF  }
0xad: {  	[dreg:$0x0] =	wrdreg $0x60  }
0xae: {  	[dreg:$0x2] =	wrdreg s24  }
0xaf: {  	[dreg:$0x3] =	wrdreg s2  }
0xb0: {  	[dreg:$0x4] =	wrdreg $0xC0000  }
0xb1: {  	[dreg:$0x5] =	wrdreg $0x9  }
0xb2: {  	_ =	task.clear_ibuf [dreg:s7], $0x6FFFF;
	_ =	strace $0x90000049  }
0xb3: {  	s29 =	simm.s32 $0x9;
	_ =	strace $0x8000004B  }
0xb4: {  	_ =	swait.ge [sflag:s29], $0x1  }
0xb5: {  	[sflag:s29] =	ssyncadd.s32 $0xFFFFFFFF  }
0xb6: {  	_ =	strace $0x9000004B  }
0xb7: {  	_ =	sfence  }
0xb8: {  	s30 =	sld [smem:$0x0];
	_ =	sdelay $0x2  }
0xb9: {  	s31 =	sshll.u32 s1, $0xD;
	s1 =	sshrl.u32 s1, $0x2  }
0xba: {  	s3 =	sand.u32 $0x4000, s31;
	s1 =	sadd.s32 s1, s30  }
0xbb: {  	s0 =	sor.u32 s3, s0;
	s1 =	sshll.u32 s1, $0x11  }
0xbc: {  	s0 =	sor.u32 s1, s0  }
0xbd: {  	s0 =	sadd.s32 $0x8F2B, s0  }
0xbe: {  	[sflag:s0] =	ssyncadd.remote.s32 $0x1  }
0xbf: {  	_ =	sfence.sel $0xFFFF  }
0xc0: {  	[dreg:$0x0] =	wrdreg $0xFFFFFFFF;
	(pc) =	sbr.abs _section_cstart, $3  }
0xc1: {  	[dreg:$0x1] =	wrdreg $0xFFFFFFFF  }
0xc2: {  	_ =	task.clear_ibuf [dreg:s7], $0x2FFFF;
	_ =	strace $0x9FFFFFFF  }
0xc3: {  	(tm) =	ssettm $0x7FFFFFFF  }
tec
execute0_lowered:
.L_overlay_start_1:
0x0: {  	(tag) =	ssettag $0x1  }
0x1: {  	s0 =	rddreg [dreg:$0x0]  }
0x2: {  	s1 =	rddreg [dreg:$0x1]  }
0x3: {  	s3 =	rddreg [dreg:$0x2]  }
0x4: {  	s4 =	simm.s32 $0x0;
	s2 =	srdreg.scid;
	s16 =	stileid.u32  }
0x5: {  	s28 =	simm.s32 $0x1;
	s29 =	simm.s32 $0x7D;
	s6 =	smul.u32 $0x2710, s16  }
0x6: {  	s30 =	simm.s32 $0x480;
	s31 =	simm.s32 $0x80;
	s8 =	smul.u32 $0x4E200, s16  }
0x7: {  	[smem:$0x7FF] =	sst s4;
	s2 =	sand.u32 $0x1, s2;
	s10 =	smul.u32 $0x5000, s16  }
0x8: {  	s5 =	sadd.s32 $0x34800, s0;
	s23 =	sshll.u32 s16, $0x6;
	s16 =	smul.u32 $0xA00, s16  }
0x9: {  	s9 =	sadd.s32 $0x16800, s0;
	s11 =	sadd.s32 $0x2A800, s0;
	s7 =	smul.u32 $0x27100, s2  }
0xa: {  	_ =	strace $0x8000004A;
	s20 =	ssub.s32 $0x2, s2;
	s2 =	smul.u32 $0x50000, s2  }
0xb: {  	[dreg:$0x4] =	wrdreg s23;
	s21 =	sshrl.u32 s20, $0x1;
	s22 =	sshrl.u32 s8, $0x2  }
0xc: {  	s8 =	sor.u32 $0x1C04, s23;
	s6 =	sadd.s32 s6, s7;
	s7 =	sadd.s32 s22, s3  }
0xd: {  	s2 =	sadd.s32 s10, s2;
	s10 =	sshrl.u32 s10, $0x3;
	s0 =	sadd.s32 s6, s0  }
0xe: {  	s6 =	ssub.s32 s20, s21;
	s12 =	sadd.s32 $0x3E80, s7;
	s13 =	sadd.s32 $0x7D00, s7  }
0xf: {  	s14 =	sshrl.u32 s2, $0x3;
	s15 =	sadd.s32 $0xBB80, s7;
	[dreg:$0x5] =	wrdreg s7  }
0x10: {  	s24 =	sadd.s32 s11, s10;
	s20 =	sor.u32 $0x280, s2;
	s21 =	sor.u32 $0x200, s2  }
0x11: {  	s2 =	sor.u32 $0x180, s2;
	s17 =	sadd.s32 s9, s14;
	s14 =	sadd.s32 $0xFA00, s7  }
0x12: {  	s26 =	sadd.s32 $0x10, s24;
	[dreg:$0x7] =	wrdreg s24;
	s7 =	sadd.s32 $0x20, s24  }
0x13: {  	s0 =	sadd.s32 $0x82A00, s0;
	s19 =	smax.u32 s6, $0x1;
	[dreg:$0x9] =	wrdreg s26  }
0x14: {  	s6 =	sshrl.u32 s21, $0x3;
	s22 =	sshrl.u32 s2, $0x3;
	[dreg:$0x6] =	wrdreg s17  }
0x15: {  	s23 =	sshrl.u32 s12, $0x3;
	s24 =	sshrl.u32 s13, $0x3;
	[dreg:$0xb] =	wrdreg s7  }
0x16: {  	s2 =	simm.s32 $0x2;
	s25 =	sadd.s32 $0x10, s17;
	[dreg:$0xc] =	wrdreg s0  }
0x17: {  	s18 =	sadd.s32 $0x20, s17;
	[dreg:$0xd] =	wrdreg s19;
	s17 =	sadd.s32 s16, s11  }
0x18: {  	s0 =	sshrl.u32 s20, $0x3;
	s19 =	sadd.s32 s6, s9;
	[dreg:$0xe] =	wrdreg s23  }
.Ltmp0:
0x19: {  	s20 =	sadd.s32 s22, s9;
	[dreg:$0xf] =	wrdreg s24;
	(pc) =	sbr.rel .LBB2_1-.Ltmp0, $4  }
0x1a: {  	s26 =	sshrl.u32 s14, $0x3;
	s6 =	simm.s32 $0x7;
	[dreg:$0x8] =	wrdreg s25  }
0x1b: {  	s11 =	simm.s32 $0x0;
	[dreg:$0xa] =	wrdreg s18;
	s18 =	sadd.s32 s0, s9  }
0x1c: {  	s25 =	sshrl.u32 s15, $0x3;
	[dreg:$0x11] =	wrdreg s26;
	s0 =	simm.s32 $0x100  }
0x1d: {  	s26 =	simm.s32 $0x3;
	[dreg:$0x10] =	wrdreg s25;
	s25 =	simm.s32 $0x4  }
.LBB2_3:
0x1e: {  	s7 =	simm.s32 $0x200  }
0x1f: {  	[spmem:s3] =	stream.indirect.scatter.add.f32 [tilespmem:s30], [sflag:$0x4], $0x80, s7, s29, $0xb8;
	[tilespmem:$0x1F880] =	vst v63  }
0x20: {  	_ =	swait.ge [sflag:s25], $0x3E80  }
0x21: {  	[sflag:s25] =	ssyncset.done $0x0  }
0x22: {  	[sflag:s25] =	ssyncadd.s32 $0xFFFFC180  }
.LBB2_5:
0x23: {  	[bflag:$0x0] =	sbarrier.arrive $0xFFFF  }
0x24: {  	s7 =	rddreg [dreg:$0x4]  }
0x25: {  	s9 =	rddreg [dreg:$0xc];
	s7 =	sor.u32 $0x1C07, s7  }
0x26: {  	[hbm:s9], [sflag:s7] =	dma.local [spmem:s12], $0x2710  }
0x27: {  	_ =	swait.ge [sflag:s6], $0x2710  }
0x28: {  	s11 =	sadd.s32 $0x1, s11;
	s24 =	rddreg [dreg:$0xd]  }
0x29: {  	p0 =	sne.s32 s11, s24  }
.Ltmp1:
0x2a: {  	_ = 	snop;
	(pc) =	sbr.rel @!p0 .LBB2_6-.Ltmp1, $3  }
0x2b: {  	_ =	sdelay $0x1  }
0x2c: {  	[sflag:s6] =	ssyncset.done $0x0  }
0x2d: {  	[sflag:s6] =	ssyncadd.s32 $0xFFFFD8F0  }
.LBB2_1:
0x2e: {  	s7 =	rddreg [dreg:$0x5]  }
0x2f: {  	s12 =	sshrl.u32 s7, $0x3  }
0x30: {  	[spmem:s12], [sflag:s8] =	dma.local [hbm:s1], $0x7D0  }
0x31: {  	s24 =	rddreg [dreg:$0xe]  }
0x32: {  	[spmem:s24], [sflag:s8] =	dma.local [hbm:s1], $0x7D0  }
0x33: {  	s7 =	rddreg [dreg:$0xf]  }
0x34: {  	[spmem:s7], [sflag:s8] =	dma.local [hbm:s1], $0x7D0  }
0x35: {  	s7 =	rddreg [dreg:$0x10]  }
0x36: {  	[spmem:s7], [sflag:s8] =	dma.local [hbm:s1], $0x7D0  }
0x37: {  	s7 =	rddreg [dreg:$0x11]  }
0x38: {  	[spmem:s7], [sflag:s8] =	dma.local [hbm:s1], $0x7D0  }
0x39: {  	_ =	swait.ge [sflag:s25], $0x7D0  }
0x3a: {  	[sflag:s25] =	ssyncset.done $0x0  }
0x3b: {  	[sflag:s25] =	ssyncadd.s32 $0xFFFFF830  }
0x3c: {  	_ =	swait.ge [sflag:s25], $0x7D0  }
0x3d: {  	[sflag:s25] =	ssyncset.done $0x0  }
0x3e: {  	[sflag:s25] =	ssyncadd.s32 $0xFFFFF830  }
0x3f: {  	_ =	swait.ge [sflag:s25], $0x7D0  }
0x40: {  	[sflag:s25] =	ssyncset.done $0x0  }
0x41: {  	[sflag:s25] =	ssyncadd.s32 $0xFFFFF830  }
0x42: {  	_ =	swait.ge [sflag:s25], $0x7D0  }
0x43: {  	[sflag:s25] =	ssyncset.done $0x0  }
0x44: {  	[sflag:s25] =	ssyncadd.s32 $0xFFFFF830  }
0x45: {  	_ =	swait.ge [sflag:s25], $0x7D0  }
0x46: {  	[sflag:s25] =	ssyncset.done $0x0  }
0x47: {  	[sflag:s25] =	ssyncadd.s32 $0xFFFFF830  }
0x48: {  	[bflag:$0x0] =	sbarrier.arrive $0xFFFF  }
0x49: {  	s9 =	rddreg [dreg:$0x6]  }
0x4a: {  	[tilespmem:s4], [sflag:$0x1] =	stream.linear.gather [hbm4b:s9+s4], $0x80, $0x38;
	[tilespmem:$0x1F880] =	vst v63  }
0x4b: {  	s10 =	rddreg [dreg:$0x7];
	s9 =	simm.s32 $0x180  }
0x4c: {  	[tilespmem:s9], [sflag:$0x1] =	stream.linear.gather [hbm4b:s10+s4], $0x80, $0x38;
	[tilespmem:$0x1F880] =	vst v63  }
0x4d: {  	_ =	swait.ge [sflag:s28], $0x80  }
0x4e: {  	[sflag:s28] =	ssyncset.done $0x0  }
0x4f: {  	[sflag:s28] =	ssyncadd.s32 $0xFFFFFF80  }
0x50: {  	_ =	swait.ge [sflag:s28], $0x80  }
0x51: {  	[sflag:s28] =	ssyncset.done $0x0  }
0x52: {  	[sflag:s28] =	ssyncadd.s32 $0xFFFFFF80  }
0x53: {  	[tilespmem:s30], [sflag:$0x1] =	stream.indirect.gather [hbm4b:s5+s29], $0x80, s4, s29, $0xb8;
	[tilespmem:$0x1F880] =	vst v63  }
0x54: {  	s13 =	rddreg [dreg:$0x8]  }
0x55: {  	[tilespmem:s31], [sflag:$0x2] =	stream.linear.gather [hbm4b:s13+s4], $0x80, $0x38;
	[tilespmem:$0x1F880] =	vst v63  }
0x56: {  	s15 =	simm.s32 $0x280;
	s14 =	rddreg [dreg:$0x9]  }
0x57: {  	[tilespmem:s15], [sflag:$0x2] =	stream.linear.gather [hbm4b:s14+s4], $0x80, $0x38;
	[tilespmem:$0x1F880] =	vst v63  }
0x58: {  	_ =	swait.ge [sflag:s2], $0x80  }
0x59: {  	[sflag:s2] =	ssyncset.done $0x0  }
0x5a: {  	[sflag:s2] =	ssyncadd.s32 $0xFFFFFF80  }
0x5b: {  	_ =	swait.ge [sflag:s2], $0x80  }
0x5c: {  	[sflag:s2] =	ssyncset.done $0x0  }
0x5d: {  	s16 =	simm.s32 $0x4300;
	[sflag:s2] =	ssyncadd.s32 $0xFFFFFF80  }
0x5e: {  	[tilespmem:s16], [sflag:$0x2] =	stream.indirect.gather [hbm4b:s5+s29], $0x80, s31, s29, $0xb8;
	[tilespmem:$0x1F880] =	vst v63  }
0x5f: {  	s21 =	rddreg [dreg:$0xa]  }
0x60: {  	[tilespmem:s0], [sflag:$0x3] =	stream.linear.gather [hbm4b:s21+s4], $0x80, $0x38;
	[tilespmem:$0x1F880] =	vst v63  }
0x61: {  	s23 =	simm.s32 $0x380;
	s22 =	rddreg [dreg:$0xb]  }
0x62: {  	[tilespmem:s23], [sflag:$0x3] =	stream.linear.gather [hbm4b:s22+s4], $0x80, $0x38;
	[tilespmem:$0x1F880] =	vst v63  }
0x63: {  	_ =	swait.ge [sflag:s26], $0x80  }
0x64: {  	[sflag:s26] =	ssyncset.done $0x0  }
0x65: {  	[sflag:s26] =	ssyncadd.s32 $0xFFFFFF80  }
0x66: {  	_ =	swait.ge [sflag:s26], $0x80  }
0x67: {  	s24 =	simm.s32 $0x8180;
	s13 =	simm.s32 $0x0;
	[sflag:s26] =	ssyncset.done $0x0  }
0x68: {  	s14 =	simm.s32 $0x0;
	s15 =	simm.s32 $0x0;
	[sflag:s26] =	ssyncadd.s32 $0xFFFFFF80  }
0x69: {  	[tilespmem:s24], [sflag:$0x3] =	stream.indirect.gather [hbm4b:s5+s29], $0x80, s0, s29, $0xb8;
	[tilespmem:$0x1F880] =	vst v63  }
.LBB2_2:
0x6a: {  	p0 =	sne.s32 s13, $0x9F0  }
.Ltmp2:
0x6b: {  	_ = 	snop;
	(pc) =	sbr.rel @!p0 .LBB2_3-.Ltmp2, $4  }
0x6c: {  	_ = 	snop  }
0x6d: {  	_ =	swait.ge [sflag:s28], $0x3E80  }
0x6e: {  	[sflag:s28] =	ssyncset.done $0x0  }
0x6f: {  	[sflag:s28] =	ssyncadd.s32 $0xFFFFC180  }
0x70: {  	s9 =	sadd.s32 s13, s20;
	s23 =	sand.u32 $0x200, s14  }
0x71: {  	[tilespmem:s4], [sflag:$0x1] =	stream.linear.gather [hbm4b:s9+s4], $0x80, $0x38;
	[tilespmem:$0x1F880] =	vst v63  }
0x72: {  	s16 =	sxor.u32 $0x200, s23  }
0x73: {  	s10 =	sadd.s32 s13, s17;
	s16 =	sshrl.u32 s16, $0x2  }
0x74: {  	s10 =	sadd.s32 $0x30, s10;
	s9 =	sshrl.u32 s23, $0x2;
	s7 =	sadd.s32 $0x180, s16  }
0x75: {  	[tilespmem:s7], [sflag:$0x1] =	stream.linear.gather [hbm4b:s10+s4], $0x80, $0x38;
	[tilespmem:$0x1F880] =	vst v63  }
0x76: {  	s24 =	sadd.s32 $0x180, s9  }
0x77: {  	[spmem:s3] =	stream.indirect.scatter.add.f32 [tilespmem:s30], [sflag:$0x4], $0x80, s24, s29, $0xb8;
	[tilespmem:$0x1F880] =	vst v63  }
0x78: {  	_ =	swait.ge [sflag:s25], $0x3E80  }
0x79: {  	[sflag:s25] =	ssyncset.done $0x0  }
0x7a: {  	[sflag:s25] =	ssyncadd.s32 $0xFFFFC180  }
0x7b: {  	_ =	swait.ge [sflag:s28], $0x80  }
0x7c: {  	[sflag:s28] =	ssyncset.done $0x0  }
0x7d: {  	[sflag:s28] =	ssyncadd.s32 $0xFFFFFF80  }
0x7e: {  	_ =	swait.ge [sflag:s28], $0x80  }
0x7f: {  	[sflag:s28] =	ssyncset.done $0x0  }
0x80: {  	[sflag:s28] =	ssyncadd.s32 $0xFFFFFF80  }
0x81: {  	[tilespmem:s30], [sflag:$0x1] =	stream.indirect.gather [hbm4b:s5+s29], $0x80, s4, s29, $0xb8;
	[tilespmem:$0x1F880] =	vst v63  }
0x82: {  	p0 =	sgt.u32 s15, $0x33;
	_ =	swait.ge [sflag:s2], $0x3E80  }
0x83: {  	s21 =	simm.s32 @p0 $0x4300;
	[sflag:s2] =	ssyncset.done $0x0  }
0x84: {  	s7 =	sadd.s32 @p0 $0x280, s9;
	s10 =	simm.s32 @p0 $0x7D;
	[sflag:s2] =	ssyncadd.s32 $0xFFFFC180  }
0x85: {  	[spmem:s3] =	stream.indirect.scatter.add.f32 @p0 [tilespmem:s21], [sflag:$0x5], $0x80, s7, s10, $0xb8;
	[tilespmem:$0x1F880] =	vst v63  }
0x86: {  	s7 =	simm.s32 @p0 $0x5  }
0x87: {  	_ =	swait.ge @p0 [sflag:s7], $0x3E80  }
0x88: {  	[sflag:s7] =	ssyncset.done @p0 $0x0  }
0x89: {  	[sflag:s7] =	ssyncadd.s32 @p0 $0xFFFFC180;
	s7 =	simm.s32 @p0 $0x3  }
0x8a: {  	_ =	swait.ge @p0 [sflag:s7], $0x3E80  }
0x8b: {  	[sflag:s7] =	ssyncset.done @p0 $0x0  }
0x8c: {  	s21 =	simm.s32 @p0 $0x8180;
	[sflag:s7] =	ssyncadd.s32 @p0 $0xFFFFC180;
	s7 =	sadd.s32 @p0 $0x380, s9  }
0x8d: {  	[spmem:s3] =	stream.indirect.scatter.add.f32 @p0 [tilespmem:s21], [sflag:$0x6], $0x80, s7, s10, $0xb8;
	[tilespmem:$0x1F880] =	vst v63  }
0x8e: {  	s7 =	simm.s32 @p0 $0x6  }
0x8f: {  	_ =	swait.ge @p0 [sflag:s7], $0x3E80  }
0x90: {  	s10 =	simm.s32 @!p0 $0x0;
	[sflag:s7] =	ssyncset.done @p0 $0x0  }
0x91: {  	s21 =	simm.s32 @!p0 $0x80;
	[sflag:s7] =	ssyncadd.s32 @p0 $0xFFFFC180;
	s7 =	sadd.s32 @!p0 s13, s19  }
0x92: {  	[tilespmem:s21], [sflag:$0x2] =	stream.linear.gather @!p0 [hbm4b:s7+s10], $0x80, $0x38;
	[tilespmem:$0x1F880] =	vst v63  }
0x93: {  	s7 =	sadd.s32 @!p0 s13, s17  }
0x94: {  	s22 =	sadd.s32 @!p0 $0x280, s16;
	s23 =	sadd.s32 @!p0 $0x40, s7  }
0x95: {  	[tilespmem:s22], [sflag:$0x2] =	stream.linear.gather @!p0 [hbm4b:s23+s10], $0x80, $0x38;
	[tilespmem:$0x1F880] =	vst v63  }
0x96: {  	s24 =	simm.s32 @!p0 $0x4300;
	s22 =	sadd.s32 @!p0 $0x280, s9;
	s23 =	simm.s32 @!p0 $0x7D  }
0x97: {  	[spmem:s3] =	stream.indirect.scatter.add.f32 @!p0 [tilespmem:s24], [sflag:$0x5], $0x80, s22, s23, $0xb8;
	[tilespmem:$0x1F880] =	vst v63  }
0x98: {  	s22 =	simm.s32 @!p0 $0x5  }
0x99: {  	_ =	swait.ge @!p0 [sflag:s22], $0x3E80  }
0x9a: {  	[sflag:s22] =	ssyncset.done @!p0 $0x0  }
0x9b: {  	[sflag:s22] =	ssyncadd.s32 @!p0 $0xFFFFC180;
	s22 =	simm.s32 @!p0 $0x2  }
0x9c: {  	_ =	swait.ge @!p0 [sflag:s22], $0x80  }
0x9d: {  	[sflag:s22] =	ssyncset.done @!p0 $0x0  }
0x9e: {  	[sflag:s22] =	ssyncadd.s32 @!p0 $0xFFFFFF80  }
0x9f: {  	_ =	swait.ge @!p0 [sflag:s22], $0x80  }
0xa0: {  	[sflag:s22] =	ssyncset.done @!p0 $0x0  }
0xa1: {  	[sflag:s22] =	ssyncadd.s32 @!p0 $0xFFFFFF80  }
0xa2: {  	[tilespmem:s24], [sflag:$0x2] =	stream.indirect.gather @!p0 [hbm4b:s5+s23], $0x80, s21, s23, $0xb8;
	[tilespmem:$0x1F880] =	vst v63  }
0xa3: {  	s21 =	simm.s32 @!p0 $0x3  }
0xa4: {  	_ =	swait.ge @!p0 [sflag:s21], $0x3E80  }
0xa5: {  	[sflag:s21] =	ssyncset.done @!p0 $0x0  }
0xa6: {  	s22 =	sadd.s32 @!p0 s13, s18;
	s24 =	simm.s32 @!p0 $0x100;
	[sflag:s21] =	ssyncadd.s32 @!p0 $0xFFFFC180  }
0xa7: {  	[tilespmem:s24], [sflag:$0x3] =	stream.linear.gather @!p0 [hbm4b:s22+s10], $0x80, $0x38;
	[tilespmem:$0x1F880] =	vst v63  }
0xa8: {  	s16 =	sadd.s32 @!p0 $0x380, s16;
	s7 =	sadd.s32 @!p0 $0x50, s7  }
0xa9: {  	[tilespmem:s16], [sflag:$0x3] =	stream.linear.gather @!p0 [hbm4b:s7+s10], $0x80, $0x38;
	[tilespmem:$0x1F880] =	vst v63  }
0xaa: {  	s7 =	sadd.s32 @!p0 $0x380, s9;
	s9 =	simm.s32 @!p0 $0x8180  }
0xab: {  	[spmem:s3] =	stream.indirect.scatter.add.f32 @!p0 [tilespmem:s9], [sflag:$0x6], $0x80, s7, s23, $0xb8;
	[tilespmem:$0x1F880] =	vst v63  }
0xac: {  	s7 =	simm.s32 @!p0 $0x6  }
0xad: {  	_ =	swait.ge @!p0 [sflag:s7], $0x3E80  }
0xae: {  	[sflag:s7] =	ssyncset.done @!p0 $0x0  }
0xaf: {  	[sflag:s7] =	ssyncadd.s32 @!p0 $0xFFFFC180  }
0xb0: {  	_ =	swait.ge @!p0 [sflag:s21], $0x80  }
0xb1: {  	[sflag:s21] =	ssyncset.done @!p0 $0x0  }
0xb2: {  	[sflag:s21] =	ssyncadd.s32 @!p0 $0xFFFFFF80  }
0xb3: {  	_ =	swait.ge @!p0 [sflag:s21], $0x80  }
0xb4: {  	[sflag:s21] =	ssyncset.done @!p0 $0x0  }
0xb5: {  	s13 =	sadd.s32 $0x30, s13;
	[sflag:s21] =	ssyncadd.s32 @!p0 $0xFFFFFF80  }
0xb6: {  	[tilespmem:s9], [sflag:$0x3] =	stream.indirect.gather @!p0 [hbm4b:s5+s23], $0x80, s24, s23, $0xb8;
	[tilespmem:$0x1F880] =	vst v63  }
0xb7: {  	p0 =	sne.s32 s13, $0xA20  }
.Ltmp3:
0xb8: {  	_ = 	snop;
	(pc) =	sbr.rel @p0 .LBB2_2-.Ltmp3, $4  }
.Ltmp4:
0xb9: {  	_ = 	snop;
	(pc) =	sbr.rel @!p0 .LBB2_5-.Ltmp4, $4  }
0xba: {  	_ = 	snop  }
0xbb: {  	_ = 	snop  }
0xbc: {  	s15 =	sadd.s32 $0x1, s15;
	s14 =	sadd.s32 $0x200, s14  }
0xbd: {  	_ = 	snop  }
.LBB2_6:
0xbe: {  	_ =	sfence.sel $0x180000  }
0xbf: {  	[bflag:$0x0] =	sbarrier.arrive $0xFFFF  }
0xc0: {  	_ =	strace $0x9000004A  }
0xc1: {  	s0 =	stileid.u32;
	[bflag:$0x2] =	sbarrier.arrive $0xFFFF  }
0xc2: {  	p0 =	sne.s32 s0, $0x0;
	s0 =	rddreg [dreg:$0x3]  }
0xc3: {  	s0 =	sadd.s32 @!p0 $0x100000, s0  }
0xc4: {  	[sflag:s0] =	ssyncadd.tile.s32 @!p0 $0x1;
	_ =	shalt  }
.Lfunc_end2:
_tile_overlayer_lowered:
.L_overlay_start_2:
0xc5: {  	(tag) =	ssettag $0x2  }
0xc6: {  	s0 =	rddreg [dreg:$0x0];
	s2 =	stileid.u32  }
0xc7: {  	s1 =	rddreg [dreg:$0x1];
	p0 =	sne.s32 s2, $0x0  }
0xc8: {  	s3 =	rddreg [dreg:$0x2];
	[bflag:$0x3] =	sbarrier.arrive $0xFFFF;
	s2 =	simm.s32 @!p0 $0x1C07  }
0xc9: {  	[timem:s3], [sflag:s2] =	dma.local @!p0 [hbm:s0], s1  }
0xca: {  	s0 =	simm.s32 @!p0 $0x7  }
0xcb: {  	_ =	swait.ge @!p0 [sflag:s0], s1  }
0xcc: {  	s1 =	ssub.s32 @!p0 $0x0, s1;
	[sflag:s0] =	ssyncset.done @!p0 $0x0  }
0xcd: {  	[sflag:s0] =	ssyncadd.s32 @!p0 s1  }
0xce: {  	[bflag:$0x3] =	sbarrier.arrive $0xFFFF  }
0xcf: {  	_ =	shalt  }

// kernel: kernel.16.cloned.1.call-start
scs
__scs_entry_jumppad:
0x0: {  	(pc) =	sbr.rel $0x88, $3  }
0x1: {  	(tag) =	ssettag $0x0;
	lr =	simm.s32 $0x1  }
0x2: {  	[smem:$0x3F98] =	sst lr;
	_ =	strace $0xD0000000  }
0x3: {  	_ = 	snop  }
0x4: {  	_ = 	snop  }
0x5: {  	_ = 	snop  }
0x6: {  	_ = 	snop  }
0x7: {  	_ = 	snop  }
__scs_overlays_trampoline_lowered:
0x8: {  	[smem:$0x3FA7] =	sst s0  }
0x9: {  	[smem:$0x3FA8] =	sst s1  }
0xa: {  	[smem:$0x3FA9] =	sst s2  }
0xb: {  	[smem:$0x3FAA] =	sst s3  }
0xc: {  	[smem:$0x3FAB] =	sst s4  }
0xd: {  	[smem:$0x3FAC] =	sst s5  }
0xe: {  	[smem:$0x3FAD] =	sst s6  }
0xf: {  	[smem:$0x3FAE] =	sst s7  }
0x10: {  	[smem:$0x3FAF] =	sst s8  }
0x11: {  	[smem:$0x3FB0] =	sst s9;
	s0 =	simm.s32 @!p0 $0x0  }
0x12: {  	s1 =	sld [smem:$0x3F96];
	s0 =	simm.s32 @p0 $0x1  }
0x13: {  	[smem:$0x3FB1] =	sst s0;
	s0 =	simm.s32 @!p1 $0x0  }
0x14: {  	s2 =	sld [smem:$0x3F95];
	s0 =	simm.s32 @p1 $0x1  }
0x15: {  	[smem:$0x3FB2] =	sst s0;
	s0 =	simm.s32 @!p2 $0x0  }
0x16: {  	s3 =	sld [smem:$0x3FDB];
	s0 =	simm.s32 @p2 $0x1  }
0x17: {  	s4 =	simm.s32 $0x1BF5;
	[smem:$0x3FB4] =	sst s0  }
0x18: {  	s0 =	sld [smem:$0x3F97];
	_ =	swait.ge [sflag:s4], $0x0  }
0x19: {  	s7 =	sld [smem:$0x3F98]  }
0x1a: {  	s8 =	sadd.s32 $0xFFFFE003, lr  }
0x1b: {  	s9 =	sadd.s32 $0xFFFFFEF7, lr;
	s5 =	simm.s32 $0xFFFFFFFF;
	p2 =	slt.u32 s8, $0xFFFFF086  }
0x1c: {  	p1 =	slt.u32 s9, $0xF7A;
	s5 =	simm.s32 @!p2 $0x0  }
0x1d: {  	s5 =	simm.s32 @p1 $0x1;
	p0 =	seq.s32 s7, s2  }
0x1e: {  	s7 =	smul.u32 @!p0 $0xF7A, s2;
	p2 =	seq.s32 @!p0 s5, $0x0  }
0x1f: {  	s9 =	smul.u32 $0xF7A, s1;
	s8 =	simm.s32 @!p0 $0x1BF5;
	p2 =	por !p2, p0  }
0x20: {  	[sflag:s8] =	ssyncset.s32 @!p0 $0xFFFFF086;
	s6 =	sadd.s32 @!p0 s3, s7;
	s7 =	simm.s32 @!p0 $0x108  }
0x21: {  	s3 =	sadd.s32 s3, s9;
	s6 =	sadd.s32 @!p0 $0x88, s6;
	s7 =	simm.s32 @p2 $0x1082  }
0x22: {  	[simem:s7], [sflag:s8] =	dma.local @!p0 [hbm:s6], $0xF7A  }
0x23: {  	s9 =	sor.u32 $0xD0000000, s2;
	s6 =	simm.s32 $0x108;
	_ =	swait.ge @!p0 [sflag:s8], $0x0  }
0x24: {  	s3 =	sadd.s32 $0x88, s3;
	s6 =	simm.s32 @!p1 $0x1082;
	[sflag:s4] =	ssyncset.s32 $0xFFFFF086  }
0x25: {  	[simem:s6], [sflag:s4] =	dma.local [hbm:s3], $0xF7A  }
0x26: {  	[smem:$0x3F98] =	sst s1;
	(tag) =	ssettag s2;
	_ =	strace s9  }
0x27: {  	s1 =	sld [smem:$0x3FA8]  }
0x28: {  	s2 =	sld [smem:$0x3FA9]  }
0x29: {  	s4 =	sld [smem:$0x3FAB]  }
0x2a: {  	p0 =	seq.s32 s5, $0x0;
	s5 =	sld [smem:$0x3FAC]  }
0x2b: {  	s6 =	sld [smem:$0x3FAD]  }
0x2c: {  	s7 =	sld [smem:$0x3FAE]  }
0x2d: {  	s3 =	simm.s32 $0x108;
	s8 =	sld [smem:$0x3FAF]  }
0x2e: {  	s3 =	simm.s32 @!p0 $0x1082;
	s9 =	sld [smem:$0x3FB0]  }
0x2f: {  	lr =	sadd.s32 s0, s3;
	s0 =	sld [smem:$0x3FA7]  }
0x30: {  	s3 =	sld [smem:$0x3FAA]  }
0x31: {  	[smem:$0x3FB3] =	sst s10  }
0x32: {  	s10 =	sld [smem:$0x3FB1];
	_ =	sdelay $0x3  }
0x33: {  	p0 =	seq.s32 s10, $0x1;
	s10 =	sld [smem:$0x3FB3];
	_ =	sdelay $0x3  }
0x34: {  	[smem:$0x3FB3] =	sst s10  }
0x35: {  	s10 =	sld [smem:$0x3FB2];
	_ =	sdelay $0x3  }
0x36: {  	p1 =	seq.s32 s10, $0x1;
	s10 =	sld [smem:$0x3FB3];
	_ =	sdelay $0x3  }
0x37: {  	[smem:$0x3FB3] =	sst s10  }
0x38: {  	s10 =	sld [smem:$0x3FB4]  }
0x39: {  	_ = 	snop;
	(pc) =	sbr.ind lr, $3  }
0x3a: {  	_ = 	snop  }
0x3b: {  	_ = 	snop  }
0x3c: {  	p2 =	seq.s32 s10, $0x1;
	s10 =	sld [smem:$0x3FB3]  }
0x3d: {  	_ =	shalt  }
0x3e: {  	_ =	shalt  }
0x3f: {  	_ =	shalt  }
0x40: {  	_ =	shalt  }
0x41: {  	_ =	shalt  }
0x42: {  	_ =	shalt  }
0x43: {  	_ =	shalt  }
0x44: {  	_ =	shalt  }
0x45: {  	_ =	shalt  }
0x46: {  	_ =	shalt  }
0x47: {  	_ =	shalt  }
0x48: {  	_ =	shalt  }
0x49: {  	_ =	shalt  }
0x4a: {  	_ =	shalt  }
0x4b: {  	_ =	shalt  }
0x4c: {  	_ =	shalt  }
0x4d: {  	_ =	shalt  }
0x4e: {  	_ =	shalt  }
0x4f: {  	_ =	shalt  }
0x50: {  	_ =	shalt  }
0x51: {  	_ =	shalt  }
0x52: {  	_ =	shalt  }
0x53: {  	_ =	shalt  }
0x54: {  	_ =	shalt  }
0x55: {  	_ =	shalt  }
0x56: {  	_ =	shalt  }
0x57: {  	_ =	shalt  }
0x58: {  	_ =	shalt  }
0x59: {  	_ =	shalt  }
0x5a: {  	_ =	shalt  }
0x5b: {  	_ =	shalt  }
0x5c: {  	_ =	shalt  }
0x5d: {  	_ =	shalt  }
0x5e: {  	_ =	shalt  }
0x5f: {  	_ =	shalt  }
0x60: {  	_ =	shalt  }
0x61: {  	_ =	shalt  }
0x62: {  	_ =	shalt  }
0x63: {  	_ =	shalt  }
0x64: {  	_ =	shalt  }
0x65: {  	_ =	shalt  }
0x66: {  	_ =	shalt  }
0x67: {  	_ =	shalt  }
0x68: {  	_ =	shalt  }
0x69: {  	_ =	shalt  }
0x6a: {  	_ =	shalt  }
0x6b: {  	_ =	shalt  }
0x6c: {  	_ =	shalt  }
0x6d: {  	_ =	shalt  }
0x6e: {  	_ =	shalt  }
0x6f: {  	_ =	shalt  }
0x70: {  	_ =	shalt  }
0x71: {  	_ =	shalt  }
0x72: {  	_ =	shalt  }
0x73: {  	_ =	shalt  }
0x74: {  	_ =	shalt  }
0x75: {  	_ =	shalt  }
0x76: {  	_ =	shalt  }
0x77: {  	_ =	shalt  }
0x78: {  	_ =	shalt  }
0x79: {  	_ =	shalt  }
0x7a: {  	_ =	shalt  }
0x7b: {  	_ =	shalt  }
0x7c: {  	_ =	shalt  }
0x7d: {  	_ =	shalt  }
0x7e: {  	_ =	shalt  }
0x7f: {  	_ =	shalt  }
0x80: {  	_ =	shalt  }
0x81: {  	_ =	shalt  }
0x82: {  	_ =	shalt  }
0x83: {  	_ =	shalt  }
0x84: {  	_ =	shalt  }
0x85: {  	_ =	shalt  }
0x86: {  	_ =	shalt  }
0x87: {  	_ =	shalt  }
.Lfunc_end0:
.L_simem_size_0:
called_computation.2_lowered:
.L_overlay_start_0:
0x88: {  	s2 =	sld [smem:$0x3FD9]  }
0x89: {  	s3 =	sld [smem:$0x3FFE];
	_ =	sdelay $0x1  }
0x8a: {  	s1 =	srdreg.scid  }
0x8b: {  	s0 =	sand.u32 $0x1, s1  }
0x8c: {  	s17 =	sshll.u32 s0, $0xA;
	s2 =	sadd.s32 s3, s2  }
0x8d: {  	s2 =	sadd.s32 s2, s17  }
0x8e: {  	[smem:$0x3FBF] =	sst s2  }
0x8f: {  	_ = 	snop  }
0x90: {  	s2 =	sld [smem:$0x3FD0];
	(tm) =	ssettm $0x1  }
0x91: {  	s18 =	sld [smem:$0x3FFB];
	_ =	sdelay $0x3  }
0x92: {  	_ =	strace s18  }
0x93: {  	s3 =	sld [smem:$0x3FFC];
	_ =	sdelay $0x3  }
0x94: {  	_ =	strace s3  }
0x95: {  	s3 =	sld [smem:$0x3FFD];
	_ =	sdelay $0x3  }
0x96: {  	_ =	strace s3  }
0x97: {  	_ =	strace $0x8FFFFFFF  }
0x98: {  	s19 =	sld [smem:$0x3FDB];
	_ =	sdelay $0x1  }
0x99: {  	s4 =	simm.s32 $_scs_section_size  }
0x9a: {  	s5 =	simm.s32 $_size__tile_overlayer_lowered;
	s6 =	simm.s32 $_tile_overlayer_lowered  }
0x9b: {  	s22 =	simm.s32 $0x1BFF;
	s21 =	sshll.u32 s6, $0x1;
	s3 =	sadd.s32 s4, s19  }
0x9c: {  	s7 =	simm.s32 $0x0;
	s20 =	sshll.u32 s5, $0x1;
	s5 =	sadd.s32 s21, s3  }
0x9d: {  	[timem:s7], [sflag:s22] =	dma.local [hbm:s5], s20  }
0x9e: {  	_ =	swait.ge [sflag:s22], s20  }
0x9f: {  	s4 =	ssub.s32 $0x0, s20;
	[sflag:s22] =	ssyncset.done $0x0  }
0xa0: {  	[sflag:s22] =	ssyncadd.s32 s4;
	_ =	sdelay $0x1  }
0xa1: {  	s23 =	simm.s32 $0x1B8B  }
0xa2: {  	_ =	swait.ge [sflag:s23], $0x1  }
0xa3: {  	[sflag:s23] =	ssyncset.done $0x0  }
0xa4: {  	s25 =	simm.s32 $0x1B8E;
	s24 =	sld [smem:$0x3FFE];
	[sflag:s23] =	ssyncadd.s32 $0xFFFFFFFF  }
0xa5: {  	s26 =	simm.s32 $execute0_lowered;
	[smem:$0x3FD2] =	sst s25  }
0xa6: {  	s5 =	sshll.u32 s26, $0x1;
	_ =	strace $0x8000004C;
	[dreg:$0x1] =	wrdreg $0xFFFFFFFF  }
0xa7: {  	s28 =	simm.s32 $_size_execute0_lowered;
	s3 =	sadd.s32 s3, s5;
	[dreg:$0x0] =	wrdreg $0x0  }
0xa8: {  	s5 =	sshll.u32 s28, $0x1;
	[dreg:$0x2] =	wrdreg s3  }
0xa9: {  	[dreg:$0x3] =	wrdreg s5  }
0xaa: {  	[dreg:$0x4] =	wrdreg $0xC0  }
0xab: {  	_ =	task [dreg:s7], $0x5FFFF  }
0xac: {  	[dreg:$0x1] =	wrdreg $0xFFFFFFFF  }
0xad: {  	[dreg:$0x0] =	wrdreg $0x60  }
0xae: {  	[dreg:$0x2] =	wrdreg s24  }
0xaf: {  	[dreg:$0x3] =	wrdreg s2  }
0xb0: {  	[dreg:$0x4] =	wrdreg $0xC0000  }
0xb1: {  	[dreg:$0x5] =	wrdreg $0x9  }
0xb2: {  	_ =	task.clear_ibuf [dreg:s7], $0x6FFFF;
	_ =	strace $0x9000004C  }
0xb3: {  	s29 =	simm.s32 $0x9;
	_ =	strace $0x8000004E  }
0xb4: {  	_ =	swait.ge [sflag:s29], $0x1  }
0xb5: {  	[sflag:s29] =	ssyncadd.s32 $0xFFFFFFFF  }
0xb6: {  	_ =	strace $0x9000004E  }
0xb7: {  	_ =	sfence  }
0xb8: {  	s30 =	sld [smem:$0x0];
	_ =	sdelay $0x2  }
0xb9: {  	s31 =	sshll.u32 s1, $0xD;
	s1 =	sshrl.u32 s1, $0x2  }
0xba: {  	s3 =	sand.u32 $0x4000, s31;
	s1 =	sadd.s32 s1, s30  }
0xbb: {  	s0 =	sor.u32 s3, s0;
	s1 =	sshll.u32 s1, $0x11  }
0xbc: {  	s0 =	sor.u32 s1, s0  }
0xbd: {  	s0 =	sadd.s32 $0x8F2B, s0  }
0xbe: {  	[sflag:s0] =	ssyncadd.remote.s32 $0x1  }
0xbf: {  	_ =	sfence.sel $0xFFFF  }
0xc0: {  	[dreg:$0x0] =	wrdreg $0xFFFFFFFF;
	(pc) =	sbr.abs _section_cstart, $3  }
0xc1: {  	[dreg:$0x1] =	wrdreg $0xFFFFFFFF  }
0xc2: {  	_ =	task.clear_ibuf [dreg:s7], $0x2FFFF;
	_ =	strace $0x9FFFFFFF  }
0xc3: {  	(tm) =	ssettm $0x7FFFFFFF  }
tec
execute0_lowered:
.L_overlay_start_1:
0x0: {  	(tag) =	ssettag $0x1  }
0x1: {  	s0 =	rddreg [dreg:$0x0]  }
0x2: {  	s1 =	rddreg [dreg:$0x1]  }
0x3: {  	s3 =	rddreg [dreg:$0x2]  }
0x4: {  	s4 =	simm.s32 $0x0;
	s2 =	srdreg.scid;
	s16 =	stileid.u32  }
0x5: {  	s28 =	simm.s32 $0x1;
	s29 =	simm.s32 $0x7D;
	s6 =	smul.u32 $0x2710, s16  }
0x6: {  	s30 =	simm.s32 $0x480;
	s31 =	simm.s32 $0x80;
	s8 =	smul.u32 $0x4E200, s16  }
0x7: {  	[smem:$0x7FF] =	sst s4;
	s2 =	sand.u32 $0x1, s2;
	s10 =	smul.u32 $0x5000, s16  }
0x8: {  	s5 =	sadd.s32 $0xD0C00, s0;
	s23 =	sshll.u32 s16, $0x6;
	s16 =	smul.u32 $0xA00, s16  }
0x9: {  	s9 =	sadd.s32 $0x16800, s0;
	s11 =	sadd.s32 $0x2A800, s0;
	s7 =	smul.u32 $0x27100, s2  }
0xa: {  	_ =	strace $0x8000004D;
	s20 =	ssub.s32 $0x2, s2;
	s2 =	smul.u32 $0x50000, s2  }
0xb: {  	[dreg:$0x4] =	wrdreg s23;
	s21 =	sshrl.u32 s20, $0x1;
	s22 =	sshrl.u32 s8, $0x2  }
0xc: {  	s8 =	sor.u32 $0x1C04, s23;
	s6 =	sadd.s32 s6, s7;
	s7 =	sadd.s32 s22, s3  }
0xd: {  	s2 =	sadd.s32 s10, s2;
	s10 =	sshrl.u32 s10, $0x3;
	s0 =	sadd.s32 s6, s0  }
0xe: {  	s6 =	ssub.s32 s20, s21;
	s12 =	sadd.s32 $0x3E80, s7;
	s13 =	sadd.s32 $0x7D00, s7  }
0xf: {  	s14 =	sshrl.u32 s2, $0x3;
	s15 =	sadd.s32 $0xBB80, s7;
	[dreg:$0x5] =	wrdreg s7  }
0x10: {  	s24 =	sadd.s32 s11, s10;
	s20 =	sor.u32 $0x280, s2;
	s21 =	sor.u32 $0x200, s2  }
0x11: {  	s2 =	sor.u32 $0x180, s2;
	s17 =	sadd.s32 s9, s14;
	s14 =	sadd.s32 $0xFA00, s7  }
0x12: {  	s26 =	sadd.s32 $0x10, s24;
	[dreg:$0x7] =	wrdreg s24;
	s7 =	sadd.s32 $0x20, s24  }
0x13: {  	s0 =	sadd.s32 $0x82A00, s0;
	s19 =	smax.u32 s6, $0x1;
	[dreg:$0x9] =	wrdreg s26  }
0x14: {  	s6 =	sshrl.u32 s21, $0x3;
	s22 =	sshrl.u32 s2, $0x3;
	[dreg:$0x6] =	wrdreg s17  }
0x15: {  	s23 =	sshrl.u32 s12, $0x3;
	s24 =	sshrl.u32 s13, $0x3;
	[dreg:$0xb] =	wrdreg s7  }
0x16: {  	s2 =	simm.s32 $0x2;
	s25 =	sadd.s32 $0x10, s17;
	[dreg:$0xc] =	wrdreg s0  }
0x17: {  	s18 =	sadd.s32 $0x20, s17;
	[dreg:$0xd] =	wrdreg s19;
	s17 =	sadd.s32 s16, s11  }
0x18: {  	s0 =	sshrl.u32 s20, $0x3;
	s19 =	sadd.s32 s6, s9;
	[dreg:$0xe] =	wrdreg s23  }
.Ltmp0:
0x19: {  	s20 =	sadd.s32 s22, s9;
	[dreg:$0xf] =	wrdreg s24;
	(pc) =	sbr.rel .LBB2_1-.Ltmp0, $4  }
0x1a: {  	s26 =	sshrl.u32 s14, $0x3;
	s6 =	simm.s32 $0x7;
	[dreg:$0x8] =	wrdreg s25  }
0x1b: {  	s11 =	simm.s32 $0x0;
	[dreg:$0xa] =	wrdreg s18;
	s18 =	sadd.s32 s0, s9  }
0x1c: {  	s25 =	sshrl.u32 s15, $0x3;
	[dreg:$0x11] =	wrdreg s26;
	s0 =	simm.s32 $0x100  }
0x1d: {  	s26 =	simm.s32 $0x3;
	[dreg:$0x10] =	wrdreg s25;
	s25 =	simm.s32 $0x4  }
.LBB2_3:
0x1e: {  	s7 =	simm.s32 $0x200  }
0x1f: {  	[spmem:s3] =	stream.indirect.scatter.add.f32 [tilespmem:s30], [sflag:$0x4], $0x80, s7, s29, $0xb8;
	[tilespmem:$0x1F880] =	vst v63  }
0x20: {  	_ =	swait.ge [sflag:s25], $0x3E80  }
0x21: {  	[sflag:s25] =	ssyncset.done $0x0  }
0x22: {  	[sflag:s25] =	ssyncadd.s32 $0xFFFFC180  }
.LBB2_5:
0x23: {  	[bflag:$0x0] =	sbarrier.arrive $0xFFFF  }
0x24: {  	s7 =	rddreg [dreg:$0x4]  }
0x25: {  	s9 =	rddreg [dreg:$0xc];
	s7 =	sor.u32 $0x1C07, s7  }
0x26: {  	[hbm:s9], [sflag:s7] =	dma.local [spmem:s12], $0x2710  }
0x27: {  	_ =	swait.ge [sflag:s6], $0x2710  }
0x28: {  	s11 =	sadd.s32 $0x1, s11;
	s24 =	rddreg [dreg:$0xd]  }
0x29: {  	p0 =	sne.s32 s11, s24  }
.Ltmp1:
0x2a: {  	_ = 	snop;
	(pc) =	sbr.rel @!p0 .LBB2_6-.Ltmp1, $3  }
0x2b: {  	_ =	sdelay $0x1  }
0x2c: {  	[sflag:s6] =	ssyncset.done $0x0  }
0x2d: {  	[sflag:s6] =	ssyncadd.s32 $0xFFFFD8F0  }
.LBB2_1:
0x2e: {  	s7 =	rddreg [dreg:$0x5]  }
0x2f: {  	s12 =	sshrl.u32 s7, $0x3  }
0x30: {  	[spmem:s12], [sflag:s8] =	dma.local [hbm:s1], $0x7D0  }
0x31: {  	s24 =	rddreg [dreg:$0xe]  }
0x32: {  	[spmem:s24], [sflag:s8] =	dma.local [hbm:s1], $0x7D0  }
0x33: {  	s7 =	rddreg [dreg:$0xf]  }
0x34: {  	[spmem:s7], [sflag:s8] =	dma.local [hbm:s1], $0x7D0  }
0x35: {  	s7 =	rddreg [dreg:$0x10]  }
0x36: {  	[spmem:s7], [sflag:s8] =	dma.local [hbm:s1], $0x7D0  }
0x37: {  	s7 =	rddreg [dreg:$0x11]  }
0x38: {  	[spmem:s7], [sflag:s8] =	dma.local [hbm:s1], $0x7D0  }
0x39: {  	_ =	swait.ge [sflag:s25], $0x7D0  }
0x3a: {  	[sflag:s25] =	ssyncset.done $0x0  }
0x3b: {  	[sflag:s25] =	ssyncadd.s32 $0xFFFFF830  }
0x3c: {  	_ =	swait.ge [sflag:s25], $0x7D0  }
0x3d: {  	[sflag:s25] =	ssyncset.done $0x0  }
0x3e: {  	[sflag:s25] =	ssyncadd.s32 $0xFFFFF830  }
0x3f: {  	_ =	swait.ge [sflag:s25], $0x7D0  }
0x40: {  	[sflag:s25] =	ssyncset.done $0x0  }
0x41: {  	[sflag:s25] =	ssyncadd.s32 $0xFFFFF830  }
0x42: {  	_ =	swait.ge [sflag:s25], $0x7D0  }
0x43: {  	[sflag:s25] =	ssyncset.done $0x0  }
0x44: {  	[sflag:s25] =	ssyncadd.s32 $0xFFFFF830  }
0x45: {  	_ =	swait.ge [sflag:s25], $0x7D0  }
0x46: {  	[sflag:s25] =	ssyncset.done $0x0  }
0x47: {  	[sflag:s25] =	ssyncadd.s32 $0xFFFFF830  }
0x48: {  	[bflag:$0x0] =	sbarrier.arrive $0xFFFF  }
0x49: {  	s9 =	rddreg [dreg:$0x6]  }
0x4a: {  	[tilespmem:s4], [sflag:$0x1] =	stream.linear.gather [hbm4b:s9+s4], $0x80, $0x38;
	[tilespmem:$0x1F880] =	vst v63  }
0x4b: {  	s10 =	rddreg [dreg:$0x7];
	s9 =	simm.s32 $0x180  }
0x4c: {  	[tilespmem:s9], [sflag:$0x1] =	stream.linear.gather [hbm4b:s10+s4], $0x80, $0x38;
	[tilespmem:$0x1F880] =	vst v63  }
0x4d: {  	_ =	swait.ge [sflag:s28], $0x80  }
0x4e: {  	[sflag:s28] =	ssyncset.done $0x0  }
0x4f: {  	[sflag:s28] =	ssyncadd.s32 $0xFFFFFF80  }
0x50: {  	_ =	swait.ge [sflag:s28], $0x80  }
0x51: {  	[sflag:s28] =	ssyncset.done $0x0  }
0x52: {  	[sflag:s28] =	ssyncadd.s32 $0xFFFFFF80  }
0x53: {  	[tilespmem:s30], [sflag:$0x1] =	stream.indirect.gather [hbm4b:s5+s29], $0x80, s4, s29, $0xb8;
	[tilespmem:$0x1F880] =	vst v63  }
0x54: {  	s13 =	rddreg [dreg:$0x8]  }
0x55: {  	[tilespmem:s31], [sflag:$0x2] =	stream.linear.gather [hbm4b:s13+s4], $0x80, $0x38;
	[tilespmem:$0x1F880] =	vst v63  }
0x56: {  	s15 =	simm.s32 $0x280;
	s14 =	rddreg [dreg:$0x9]  }
0x57: {  	[tilespmem:s15], [sflag:$0x2] =	stream.linear.gather [hbm4b:s14+s4], $0x80, $0x38;
	[tilespmem:$0x1F880] =	vst v63  }
0x58: {  	_ =	swait.ge [sflag:s2], $0x80  }
0x59: {  	[sflag:s2] =	ssyncset.done $0x0  }
0x5a: {  	[sflag:s2] =	ssyncadd.s32 $0xFFFFFF80  }
0x5b: {  	_ =	swait.ge [sflag:s2], $0x80  }
0x5c: {  	[sflag:s2] =	ssyncset.done $0x0  }
0x5d: {  	s16 =	simm.s32 $0x4300;
	[sflag:s2] =	ssyncadd.s32 $0xFFFFFF80  }
0x5e: {  	[tilespmem:s16], [sflag:$0x2] =	stream.indirect.gather [hbm4b:s5+s29], $0x80, s31, s29, $0xb8;
	[tilespmem:$0x1F880] =	vst v63  }
0x5f: {  	s21 =	rddreg [dreg:$0xa]  }
0x60: {  	[tilespmem:s0], [sflag:$0x3] =	stream.linear.gather [hbm4b:s21+s4], $0x80, $0x38;
	[tilespmem:$0x1F880] =	vst v63  }
0x61: {  	s23 =	simm.s32 $0x380;
	s22 =	rddreg [dreg:$0xb]  }
0x62: {  	[tilespmem:s23], [sflag:$0x3] =	stream.linear.gather [hbm4b:s22+s4], $0x80, $0x38;
	[tilespmem:$0x1F880] =	vst v63  }
0x63: {  	_ =	swait.ge [sflag:s26], $0x80  }
0x64: {  	[sflag:s26] =	ssyncset.done $0x0  }
0x65: {  	[sflag:s26] =	ssyncadd.s32 $0xFFFFFF80  }
0x66: {  	_ =	swait.ge [sflag:s26], $0x80  }
0x67: {  	s24 =	simm.s32 $0x8180;
	s13 =	simm.s32 $0x0;
	[sflag:s26] =	ssyncset.done $0x0  }
0x68: {  	s14 =	simm.s32 $0x0;
	s15 =	simm.s32 $0x0;
	[sflag:s26] =	ssyncadd.s32 $0xFFFFFF80  }
0x69: {  	[tilespmem:s24], [sflag:$0x3] =	stream.indirect.gather [hbm4b:s5+s29], $0x80, s0, s29, $0xb8;
	[tilespmem:$0x1F880] =	vst v63  }
.LBB2_2:
0x6a: {  	p0 =	sne.s32 s13, $0x9F0  }
.Ltmp2:
0x6b: {  	_ = 	snop;
	(pc) =	sbr.rel @!p0 .LBB2_3-.Ltmp2, $4  }
0x6c: {  	_ = 	snop  }
0x6d: {  	_ =	swait.ge [sflag:s28], $0x3E80  }
0x6e: {  	[sflag:s28] =	ssyncset.done $0x0  }
0x6f: {  	[sflag:s28] =	ssyncadd.s32 $0xFFFFC180  }
0x70: {  	s9 =	sadd.s32 s13, s20;
	s23 =	sand.u32 $0x200, s14  }
0x71: {  	[tilespmem:s4], [sflag:$0x1] =	stream.linear.gather [hbm4b:s9+s4], $0x80, $0x38;
	[tilespmem:$0x1F880] =	vst v63  }
0x72: {  	s16 =	sxor.u32 $0x200, s23  }
0x73: {  	s10 =	sadd.s32 s13, s17;
	s16 =	sshrl.u32 s16, $0x2  }
0x74: {  	s10 =	sadd.s32 $0x30, s10;
	s9 =	sshrl.u32 s23, $0x2;
	s7 =	sadd.s32 $0x180, s16  }
0x75: {  	[tilespmem:s7], [sflag:$0x1] =	stream.linear.gather [hbm4b:s10+s4], $0x80, $0x38;
	[tilespmem:$0x1F880] =	vst v63  }
0x76: {  	s24 =	sadd.s32 $0x180, s9  }
0x77: {  	[spmem:s3] =	stream.indirect.scatter.add.f32 [tilespmem:s30], [sflag:$0x4], $0x80, s24, s29, $0xb8;
	[tilespmem:$0x1F880] =	vst v63  }
0x78: {  	_ =	swait.ge [sflag:s25], $0x3E80  }
0x79: {  	[sflag:s25] =	ssyncset.done $0x0  }
0x7a: {  	[sflag:s25] =	ssyncadd.s32 $0xFFFFC180  }
0x7b: {  	_ =	swait.ge [sflag:s28], $0x80  }
0x7c: {  	[sflag:s28] =	ssyncset.done $0x0  }
0x7d: {  	[sflag:s28] =	ssyncadd.s32 $0xFFFFFF80  }
0x7e: {  	_ =	swait.ge [sflag:s28], $0x80  }
0x7f: {  	[sflag:s28] =	ssyncset.done $0x0  }
0x80: {  	[sflag:s28] =	ssyncadd.s32 $0xFFFFFF80  }
0x81: {  	[tilespmem:s30], [sflag:$0x1] =	stream.indirect.gather [hbm4b:s5+s29], $0x80, s4, s29, $0xb8;
	[tilespmem:$0x1F880] =	vst v63  }
0x82: {  	p0 =	sgt.u32 s15, $0x33;
	_ =	swait.ge [sflag:s2], $0x3E80  }
0x83: {  	s21 =	simm.s32 @p0 $0x4300;
	[sflag:s2] =	ssyncset.done $0x0  }
0x84: {  	s7 =	sadd.s32 @p0 $0x280, s9;
	s10 =	simm.s32 @p0 $0x7D;
	[sflag:s2] =	ssyncadd.s32 $0xFFFFC180  }
0x85: {  	[spmem:s3] =	stream.indirect.scatter.add.f32 @p0 [tilespmem:s21], [sflag:$0x5], $0x80, s7, s10, $0xb8;
	[tilespmem:$0x1F880] =	vst v63  }
0x86: {  	s7 =	simm.s32 @p0 $0x5  }
0x87: {  	_ =	swait.ge @p0 [sflag:s7], $0x3E80  }
0x88: {  	[sflag:s7] =	ssyncset.done @p0 $0x0  }
0x89: {  	[sflag:s7] =	ssyncadd.s32 @p0 $0xFFFFC180;
	s7 =	simm.s32 @p0 $0x3  }
0x8a: {  	_ =	swait.ge @p0 [sflag:s7], $0x3E80  }
0x8b: {  	[sflag:s7] =	ssyncset.done @p0 $0x0  }
0x8c: {  	s21 =	simm.s32 @p0 $0x8180;
	[sflag:s7] =	ssyncadd.s32 @p0 $0xFFFFC180;
	s7 =	sadd.s32 @p0 $0x380, s9  }
0x8d: {  	[spmem:s3] =	stream.indirect.scatter.add.f32 @p0 [tilespmem:s21], [sflag:$0x6], $0x80, s7, s10, $0xb8;
	[tilespmem:$0x1F880] =	vst v63  }
0x8e: {  	s7 =	simm.s32 @p0 $0x6  }
0x8f: {  	_ =	swait.ge @p0 [sflag:s7], $0x3E80  }
0x90: {  	s10 =	simm.s32 @!p0 $0x0;
	[sflag:s7] =	ssyncset.done @p0 $0x0  }
0x91: {  	s21 =	simm.s32 @!p0 $0x80;
	[sflag:s7] =	ssyncadd.s32 @p0 $0xFFFFC180;
	s7 =	sadd.s32 @!p0 s13, s19  }
0x92: {  	[tilespmem:s21], [sflag:$0x2] =	stream.linear.gather @!p0 [hbm4b:s7+s10], $0x80, $0x38;
	[tilespmem:$0x1F880] =	vst v63  }
0x93: {  	s7 =	sadd.s32 @!p0 s13, s17  }
0x94: {  	s22 =	sadd.s32 @!p0 $0x280, s16;
	s23 =	sadd.s32 @!p0 $0x40, s7  }
0x95: {  	[tilespmem:s22], [sflag:$0x2] =	stream.linear.gather @!p0 [hbm4b:s23+s10], $0x80, $0x38;
	[tilespmem:$0x1F880] =	vst v63  }
0x96: {  	s24 =	simm.s32 @!p0 $0x4300;
	s22 =	sadd.s32 @!p0 $0x280, s9;
	s23 =	simm.s32 @!p0 $0x7D  }
0x97: {  	[spmem:s3] =	stream.indirect.scatter.add.f32 @!p0 [tilespmem:s24], [sflag:$0x5], $0x80, s22, s23, $0xb8;
	[tilespmem:$0x1F880] =	vst v63  }
0x98: {  	s22 =	simm.s32 @!p0 $0x5  }
0x99: {  	_ =	swait.ge @!p0 [sflag:s22], $0x3E80  }
0x9a: {  	[sflag:s22] =	ssyncset.done @!p0 $0x0  }
0x9b: {  	[sflag:s22] =	ssyncadd.s32 @!p0 $0xFFFFC180;
	s22 =	simm.s32 @!p0 $0x2  }
0x9c: {  	_ =	swait.ge @!p0 [sflag:s22], $0x80  }
0x9d: {  	[sflag:s22] =	ssyncset.done @!p0 $0x0  }
0x9e: {  	[sflag:s22] =	ssyncadd.s32 @!p0 $0xFFFFFF80  }
0x9f: {  	_ =	swait.ge @!p0 [sflag:s22], $0x80  }
0xa0: {  	[sflag:s22] =	ssyncset.done @!p0 $0x0  }
0xa1: {  	[sflag:s22] =	ssyncadd.s32 @!p0 $0xFFFFFF80  }
0xa2: {  	[tilespmem:s24], [sflag:$0x2] =	stream.indirect.gather @!p0 [hbm4b:s5+s23], $0x80, s21, s23, $0xb8;
	[tilespmem:$0x1F880] =	vst v63  }
0xa3: {  	s21 =	simm.s32 @!p0 $0x3  }
0xa4: {  	_ =	swait.ge @!p0 [sflag:s21], $0x3E80  }
0xa5: {  	[sflag:s21] =	ssyncset.done @!p0 $0x0  }
0xa6: {  	s22 =	sadd.s32 @!p0 s13, s18;
	s24 =	simm.s32 @!p0 $0x100;
	[sflag:s21] =	ssyncadd.s32 @!p0 $0xFFFFC180  }
0xa7: {  	[tilespmem:s24], [sflag:$0x3] =	stream.linear.gather @!p0 [hbm4b:s22+s10], $0x80, $0x38;
	[tilespmem:$0x1F880] =	vst v63  }
0xa8: {  	s16 =	sadd.s32 @!p0 $0x380, s16;
	s7 =	sadd.s32 @!p0 $0x50, s7  }
0xa9: {  	[tilespmem:s16], [sflag:$0x3] =	stream.linear.gather @!p0 [hbm4b:s7+s10], $0x80, $0x38;
	[tilespmem:$0x1F880] =	vst v63  }
0xaa: {  	s7 =	sadd.s32 @!p0 $0x380, s9;
	s9 =	simm.s32 @!p0 $0x8180  }
0xab: {  	[spmem:s3] =	stream.indirect.scatter.add.f32 @!p0 [tilespmem:s9], [sflag:$0x6], $0x80, s7, s23, $0xb8;
	[tilespmem:$0x1F880] =	vst v63  }
0xac: {  	s7 =	simm.s32 @!p0 $0x6  }
0xad: {  	_ =	swait.ge @!p0 [sflag:s7], $0x3E80  }
0xae: {  	[sflag:s7] =	ssyncset.done @!p0 $0x0  }
0xaf: {  	[sflag:s7] =	ssyncadd.s32 @!p0 $0xFFFFC180  }
0xb0: {  	_ =	swait.ge @!p0 [sflag:s21], $0x80  }
0xb1: {  	[sflag:s21] =	ssyncset.done @!p0 $0x0  }
0xb2: {  	[sflag:s21] =	ssyncadd.s32 @!p0 $0xFFFFFF80  }
0xb3: {  	_ =	swait.ge @!p0 [sflag:s21], $0x80  }
0xb4: {  	[sflag:s21] =	ssyncset.done @!p0 $0x0  }
0xb5: {  	s13 =	sadd.s32 $0x30, s13;
	[sflag:s21] =	ssyncadd.s32 @!p0 $0xFFFFFF80  }
0xb6: {  	[tilespmem:s9], [sflag:$0x3] =	stream.indirect.gather @!p0 [hbm4b:s5+s23], $0x80, s24, s23, $0xb8;
	[tilespmem:$0x1F880] =	vst v63  }
0xb7: {  	p0 =	sne.s32 s13, $0xA20  }
.Ltmp3:
0xb8: {  	_ = 	snop;
	(pc) =	sbr.rel @p0 .LBB2_2-.Ltmp3, $4  }
.Ltmp4:
0xb9: {  	_ = 	snop;
	(pc) =	sbr.rel @!p0 .LBB2_5-.Ltmp4, $4  }
0xba: {  	_ = 	snop  }
0xbb: {  	_ = 	snop  }
0xbc: {  	s15 =	sadd.s32 $0x1, s15;
	s14 =	sadd.s32 $0x200, s14  }
0xbd: {  	_ = 	snop  }
.LBB2_6:
0xbe: {  	_ =	sfence.sel $0x180000  }
0xbf: {  	[bflag:$0x0] =	sbarrier.arrive $0xFFFF  }
0xc0: {  	_ =	strace $0x9000004D  }
0xc1: {  	s0 =	stileid.u32;
	[bflag:$0x2] =	sbarrier.arrive $0xFFFF  }
0xc2: {  	p0 =	sne.s32 s0, $0x0;
	s0 =	rddreg [dreg:$0x3]  }
0xc3: {  	s0 =	sadd.s32 @!p0 $0x100000, s0  }
0xc4: {  	[sflag:s0] =	ssyncadd.tile.s32 @!p0 $0x1;
	_ =	shalt  }
.Lfunc_end2:
_tile_overlayer_lowered:
.L_overlay_start_2:
0xc5: {  	(tag) =	ssettag $0x2  }
0xc6: {  	s0 =	rddreg [dreg:$0x0];
	s2 =	stileid.u32  }
0xc7: {  	s1 =	rddreg [dreg:$0x1];
	p0 =	sne.s32 s2, $0x0  }
0xc8: {  	s3 =	rddreg [dreg:$0x2];
	[bflag:$0x3] =	sbarrier.arrive $0xFFFF;
	s2 =	simm.s32 @!p0 $0x1C07  }
0xc9: {  	[timem:s3], [sflag:s2] =	dma.local @!p0 [hbm:s0], s1  }
0xca: {  	s0 =	simm.s32 @!p0 $0x7  }
0xcb: {  	_ =	swait.ge @!p0 [sflag:s0], s1  }
0xcc: {  	s1 =	ssub.s32 @!p0 $0x0, s1;
	[sflag:s0] =	ssyncset.done @!p0 $0x0  }
0xcd: {  	[sflag:s0] =	ssyncadd.s32 @!p0 s1  }
0xce: {  	[bflag:$0x3] =	sbarrier.arrive $0xFFFF  }
0xcf: {  	_ =	shalt  }

</sc_bundles>
